<compile_context>
chip_gen: v7x
topology: tpu7x:2x2x1
jax: 0.10.2.dev20260603
libtpu: 0.0.44.dev20260713+nightly
codegen_flags: <defaults>
</compile_context>

<pallas_src>
import functools

import jax
import jax.numpy as jnp
from jax import lax
from jax.experimental import pallas as pl
from jax.experimental.pallas import tpu as pltpu
from jax.experimental.pallas import tpu_sc as plsc

ROWS = 128
COLS = 32768
TOPK = int(0.1 * COLS)
L = 16
NC, NS = 2, 16
NW = NC * NS
ROWS_PER_W = ROWS // NW
SHIFT = 18
NBUCK = 1 << (32 - SHIFT)
BIAS = NBUCK // 2
UNROLL = 8

_MASK31 = 0x7FFFFFFF
_INT_MIN = -(2**31)


def _key16(v):
    i = lax.bitcast_convert_type(v, jnp.int32)
    return i ^ ((i >> 31) & _MASK31)


def _make_sc_kernel():
    mesh = plsc.VectorSubcoreMesh(
        core_axis_name="c", subcore_axis_name="s", num_cores=NC, num_subcores=NS
    )

    @functools.partial(
        pl.kernel,
        out_type=jax.ShapeDtypeStruct((ROWS, COLS), jnp.float32),
        mesh=mesh,
        compiler_params=pltpu.CompilerParams(needs_layout_passes=False),
        scratch_types=[
            pltpu.VMEM((COLS,), jnp.float32),
            pltpu.VMEM((COLS,), jnp.float32),
            pltpu.VMEM((NBUCK,), jnp.int32),
            pltpu.VMEM((COLS + L,), jnp.int32),
            pltpu.SemaphoreType.DMA,
            pltpu.SemaphoreType.DMA,
            pltpu.SemaphoreType.DMA,
            pltpu.SemaphoreType.DMA,
        ],
    )
    def sc_topk_mask(z_hbm, out_hbm, row_a, row_b, hist_v, cand_v,
                     sin_a, sin_b, sout_a, sout_b):
        cid = lax.axis_index("c")
        sid = lax.axis_index("s")
        wid = sid * NC + cid
        row0 = wid * ROWS_PER_W

        iota = lax.iota(jnp.int32, L)
        zeros16 = jnp.zeros((L,), jnp.int32)
        ones16 = jnp.ones((L,), jnp.int32)
        zeros16f = jnp.zeros((L,), jnp.float32)
        incl_cs = jnp.max(plsc.cumsum(ones16)) == L

        def process(buf):
            @plsc.parallel_loop(0, NBUCK // L, unroll=UNROLL)
            def _clr(i):
                hist_v[pl.ds(i * L, L)] = zeros16

            @plsc.parallel_loop(0, COLS // L, unroll=UNROLL,
                                carry=jnp.full((L,), _INT_MIN, jnp.int32))
            def mxv(i, mx):
                key = _key16(buf[pl.ds(i * L, L)])
                b = (key >> SHIFT) + BIAS
                plsc.addupdate_scatter(hist_v, [b], ones16)
                return jnp.maximum(mx, key)

            kmax = jnp.max(mxv)

            vb0 = ((kmax >> SHIFT) + BIAS) // L

            def scond(c):
                vb, acc = c
                s = jnp.sum(hist_v[pl.ds(vb * L, L)])
                return acc + s < TOPK

            def sbody(c):
                vb, acc = c
                s = jnp.sum(hist_v[pl.ds(vb * L, L)])
                return vb - 1, acc + s

            vb, acc = lax.while_loop(scond, sbody, (vb0, jnp.int32(0)))

            h = hist_v[pl.ds(vb * L, L)]
            s = jnp.sum(h)
            cs = plsc.cumsum(h)
            suffix = s - cs + jnp.where(incl_cs, h, zeros16)
            cond = (acc + suffix) >= TOPK
            jB = jnp.max(jnp.where(cond, iota, jnp.int32(-1)))
            q = TOPK - acc - suffix + h
            kprime = jnp.max(jnp.where(iota == jB, q, _INT_MIN))
            B = vb * L + jB

            @plsc.parallel_loop(0, COLS // L, unroll=UNROLL, carry=zeros16)
            def off_v(i, off):
                key = _key16(buf[pl.ds(i * L, L)])
                m = ((key >> SHIFT) + BIAS) == B
                m01 = jnp.where(m, 1, 0)
                cs2 = plsc.cumsum(m01)
                excl = cs2 - jnp.where(incl_cs, m01, zeros16)
                plsc.store_scatter(cand_v, [off + excl], key, mask=m)
                return off + plsc.all_reduce_population_count(m)

            n = jnp.max(off_v)
            nv = (n + L - 1) // L

            prefix = lax.shift_left(B - BIAS, SHIFT)

            def bs(bi, t):
                trial = t | lax.shift_left(jnp.int32(1), SHIFT - 1 - bi)

                def cnt(ci, accv):
                    ck = cand_v[pl.ds(ci * L, L)]
                    valid = (ci * L + iota) < n
                    return accv + jnp.where(valid & (ck >= trial), 1, 0)

                c = jnp.sum(lax.fori_loop(0, nv, cnt, zeros16))
                return jnp.where(c >= kprime, trial, t)

            t = lax.fori_loop(0, SHIFT, bs, prefix)

            tvec = jnp.full((L,), t, jnp.int32)
            tf = lax.bitcast_convert_type(tvec ^ ((tvec >> 31) & _MASK31), jnp.float32)

            @plsc.parallel_loop(0, COLS // L, unroll=UNROLL)
            def _p3(i):
                sl = pl.ds(i * L, L)
                v = buf[sl]
                buf[sl] = jnp.where(v >= tf, v, zeros16f)

        bufs = [row_a, row_b]
        sins = [sin_a, sin_b]
        souts = [sout_a, sout_b]
        cp_in = pltpu.async_copy(z_hbm.at[row0], row_a, sin_a)
        cp_outs = [None] * ROWS_PER_W
        for j in range(ROWS_PER_W):
            buf = bufs[j % 2]
            if j >= 1:
                cp_outs[j - 1].wait()
            if j + 1 < ROWS_PER_W:
                cp_next = pltpu.async_copy(
                    z_hbm.at[row0 + j + 1], bufs[(j + 1) % 2], sins[(j + 1) % 2]
                )
            cp_in.wait()
            process(buf)
            cp_outs[j] = pltpu.async_copy(buf, out_hbm.at[row0 + j], souts[j % 2])
            if j + 1 < ROWS_PER_W:
                cp_in = cp_next
        cp_outs[ROWS_PER_W - 1].wait()

    return sc_topk_mask


_sc_kernel = _make_sc_kernel()


@jax.jit
def kernel(z):
    return _sc_kernel(z)

# --- scband reference (transcript-rebuilt; emitter-appended) ---
"""Pipeline reference for scband-ksparsity-79319456022775 (READ-ONLY COPY).

The authoritative reference and input builder live on the scoring server;
editing this copy changes nothing except your own understanding.
"""

import jax, jax.numpy as jnp
import numpy as np

P = 0.1

def setup_inputs(seed: int = 0) -> dict:
    key = jax.random.key(seed)
    z = jax.random.normal(key, (128, 32768), dtype=jnp.float32)
    return {"z": z}

def reference(z):
    k = int(P * z.shape[-1])
    _, indices = jax.lax.top_k(z, k)
    rows = jnp.arange(z.shape[0])[:, None]
    sparsity_mask = jnp.zeros_like(z).at[rows, indices].set(1.0)
    return z * sparsity_mask

if __name__ == "__main__":
    import jax
    _d = setup_inputs()
    print(jax.jit(kernel)(*tuple(_d.values())))

</pallas_src>

<mosaic_0001>
#map = affine_map<(d0, d1) -> (0, 0)>
module attributes {stable_mosaic.version = 14 : i64} {
  func.func @sc_topk_mask(%arg0: i32, %arg1: i32, %arg2: memref<128x32768xf32, #tpu.memory_space<hbm>>, %arg3: memref<128x32768xf32, #tpu.memory_space<hbm>>, %arg4: memref<32768xf32, #tpu.memory_space<vmem>>, %arg5: memref<32768xf32, #tpu.memory_space<vmem>>, %arg6: memref<16384xi32, #tpu.memory_space<vmem>>, %arg7: memref<32784xi32, #tpu.memory_space<vmem>>, %arg8: memref<!tpu.dma_semaphore, #tpu.memory_space<semaphore_mem>>, %arg9: memref<!tpu.dma_semaphore, #tpu.memory_space<semaphore_mem>>, %arg10: memref<!tpu.dma_semaphore, #tpu.memory_space<semaphore_mem>>, %arg11: memref<!tpu.dma_semaphore, #tpu.memory_space<semaphore_mem>>) attributes {dimension_semantics = [#tpu.dimension_semantics<core_parallel>, #tpu.dimension_semantics<subcore_parallel>], iteration_bounds = array<i64: 2, 16>, scalar_prefetch = 0 : i64, scratch_operands = 8 : i64, tpu.core_type = #tpu.core_type<sc_vector_subcore>, window_params = [{transform_indices = #map}, {transform_indices = #map}]} {
    %mul3A = arith.constant 2 : i32
    %mul3A_0 = arith.muli %arg1, %mul3A : i32
    %add3A = arith.addi %mul3A_0, %arg0 : i32
    %mul3A_1 = arith.constant 4 : i32
    %mul3A_2 = arith.muli %add3A, %mul3A_1 : i32
    %iota3A = tpu.iota {dimensions = array<i32: 0>} : vector<16xi32>
    %broadcast_in_dim3A = arith.constant 0 : i32
    %broadcast_in_dim3A_3 = vector.broadcast %broadcast_in_dim3A : i32 to vector<16xi32>
    %broadcast_in_dim3A_4 = arith.constant 1 : i32
    %broadcast_in_dim3A_5 = vector.broadcast %broadcast_in_dim3A_4 : i32 to vector<16xi32>
    %broadcast_in_dim3A_6 = arith.constant 0.000000e+00 : f32
    %broadcast_in_dim3A_7 = vector.broadcast %broadcast_in_dim3A_6 : f32 to vector<16xf32>
    %broadcast_in_dim3A_8 = arith.constant true
    %broadcast_in_dim3A_9 = vector.broadcast %broadcast_in_dim3A_8 : i1 to vector<16xi1>
    %masked_cumsum3A = tpu.scan <sum>, %broadcast_in_dim3A_5 masked %broadcast_in_dim3A_9 : vector<16xi32>, vector<16xi1> -> vector<16xi32>
    %reduce_max3A = arith.constant true
    %reduce_max3A_10 = vector.broadcast %reduce_max3A : i1 to vector<16xi1>
    %reduce_max3A_11 = arith.constant -2147483648 : i32
    %reduce_max3A_12 = vector.broadcast %reduce_max3A_11 : i32 to vector<16xi32>
    %reduce_max3A_13 = arith.xori %masked_cumsum3A, %reduce_max3A_12 : vector<16xi32>
    %reduce_max3A_14 = tpu.scan <max>, %reduce_max3A_13 masked %reduce_max3A_10 : vector<16xi32>, vector<16xi1> -> vector<16xi32>
    %reduce_max3A_15 = arith.xori %reduce_max3A_14, %reduce_max3A_12 : vector<16xi32>
    %reduce_max3A_16 = vector.extract %reduce_max3A_15[15] : i32 from vector<16xi32>
    %eq3A = arith.constant 16 : i32
    %eq3A_17 = arith.cmpi eq, %reduce_max3A_16, %eq3A : i32
    %dma_start3A = arith.constant 0 : i32
    %dma_start3A_18 = tpu.memref_slice %arg2[%mul3A_2, %dma_start3A] : memref<128x32768xf32, #tpu.memory_space<hbm>> -> memref<1x32768xf32, #tpu.memory_space<hbm>>
    %dma_start3A_19 = tpu.memref_squeeze %dma_start3A_18 : memref<1x32768xf32, #tpu.memory_space<hbm>> -> memref<32768xf32, #tpu.memory_space<hbm>>
    %dma_start3A_20 = arith.constant 0 : i32
    %dma_start3A_21 = tpu.memref_slice %arg2[%mul3A_2, %dma_start3A_20] : memref<128x32768xf32, #tpu.memory_space<hbm>> -> memref<1x32768xf32, #tpu.memory_space<hbm>>
    %dma_start3A_22 = tpu.memref_squeeze %dma_start3A_21 : memref<1x32768xf32, #tpu.memory_space<hbm>> -> memref<32768xf32, #tpu.memory_space<hbm>>
    tpu.enqueue_dma source(%dma_start3A_22 : memref<32768xf32, #tpu.memory_space<hbm>>) target(%arg4 : memref<32768xf32, #tpu.memory_space<vmem>>) target_semaphore(%arg8 : memref<!tpu.dma_semaphore, #tpu.memory_space<semaphore_mem>>)
    %add3A_23 = arith.constant 0 : i32
    %add3A_24 = arith.addi %mul3A_2, %add3A_23 : i32
    %add3A_25 = arith.constant 1 : i32
    %add3A_26 = arith.addi %add3A_24, %add3A_25 : i32
    %dma_start3A_27 = arith.constant 0 : i32
    %dma_start3A_28 = tpu.memref_slice %arg2[%add3A_26, %dma_start3A_27] : memref<128x32768xf32, #tpu.memory_space<hbm>> -> memref<1x32768xf32, #tpu.memory_space<hbm>>
    %dma_start3A_29 = tpu.memref_squeeze %dma_start3A_28 : memref<1x32768xf32, #tpu.memory_space<hbm>> -> memref<32768xf32, #tpu.memory_space<hbm>>
    %dma_start3A_30 = arith.constant 0 : i32
    %dma_start3A_31 = tpu.memref_slice %arg2[%add3A_26, %dma_start3A_30] : memref<128x32768xf32, #tpu.memory_space<hbm>> -> memref<1x32768xf32, #tpu.memory_space<hbm>>
    %dma_start3A_32 = tpu.memref_squeeze %dma_start3A_31 : memref<1x32768xf32, #tpu.memory_space<hbm>> -> memref<32768xf32, #tpu.memory_space<hbm>>
    tpu.enqueue_dma source(%dma_start3A_32 : memref<32768xf32, #tpu.memory_space<hbm>>) target(%arg5 : memref<32768xf32, #tpu.memory_space<vmem>>) target_semaphore(%arg9 : memref<!tpu.dma_semaphore, #tpu.memory_space<semaphore_mem>>)
    %dma_wait3A = arith.constant 0 : i32
    %dma_wait3A_33 = tpu.memref_slice %arg2[%mul3A_2, %dma_wait3A] : memref<128x32768xf32, #tpu.memory_space<hbm>> -> memref<1x32768xf32, #tpu.memory_space<hbm>>
    %dma_wait3A_34 = tpu.memref_squeeze %dma_wait3A_33 : memref<1x32768xf32, #tpu.memory_space<hbm>> -> memref<32768xf32, #tpu.memory_space<hbm>>
    %dma_wait3A_35 = arith.constant 0 : i32
    %dma_wait3A_36 = tpu.memref_slice %arg2[%mul3A_2, %dma_wait3A_35] : memref<128x32768xf32, #tpu.memory_space<hbm>> -> memref<1x32768xf32, #tpu.memory_space<hbm>>
    %dma_wait3A_37 = tpu.memref_squeeze %dma_wait3A_36 : memref<1x32768xf32, #tpu.memory_space<hbm>> -> memref<32768xf32, #tpu.memory_space<hbm>>
    tpu.wait_dma2 semaphore(%arg8 : memref<!tpu.dma_semaphore, #tpu.memory_space<semaphore_mem>>) src(%dma_wait3A_37 : memref<32768xf32, #tpu.memory_space<hbm>>) dst(%arg4 : memref<32768xf32, #tpu.memory_space<vmem>>)
    %parallel_loop3A = arith.constant 0 : i32
    %parallel_loop3A_38 = arith.constant 1024 : i32
    %parallel_loop3A_39 = arith.constant 1 : i32
    scf.for %parallel_loop3A_758 = %parallel_loop3A to %parallel_loop3A_38 step %parallel_loop3A_39  : i32 {
      %parallel_loop3A_759 = arith.constant 16 : i32
      %parallel_loop3A_760 = arith.muli %parallel_loop3A_758, %parallel_loop3A_759 : i32
      %parallel_loop3A_761 = arith.index_cast %parallel_loop3A_760 : i32 to index
      %parallel_loop3A_762 = tpu.vector_load %arg6[%parallel_loop3A_761] {strides = array<i32>} : memref<16384xi32, #tpu.memory_space<vmem>>, vector<16xi32>,
      tpu.vector_store %arg6[%parallel_loop3A_761], %broadcast_in_dim3A_3 {strides = array<i32>} : memref<16384xi32, #tpu.memory_space<vmem>>, vector<16xi32>,
    } {sc.loop_unroll_factor = 8 : i64, sc.parallel_access}
    %broadcast_in_dim3A_40 = arith.constant -2147483648 : i32
    %broadcast_in_dim3A_41 = vector.broadcast %broadcast_in_dim3A_40 : i32 to vector<16xi32>
    %parallel_loop3A_42 = arith.constant 0 : i32
    %parallel_loop3A_43 = arith.constant 2048 : i32
    %parallel_loop3A_44 = arith.constant 1 : i32
    %parallel_loop3A_45 = scf.for %parallel_loop3A_758 = %parallel_loop3A_42 to %parallel_loop3A_43 step %parallel_loop3A_44 iter_args(%parallel_loop3A_759 = %broadcast_in_dim3A_41) -> (vector<16xi32>)  : i32 {
      %parallel_loop3A_760 = arith.constant 16 : i32
      %parallel_loop3A_761 = arith.muli %parallel_loop3A_758, %parallel_loop3A_760 : i32
      %parallel_loop3A_762 = arith.index_cast %parallel_loop3A_761 : i32 to index
      %parallel_loop3A_763 = tpu.vector_load %arg4[%parallel_loop3A_762] {strides = array<i32>} : memref<32768xf32, #tpu.memory_space<vmem>>, vector<16xf32>,
      %parallel_loop3A_764 = tpu.bitcast %parallel_loop3A_763 : vector<16xf32> -> vector<16xi32>
      %parallel_loop3A_765 = arith.constant 31 : i32
      %parallel_loop3A_766 = vector.broadcast %parallel_loop3A_765 : i32 to vector<16xi32>
      %parallel_loop3A_767 = arith.shrsi %parallel_loop3A_764, %parallel_loop3A_766 : vector<16xi32>
      %parallel_loop3A_768 = arith.constant 2147483647 : i32
      %parallel_loop3A_769 = vector.broadcast %parallel_loop3A_768 : i32 to vector<16xi32>
      %parallel_loop3A_770 = arith.andi %parallel_loop3A_767, %parallel_loop3A_769 : vector<16xi32>
      %parallel_loop3A_771 = arith.xori %parallel_loop3A_764, %parallel_loop3A_770 : vector<16xi32>
      %parallel_loop3A_772 = arith.constant 18 : i32
      %parallel_loop3A_773 = vector.broadcast %parallel_loop3A_772 : i32 to vector<16xi32>
      %parallel_loop3A_774 = arith.shrsi %parallel_loop3A_771, %parallel_loop3A_773 : vector<16xi32>
      %parallel_loop3A_775 = arith.constant 8192 : i32
      %parallel_loop3A_776 = vector.broadcast %parallel_loop3A_775 : i32 to vector<16xi32>
      %parallel_loop3A_777 = arith.addi %parallel_loop3A_774, %parallel_loop3A_776 : vector<16xi32>
      tpu.vector_store_idx %arg6[%parallel_loop3A_777], %broadcast_in_dim3A_5 {add = true} : memref<16384xi32, #tpu.memory_space<vmem>>[vector<16xi32>], vector<16xi32>,
      %parallel_loop3A_778 = arith.maxsi %parallel_loop3A_759, %parallel_loop3A_771 : vector<16xi32>
      scf.yield %parallel_loop3A_778 : vector<16xi32>
    } {sc.loop_unroll_factor = 8 : i64, sc.parallel_access}
    %reduce_max3A_46 = arith.constant true
    %reduce_max3A_47 = vector.broadcast %reduce_max3A_46 : i1 to vector<16xi1>
    %reduce_max3A_48 = arith.constant -2147483648 : i32
    %reduce_max3A_49 = vector.broadcast %reduce_max3A_48 : i32 to vector<16xi32>
    %reduce_max3A_50 = arith.xori %parallel_loop3A_45, %reduce_max3A_49 : vector<16xi32>
    %reduce_max3A_51 = tpu.scan <max>, %reduce_max3A_50 masked %reduce_max3A_47 : vector<16xi32>, vector<16xi1> -> vector<16xi32>
    %reduce_max3A_52 = arith.xori %reduce_max3A_51, %reduce_max3A_49 : vector<16xi32>
    %reduce_max3A_53 = vector.extract %reduce_max3A_52[15] : i32 from vector<16xi32>
    %shift_right_arithmetic3A = arith.constant 18 : i32
    %shift_right_arithmetic3A_54 = arith.shrsi %reduce_max3A_53, %shift_right_arithmetic3A : i32
    %add3A_55 = arith.constant 8192 : i32
    %add3A_56 = arith.addi %shift_right_arithmetic3A_54, %add3A_55 : i32
    %jit3A = arith.constant 16 : i32
    %div3A = arith.divsi %add3A_56, %jit3A : i32
    %sign3A = arith.constant 0 : i32
    %sign3A_57 = arith.cmpi sgt, %add3A_56, %sign3A : i32
    %sign3A_58 = arith.extui %sign3A_57 : i1 to i32
    %sign3A_59 = arith.constant 0 : i32
    %sign3A_60 = arith.cmpi slt, %add3A_56, %sign3A_59 : i32
    %sign3A_61 = arith.extui %sign3A_60 : i1 to i32
    %sign3A_62 = arith.subi %sign3A_58, %sign3A_61 : i32
    %sign3A_63 = arith.constant 0 : i32
    %sign3A_64 = arith.cmpi sgt, %jit3A, %sign3A_63 : i32
    %sign3A_65 = arith.extui %sign3A_64 : i1 to i32
    %sign3A_66 = arith.constant 0 : i32
    %sign3A_67 = arith.cmpi slt, %jit3A, %sign3A_66 : i32
    %sign3A_68 = arith.extui %sign3A_67 : i1 to i32
    %sign3A_69 = arith.subi %sign3A_65, %sign3A_68 : i32
    %ne3A = arith.cmpi ne, %sign3A_62, %sign3A_69 : i32
    %rem3A = arith.remsi %add3A_56, %jit3A : i32
    %ne3A_70 = arith.constant 0 : i32
    %ne3A_71 = arith.cmpi ne, %rem3A, %ne3A_70 : i32
    %and3A = arith.andi %ne3A, %ne3A_71 : i1
    %sub3A = arith.constant 1 : i32
    %sub3A_72 = arith.subi %div3A, %sub3A : i32
    %select_n3A = arith.select %and3A, %sub3A_72, %div3A : i32
    %while3A = arith.constant 0 : i32
    %while3A_73:2 = scf.while (%while3A_758 = %select_n3A, %while3A_759 = %while3A) : (i32, i32) -> (i32, i32) {
      %mul3A_760 = arith.constant 16 : i32
      %mul3A_761 = arith.muli %while3A_758, %mul3A_760 : i32
      %get3A_762 = arith.index_cast %mul3A_761 : i32 to index
      %get3A_763 = tpu.vector_load %arg6[%get3A_762] {strides = array<i32>} : memref<16384xi32, #tpu.memory_space<vmem>>, vector<16xi32>,
      %reduce_sum3A_764 = arith.constant true
      %reduce_sum3A_765 = vector.broadcast %reduce_sum3A_764 : i1 to vector<16xi1>
      %reduce_sum3A_766 = tpu.scan <sum>, %get3A_763 masked %reduce_sum3A_765 : vector<16xi32>, vector<16xi1> -> vector<16xi32>
      %reduce_sum3A_767 = vector.extract %reduce_sum3A_766[15] : i32 from vector<16xi32>
      %add3A_768 = arith.addi %while3A_759, %reduce_sum3A_767 : i32
      %lt3A = arith.constant 3276 : i32
      %lt3A_769 = arith.cmpi slt, %add3A_768, %lt3A : i32
      scf.condition(%lt3A_769) %while3A_758, %while3A_759 : i32, i32
    } do {
    ^bb0(%while3A_758: i32, %while3A_759: i32):
      %mul3A_760 = arith.constant 16 : i32
      %mul3A_761 = arith.muli %while3A_758, %mul3A_760 : i32
      %get3A_762 = arith.index_cast %mul3A_761 : i32 to index
      %get3A_763 = tpu.vector_load %arg6[%get3A_762] {strides = array<i32>} : memref<16384xi32, #tpu.memory_space<vmem>>, vector<16xi32>,
      %reduce_sum3A_764 = arith.constant true
      %reduce_sum3A_765 = vector.broadcast %reduce_sum3A_764 : i1 to vector<16xi1>
      %reduce_sum3A_766 = tpu.scan <sum>, %get3A_763 masked %reduce_sum3A_765 : vector<16xi32>, vector<16xi1> -> vector<16xi32>
      %reduce_sum3A_767 = vector.extract %reduce_sum3A_766[15] : i32 from vector<16xi32>
      %sub3A_768 = arith.constant 1 : i32
      %sub3A_769 = arith.subi %while3A_758, %sub3A_768 : i32
      %add3A_770 = arith.addi %while3A_759, %reduce_sum3A_767 : i32
      scf.yield %sub3A_769, %add3A_770 : i32, i32
    }
    %mul3A_74 = arith.constant 16 : i32
    %mul3A_75 = arith.muli %while3A_73#0, %mul3A_74 : i32
    %get3A = arith.index_cast %mul3A_75 : i32 to index
    %get3A_76 = tpu.vector_load %arg6[%get3A] {strides = array<i32>} : memref<16384xi32, #tpu.memory_space<vmem>>, vector<16xi32>,
    %reduce_sum3A = arith.constant true
    %reduce_sum3A_77 = vector.broadcast %reduce_sum3A : i1 to vector<16xi1>
    %reduce_sum3A_78 = tpu.scan <sum>, %get3A_76 masked %reduce_sum3A_77 : vector<16xi32>, vector<16xi1> -> vector<16xi32>
    %reduce_sum3A_79 = vector.extract %reduce_sum3A_78[15] : i32 from vector<16xi32>
    %broadcast_in_dim3A_80 = arith.constant true
    %broadcast_in_dim3A_81 = vector.broadcast %broadcast_in_dim3A_80 : i1 to vector<16xi1>
    %masked_cumsum3A_82 = tpu.scan <sum>, %get3A_76 masked %broadcast_in_dim3A_81 : vector<16xi32>, vector<16xi1> -> vector<16xi32>
    %sub3A_83 = vector.broadcast %reduce_sum3A_79 : i32 to vector<16xi32>
    %sub3A_84 = arith.subi %sub3A_83, %masked_cumsum3A_82 : vector<16xi32>
    %select_n3A_85 = arith.select %eq3A_17, %get3A_76, %broadcast_in_dim3A_3 : vector<16xi32>
    %add3A_86 = arith.addi %sub3A_84, %select_n3A_85 : vector<16xi32>
    %add3A_87 = vector.broadcast %while3A_73#1 : i32 to vector<16xi32>
    %add3A_88 = arith.addi %add3A_87, %add3A_86 : vector<16xi32>
    %ge3A = arith.constant 3276 : i32
    %ge3A_89 = vector.broadcast %ge3A : i32 to vector<16xi32>
    %ge3A_90 = arith.cmpi sge, %add3A_88, %ge3A_89 : vector<16xi32>
    %jit3A_91 = arith.constant -1 : i32
    %broadcast_in_dim3A_92 = vector.broadcast %jit3A_91 : i32 to vector<16xi32>
    %select_n3A_93 = arith.select %ge3A_90, %iota3A, %broadcast_in_dim3A_92 : vector<16xi1>, vector<16xi32>
    %reduce_max3A_94 = arith.constant true
    %reduce_max3A_95 = vector.broadcast %reduce_max3A_94 : i1 to vector<16xi1>
    %reduce_max3A_96 = arith.constant -2147483648 : i32
    %reduce_max3A_97 = vector.broadcast %reduce_max3A_96 : i32 to vector<16xi32>
    %reduce_max3A_98 = arith.xori %select_n3A_93, %reduce_max3A_97 : vector<16xi32>
    %reduce_max3A_99 = tpu.scan <max>, %reduce_max3A_98 masked %reduce_max3A_95 : vector<16xi32>, vector<16xi1> -> vector<16xi32>
    %reduce_max3A_100 = arith.xori %reduce_max3A_99, %reduce_max3A_97 : vector<16xi32>
    %reduce_max3A_101 = vector.extract %reduce_max3A_100[15] : i32 from vector<16xi32>
    %sub3A_102 = arith.constant 3276 : i32
    %sub3A_103 = arith.subi %sub3A_102, %while3A_73#1 : i32
    %sub3A_104 = vector.broadcast %sub3A_103 : i32 to vector<16xi32>
    %sub3A_105 = arith.subi %sub3A_104, %add3A_86 : vector<16xi32>
    %add3A_106 = arith.addi %sub3A_105, %get3A_76 : vector<16xi32>
    %eq3A_107 = vector.broadcast %reduce_max3A_101 : i32 to vector<16xi32>
    %eq3A_108 = arith.cmpi eq, %iota3A, %eq3A_107 : vector<16xi32>
    %jit3A_109 = arith.constant -2147483648 : i32
    %broadcast_in_dim3A_110 = vector.broadcast %jit3A_109 : i32 to vector<16xi32>
    %select_n3A_111 = arith.select %eq3A_108, %add3A_106, %broadcast_in_dim3A_110 : vector<16xi1>, vector<16xi32>
    %reduce_max3A_112 = arith.constant true
    %reduce_max3A_113 = vector.broadcast %reduce_max3A_112 : i1 to vector<16xi1>
    %reduce_max3A_114 = arith.constant -2147483648 : i32
    %reduce_max3A_115 = vector.broadcast %reduce_max3A_114 : i32 to vector<16xi32>
    %reduce_max3A_116 = arith.xori %select_n3A_111, %reduce_max3A_115 : vector<16xi32>
    %reduce_max3A_117 = tpu.scan <max>, %reduce_max3A_116 masked %reduce_max3A_113 : vector<16xi32>, vector<16xi1> -> vector<16xi32>
    %reduce_max3A_118 = arith.xori %reduce_max3A_117, %reduce_max3A_115 : vector<16xi32>
    %reduce_max3A_119 = vector.extract %reduce_max3A_118[15] : i32 from vector<16xi32>
    %mul3A_120 = arith.constant 16 : i32
    %mul3A_121 = arith.muli %while3A_73#0, %mul3A_120 : i32
    %add3A_122 = arith.addi %mul3A_121, %reduce_max3A_101 : i32
    %parallel_loop3A_123 = arith.constant 0 : i32
    %parallel_loop3A_124 = arith.constant 2048 : i32
    %parallel_loop3A_125 = arith.constant 1 : i32
    %parallel_loop3A_126 = scf.for %parallel_loop3A_758 = %parallel_loop3A_123 to %parallel_loop3A_124 step %parallel_loop3A_125 iter_args(%parallel_loop3A_759 = %broadcast_in_dim3A_3) -> (vector<16xi32>)  : i32 {
      %parallel_loop3A_760 = arith.constant 16 : i32
      %parallel_loop3A_761 = arith.muli %parallel_loop3A_758, %parallel_loop3A_760 : i32
      %parallel_loop3A_762 = arith.index_cast %parallel_loop3A_761 : i32 to index
      %parallel_loop3A_763 = tpu.vector_load %arg4[%parallel_loop3A_762] {strides = array<i32>} : memref<32768xf32, #tpu.memory_space<vmem>>, vector<16xf32>,
      %parallel_loop3A_764 = tpu.bitcast %parallel_loop3A_763 : vector<16xf32> -> vector<16xi32>
      %parallel_loop3A_765 = arith.constant 31 : i32
      %parallel_loop3A_766 = vector.broadcast %parallel_loop3A_765 : i32 to vector<16xi32>
      %parallel_loop3A_767 = arith.shrsi %parallel_loop3A_764, %parallel_loop3A_766 : vector<16xi32>
      %parallel_loop3A_768 = arith.constant 2147483647 : i32
      %parallel_loop3A_769 = vector.broadcast %parallel_loop3A_768 : i32 to vector<16xi32>
      %parallel_loop3A_770 = arith.andi %parallel_loop3A_767, %parallel_loop3A_769 : vector<16xi32>
      %parallel_loop3A_771 = arith.xori %parallel_loop3A_764, %parallel_loop3A_770 : vector<16xi32>
      %parallel_loop3A_772 = arith.constant 18 : i32
      %parallel_loop3A_773 = vector.broadcast %parallel_loop3A_772 : i32 to vector<16xi32>
      %parallel_loop3A_774 = arith.shrsi %parallel_loop3A_771, %parallel_loop3A_773 : vector<16xi32>
      %parallel_loop3A_775 = arith.constant 8192 : i32
      %parallel_loop3A_776 = vector.broadcast %parallel_loop3A_775 : i32 to vector<16xi32>
      %parallel_loop3A_777 = arith.addi %parallel_loop3A_774, %parallel_loop3A_776 : vector<16xi32>
      %parallel_loop3A_778 = vector.broadcast %add3A_122 : i32 to vector<16xi32>
      %parallel_loop3A_779 = arith.cmpi eq, %parallel_loop3A_777, %parallel_loop3A_778 : vector<16xi32>
      %parallel_loop3A_780 = arith.constant 1 : i32
      %parallel_loop3A_781 = arith.constant 0 : i32
      %parallel_loop3A_782 = vector.broadcast %parallel_loop3A_780 : i32 to vector<16xi32>
      %parallel_loop3A_783 = vector.broadcast %parallel_loop3A_781 : i32 to vector<16xi32>
      %parallel_loop3A_784 = arith.select %parallel_loop3A_779, %parallel_loop3A_782, %parallel_loop3A_783 : vector<16xi1>, vector<16xi32>
      %parallel_loop3A_785 = arith.constant true
      %parallel_loop3A_786 = vector.broadcast %parallel_loop3A_785 : i1 to vector<16xi1>
      %parallel_loop3A_787 = tpu.scan <sum>, %parallel_loop3A_784 masked %parallel_loop3A_786 : vector<16xi32>, vector<16xi1> -> vector<16xi32>
      %parallel_loop3A_788 = arith.select %eq3A_17, %parallel_loop3A_784, %broadcast_in_dim3A_3 : vector<16xi32>
      %parallel_loop3A_789 = arith.subi %parallel_loop3A_787, %parallel_loop3A_788 : vector<16xi32>
      %parallel_loop3A_790 = arith.addi %parallel_loop3A_759, %parallel_loop3A_789 : vector<16xi32>
      tpu.vector_store_idx %arg7[%parallel_loop3A_790], %parallel_loop3A_771 masked %parallel_loop3A_779 : memref<32784xi32, #tpu.memory_space<vmem>>[vector<16xi32>], vector<16xi32>, vector<16xi1>
      %parallel_loop3A_791 = tpu.all_reduce %parallel_loop3A_779 {dim = 0 : i64, kind = #tpu.reduction_kind<sum>} : vector<16xi1> -> vector<16xi32>
      %parallel_loop3A_792 = arith.addi %parallel_loop3A_759, %parallel_loop3A_791 : vector<16xi32>
      scf.yield %parallel_loop3A_792 : vector<16xi32>
    } {sc.loop_unroll_factor = 8 : i64, sc.parallel_access}
    %reduce_max3A_127 = arith.constant true
    %reduce_max3A_128 = vector.broadcast %reduce_max3A_127 : i1 to vector<16xi1>
    %reduce_max3A_129 = arith.constant -2147483648 : i32
    %reduce_max3A_130 = vector.broadcast %reduce_max3A_129 : i32 to vector<16xi32>
    %reduce_max3A_131 = arith.xori %parallel_loop3A_126, %reduce_max3A_130 : vector<16xi32>
    %reduce_max3A_132 = tpu.scan <max>, %reduce_max3A_131 masked %reduce_max3A_128 : vector<16xi32>, vector<16xi1> -> vector<16xi32>
    %reduce_max3A_133 = arith.xori %reduce_max3A_132, %reduce_max3A_130 : vector<16xi32>
    %reduce_max3A_134 = vector.extract %reduce_max3A_133[15] : i32 from vector<16xi32>
    %add3A_135 = arith.constant 16 : i32
    %add3A_136 = arith.addi %reduce_max3A_134, %add3A_135 : i32
    %sub3A_137 = arith.constant 1 : i32
    %sub3A_138 = arith.subi %add3A_136, %sub3A_137 : i32
    %jit3A_139 = arith.constant 16 : i32
    %div3A_140 = arith.divsi %sub3A_138, %jit3A_139 : i32
    %sign3A_141 = arith.constant 0 : i32
    %sign3A_142 = arith.cmpi sgt, %sub3A_138, %sign3A_141 : i32
    %sign3A_143 = arith.extui %sign3A_142 : i1 to i32
    %sign3A_144 = arith.constant 0 : i32
    %sign3A_145 = arith.cmpi slt, %sub3A_138, %sign3A_144 : i32
    %sign3A_146 = arith.extui %sign3A_145 : i1 to i32
    %sign3A_147 = arith.subi %sign3A_143, %sign3A_146 : i32
    %sign3A_148 = arith.constant 0 : i32
    %sign3A_149 = arith.cmpi sgt, %jit3A_139, %sign3A_148 : i32
    %sign3A_150 = arith.extui %sign3A_149 : i1 to i32
    %sign3A_151 = arith.constant 0 : i32
    %sign3A_152 = arith.cmpi slt, %jit3A_139, %sign3A_151 : i32
    %sign3A_153 = arith.extui %sign3A_152 : i1 to i32
    %sign3A_154 = arith.subi %sign3A_150, %sign3A_153 : i32
    %ne3A_155 = arith.cmpi ne, %sign3A_147, %sign3A_154 : i32
    %rem3A_156 = arith.remsi %sub3A_138, %jit3A_139 : i32
    %ne3A_157 = arith.constant 0 : i32
    %ne3A_158 = arith.cmpi ne, %rem3A_156, %ne3A_157 : i32
    %and3A_159 = arith.andi %ne3A_155, %ne3A_158 : i1
    %sub3A_160 = arith.constant 1 : i32
    %sub3A_161 = arith.subi %div3A_140, %sub3A_160 : i32
    %select_n3A_162 = arith.select %and3A_159, %sub3A_161, %div3A_140 : i32
    %sub3A_163 = arith.constant 8192 : i32
    %sub3A_164 = arith.subi %add3A_122, %sub3A_163 : i32
    %shift_left3A = arith.constant 18 : i32
    %shift_left3A_165 = arith.shli %sub3A_164, %shift_left3A : i32
    %scan3A = arith.constant 0 : i32
    %scan3A_166 = arith.constant 18 : i32
    %scan3A_167 = arith.addi %scan3A, %scan3A_166 : i32
    %scan3A_168 = arith.constant 1 : i32
    %scan3A_169 = scf.for %scan3A_758 = %scan3A to %scan3A_167 step %scan3A_168 iter_args(%scan3A_759 = %shift_left3A_165) -> (i32)  : i32 {
      %sub3A_760 = arith.constant 17 : i32
      %sub3A_761 = arith.subi %sub3A_760, %scan3A_758 : i32
      %shift_left3A_762 = arith.constant 1 : i32
      %shift_left3A_763 = arith.shli %shift_left3A_762, %sub3A_761 : i32
      %or3A = arith.ori %scan3A_759, %shift_left3A_763 : i32
      %while3A_764 = arith.constant 0 : i32
      %while3A_765 = arith.subi %select_n3A_162, %while3A_764 : i32
      %while3A_766 = arith.addi %while3A_764, %while3A_765 : i32
      %while3A_767 = arith.constant 1 : i32
      %while3A_768 = arith.divsi %while3A_765, %while3A_767 : i32
      %while3A_769 = arith.muli %while3A_768, %while3A_767 : i32
      %while3A_770 = arith.addi %while3A_764, %while3A_769 : i32
      %while3A_771 = arith.constant 1 : i32
      %while3A_772 = scf.for %while3A_781 = %while3A_764 to %while3A_770 step %while3A_771 iter_args(%while3A_782 = %broadcast_in_dim3A_3) -> (vector<16xi32>)  : i32 {
        %mul3A_783 = arith.constant 16 : i32
        %mul3A_784 = arith.muli %while3A_781, %mul3A_783 : i32
        %get3A_785 = arith.index_cast %mul3A_784 : i32 to index
        %get3A_786 = tpu.vector_load %arg7[%get3A_785] {strides = array<i32>} : memref<32784xi32, #tpu.memory_space<vmem>>, vector<16xi32>,
        %mul3A_787 = arith.constant 16 : i32
        %mul3A_788 = arith.muli %while3A_781, %mul3A_787 : i32
        %add3A_789 = vector.broadcast %mul3A_788 : i32 to vector<16xi32>
        %add3A_790 = arith.addi %add3A_789, %iota3A : vector<16xi32>
        %lt3A = vector.broadcast %reduce_max3A_134 : i32 to vector<16xi32>
        %lt3A_791 = arith.cmpi slt, %add3A_790, %lt3A : vector<16xi32>
        %ge3A_792 = vector.broadcast %or3A : i32 to vector<16xi32>
        %ge3A_793 = arith.cmpi sge, %get3A_786, %ge3A_792 : vector<16xi32>
        %and3A_794 = arith.andi %lt3A_791, %ge3A_793 : vector<16xi1>
        %jit3A_795 = arith.constant 1 : i32
        %jit3A_796 = arith.constant 0 : i32
        %broadcast_in_dim3A_797 = vector.broadcast %jit3A_795 : i32 to vector<16xi32>
        %broadcast_in_dim3A_798 = vector.broadcast %jit3A_796 : i32 to vector<16xi32>
        %select_n3A_799 = arith.select %and3A_794, %broadcast_in_dim3A_797, %broadcast_in_dim3A_798 : vector<16xi1>, vector<16xi32>
        %add3A_800 = arith.addi %while3A_782, %select_n3A_799 : vector<16xi32>
        scf.yield %add3A_800 : vector<16xi32>
      }
      %while3A_773 = arith.constant 1 : i32
      %while3A_774 = scf.for %while3A_781 = %while3A_770 to %while3A_766 step %while3A_773 iter_args(%while3A_782 = %while3A_772) -> (vector<16xi32>)  : i32 {
        %mul3A_783 = arith.constant 16 : i32
        %mul3A_784 = arith.muli %while3A_781, %mul3A_783 : i32
        %get3A_785 = arith.index_cast %mul3A_784 : i32 to index
        %get3A_786 = tpu.vector_load %arg7[%get3A_785] {strides = array<i32>} : memref<32784xi32, #tpu.memory_space<vmem>>, vector<16xi32>,
        %mul3A_787 = arith.constant 16 : i32
        %mul3A_788 = arith.muli %while3A_781, %mul3A_787 : i32
        %add3A_789 = vector.broadcast %mul3A_788 : i32 to vector<16xi32>
        %add3A_790 = arith.addi %add3A_789, %iota3A : vector<16xi32>
        %lt3A = vector.broadcast %reduce_max3A_134 : i32 to vector<16xi32>
        %lt3A_791 = arith.cmpi slt, %add3A_790, %lt3A : vector<16xi32>
        %ge3A_792 = vector.broadcast %or3A : i32 to vector<16xi32>
        %ge3A_793 = arith.cmpi sge, %get3A_786, %ge3A_792 : vector<16xi32>
        %and3A_794 = arith.andi %lt3A_791, %ge3A_793 : vector<16xi1>
        %jit3A_795 = arith.constant 1 : i32
        %jit3A_796 = arith.constant 0 : i32
        %broadcast_in_dim3A_797 = vector.broadcast %jit3A_795 : i32 to vector<16xi32>
        %broadcast_in_dim3A_798 = vector.broadcast %jit3A_796 : i32 to vector<16xi32>
        %select_n3A_799 = arith.select %and3A_794, %broadcast_in_dim3A_797, %broadcast_in_dim3A_798 : vector<16xi1>, vector<16xi32>
        %add3A_800 = arith.addi %while3A_782, %select_n3A_799 : vector<16xi32>
        scf.yield %add3A_800 : vector<16xi32>
      }
      %reduce_sum3A_775 = arith.constant true
      %reduce_sum3A_776 = vector.broadcast %reduce_sum3A_775 : i1 to vector<16xi1>
      %reduce_sum3A_777 = tpu.scan <sum>, %while3A_774 masked %reduce_sum3A_776 : vector<16xi32>, vector<16xi1> -> vector<16xi32>
      %reduce_sum3A_778 = vector.extract %reduce_sum3A_777[15] : i32 from vector<16xi32>
      %ge3A_779 = arith.cmpi sge, %reduce_sum3A_778, %reduce_max3A_119 : i32
      %select_n3A_780 = arith.select %ge3A_779, %or3A, %scan3A_759 : i32
      scf.yield %select_n3A_780 : i32
    }
    %scan3A_170 = arith.constant 18 : i32
    %broadcast_in_dim3A_171 = vector.broadcast %scan3A_169 : i32 to vector<16xi32>
    %shift_right_arithmetic3A_172 = arith.constant 31 : i32
    %shift_right_arithmetic3A_173 = vector.broadcast %shift_right_arithmetic3A_172 : i32 to vector<16xi32>
    %shift_right_arithmetic3A_174 = arith.shrsi %broadcast_in_dim3A_171, %shift_right_arithmetic3A_173 : vector<16xi32>
    %and3A_175 = arith.constant 2147483647 : i32
    %and3A_176 = vector.broadcast %and3A_175 : i32 to vector<16xi32>
    %and3A_177 = arith.andi %shift_right_arithmetic3A_174, %and3A_176 : vector<16xi32>
    %xor3A = arith.xori %broadcast_in_dim3A_171, %and3A_177 : vector<16xi32>
    %bitcast_convert_type3A = tpu.bitcast %xor3A : vector<16xi32> -> vector<16xf32>
    %parallel_loop3A_178 = arith.constant 0 : i32
    %parallel_loop3A_179 = arith.constant 2048 : i32
    %parallel_loop3A_180 = arith.constant 1 : i32
    scf.for %parallel_loop3A_758 = %parallel_loop3A_178 to %parallel_loop3A_179 step %parallel_loop3A_180  : i32 {
      %parallel_loop3A_759 = arith.constant 16 : i32
      %parallel_loop3A_760 = arith.muli %parallel_loop3A_758, %parallel_loop3A_759 : i32
      %parallel_loop3A_761 = arith.index_cast %parallel_loop3A_760 : i32 to index
      %parallel_loop3A_762 = tpu.vector_load %arg4[%parallel_loop3A_761] {strides = array<i32>} : memref<32768xf32, #tpu.memory_space<vmem>>, vector<16xf32>,
      %parallel_loop3A_763 = arith.cmpf oge, %parallel_loop3A_762, %bitcast_convert_type3A : vector<16xf32>
      %parallel_loop3A_764 = arith.select %parallel_loop3A_763, %parallel_loop3A_762, %broadcast_in_dim3A_7 : vector<16xi1>, vector<16xf32>
      %parallel_loop3A_765 = arith.index_cast %parallel_loop3A_760 : i32 to index
      %parallel_loop3A_766 = tpu.vector_load %arg4[%parallel_loop3A_765] {strides = array<i32>} : memref<32768xf32, #tpu.memory_space<vmem>>, vector<16xf32>,
      tpu.vector_store %arg4[%parallel_loop3A_765], %parallel_loop3A_764 {strides = array<i32>} : memref<32768xf32, #tpu.memory_space<vmem>>, vector<16xf32>,
    } {sc.loop_unroll_factor = 8 : i64, sc.parallel_access}
    %add3A_181 = arith.constant 0 : i32
    %add3A_182 = arith.addi %mul3A_2, %add3A_181 : i32
    %dma_start3A_183 = arith.constant 0 : i32
    %dma_start3A_184 = tpu.memref_slice %arg3[%add3A_182, %dma_start3A_183] : memref<128x32768xf32, #tpu.memory_space<hbm>> -> memref<1x32768xf32, #tpu.memory_space<hbm>>
    %dma_start3A_185 = tpu.memref_squeeze %dma_start3A_184 : memref<1x32768xf32, #tpu.memory_space<hbm>> -> memref<32768xf32, #tpu.memory_space<hbm>>
    %dma_start3A_186 = arith.constant 0 : i32
    %dma_start3A_187 = tpu.memref_slice %arg3[%add3A_182, %dma_start3A_186] : memref<128x32768xf32, #tpu.memory_space<hbm>> -> memref<1x32768xf32, #tpu.memory_space<hbm>>
    %dma_start3A_188 = tpu.memref_squeeze %dma_start3A_187 : memref<1x32768xf32, #tpu.memory_space<hbm>> -> memref<32768xf32, #tpu.memory_space<hbm>>
    tpu.enqueue_dma source(%arg4 : memref<32768xf32, #tpu.memory_space<vmem>>) target(%dma_start3A_188 : memref<32768xf32, #tpu.memory_space<hbm>>) target_semaphore(%arg10 : memref<!tpu.dma_semaphore, #tpu.memory_space<semaphore_mem>>)
    %dma_wait3A_189 = arith.constant 0 : i32
    %dma_wait3A_190 = tpu.memref_slice %arg3[%add3A_182, %dma_wait3A_189] : memref<128x32768xf32, #tpu.memory_space<hbm>> -> memref<1x32768xf32, #tpu.memory_space<hbm>>
    %dma_wait3A_191 = tpu.memref_squeeze %dma_wait3A_190 : memref<1x32768xf32, #tpu.memory_space<hbm>> -> memref<32768xf32, #tpu.memory_space<hbm>>
    %dma_wait3A_192 = arith.constant 0 : i32
    %dma_wait3A_193 = tpu.memref_slice %arg3[%add3A_182, %dma_wait3A_192] : memref<128x32768xf32, #tpu.memory_space<hbm>> -> memref<1x32768xf32, #tpu.memory_space<hbm>>
    %dma_wait3A_194 = tpu.memref_squeeze %dma_wait3A_193 : memref<1x32768xf32, #tpu.memory_space<hbm>> -> memref<32768xf32, #tpu.memory_space<hbm>>
    tpu.wait_dma2 semaphore(%arg10 : memref<!tpu.dma_semaphore, #tpu.memory_space<semaphore_mem>>) src(%arg4 : memref<32768xf32, #tpu.memory_space<vmem>>) dst(%dma_wait3A_194 : memref<32768xf32, #tpu.memory_space<hbm>>)
    %add3A_195 = arith.constant 1 : i32
    %add3A_196 = arith.addi %mul3A_2, %add3A_195 : i32
    %add3A_197 = arith.constant 1 : i32
    %add3A_198 = arith.addi %add3A_196, %add3A_197 : i32
    %dma_start3A_199 = arith.constant 0 : i32
    %dma_start3A_200 = tpu.memref_slice %arg2[%add3A_198, %dma_start3A_199] : memref<128x32768xf32, #tpu.memory_space<hbm>> -> memref<1x32768xf32, #tpu.memory_space<hbm>>
    %dma_start3A_201 = tpu.memref_squeeze %dma_start3A_200 : memref<1x32768xf32, #tpu.memory_space<hbm>> -> memref<32768xf32, #tpu.memory_space<hbm>>
    %dma_start3A_202 = arith.constant 0 : i32
    %dma_start3A_203 = tpu.memref_slice %arg2[%add3A_198, %dma_start3A_202] : memref<128x32768xf32, #tpu.memory_space<hbm>> -> memref<1x32768xf32, #tpu.memory_space<hbm>>
    %dma_start3A_204 = tpu.memref_squeeze %dma_start3A_203 : memref<1x32768xf32, #tpu.memory_space<hbm>> -> memref<32768xf32, #tpu.memory_space<hbm>>
    tpu.enqueue_dma source(%dma_start3A_204 : memref<32768xf32, #tpu.memory_space<hbm>>) target(%arg4 : memref<32768xf32, #tpu.memory_space<vmem>>) target_semaphore(%arg8 : memref<!tpu.dma_semaphore, #tpu.memory_space<semaphore_mem>>)
    %dma_wait3A_205 = arith.constant 0 : i32
    %dma_wait3A_206 = tpu.memref_slice %arg2[%add3A_26, %dma_wait3A_205] : memref<128x32768xf32, #tpu.memory_space<hbm>> -> memref<1x32768xf32, #tpu.memory_space<hbm>>
    %dma_wait3A_207 = tpu.memref_squeeze %dma_wait3A_206 : memref<1x32768xf32, #tpu.memory_space<hbm>> -> memref<32768xf32, #tpu.memory_space<hbm>>
    %dma_wait3A_208 = arith.constant 0 : i32
    %dma_wait3A_209 = tpu.memref_slice %arg2[%add3A_26, %dma_wait3A_208] : memref<128x32768xf32, #tpu.memory_space<hbm>> -> memref<1x32768xf32, #tpu.memory_space<hbm>>
    %dma_wait3A_210 = tpu.memref_squeeze %dma_wait3A_209 : memref<1x32768xf32, #tpu.memory_space<hbm>> -> memref<32768xf32, #tpu.memory_space<hbm>>
    tpu.wait_dma2 semaphore(%arg9 : memref<!tpu.dma_semaphore, #tpu.memory_space<semaphore_mem>>) src(%dma_wait3A_210 : memref<32768xf32, #tpu.memory_space<hbm>>) dst(%arg5 : memref<32768xf32, #tpu.memory_space<vmem>>)
    %parallel_loop3A_211 = arith.constant 0 : i32
    %parallel_loop3A_212 = arith.constant 1024 : i32
    %parallel_loop3A_213 = arith.constant 1 : i32
    scf.for %parallel_loop3A_758 = %parallel_loop3A_211 to %parallel_loop3A_212 step %parallel_loop3A_213  : i32 {
      %parallel_loop3A_759 = arith.constant 16 : i32
      %parallel_loop3A_760 = arith.muli %parallel_loop3A_758, %parallel_loop3A_759 : i32
      %parallel_loop3A_761 = arith.index_cast %parallel_loop3A_760 : i32 to index
      %parallel_loop3A_762 = tpu.vector_load %arg6[%parallel_loop3A_761] {strides = array<i32>} : memref<16384xi32, #tpu.memory_space<vmem>>, vector<16xi32>,
      tpu.vector_store %arg6[%parallel_loop3A_761], %broadcast_in_dim3A_3 {strides = array<i32>} : memref<16384xi32, #tpu.memory_space<vmem>>, vector<16xi32>,
    } {sc.loop_unroll_factor = 8 : i64, sc.parallel_access}
    %broadcast_in_dim3A_214 = arith.constant -2147483648 : i32
    %broadcast_in_dim3A_215 = vector.broadcast %broadcast_in_dim3A_214 : i32 to vector<16xi32>
    %parallel_loop3A_216 = arith.constant 0 : i32
    %parallel_loop3A_217 = arith.constant 2048 : i32
    %parallel_loop3A_218 = arith.constant 1 : i32
    %parallel_loop3A_219 = scf.for %parallel_loop3A_758 = %parallel_loop3A_216 to %parallel_loop3A_217 step %parallel_loop3A_218 iter_args(%parallel_loop3A_759 = %broadcast_in_dim3A_215) -> (vector<16xi32>)  : i32 {
      %parallel_loop3A_760 = arith.constant 16 : i32
      %parallel_loop3A_761 = arith.muli %parallel_loop3A_758, %parallel_loop3A_760 : i32
      %parallel_loop3A_762 = arith.index_cast %parallel_loop3A_761 : i32 to index
      %parallel_loop3A_763 = tpu.vector_load %arg5[%parallel_loop3A_762] {strides = array<i32>} : memref<32768xf32, #tpu.memory_space<vmem>>, vector<16xf32>,
      %parallel_loop3A_764 = tpu.bitcast %parallel_loop3A_763 : vector<16xf32> -> vector<16xi32>
      %parallel_loop3A_765 = arith.constant 31 : i32
      %parallel_loop3A_766 = vector.broadcast %parallel_loop3A_765 : i32 to vector<16xi32>
      %parallel_loop3A_767 = arith.shrsi %parallel_loop3A_764, %parallel_loop3A_766 : vector<16xi32>
      %parallel_loop3A_768 = arith.constant 2147483647 : i32
      %parallel_loop3A_769 = vector.broadcast %parallel_loop3A_768 : i32 to vector<16xi32>
      %parallel_loop3A_770 = arith.andi %parallel_loop3A_767, %parallel_loop3A_769 : vector<16xi32>
      %parallel_loop3A_771 = arith.xori %parallel_loop3A_764, %parallel_loop3A_770 : vector<16xi32>
      %parallel_loop3A_772 = arith.constant 18 : i32
      %parallel_loop3A_773 = vector.broadcast %parallel_loop3A_772 : i32 to vector<16xi32>
      %parallel_loop3A_774 = arith.shrsi %parallel_loop3A_771, %parallel_loop3A_773 : vector<16xi32>
      %parallel_loop3A_775 = arith.constant 8192 : i32
      %parallel_loop3A_776 = vector.broadcast %parallel_loop3A_775 : i32 to vector<16xi32>
      %parallel_loop3A_777 = arith.addi %parallel_loop3A_774, %parallel_loop3A_776 : vector<16xi32>
      tpu.vector_store_idx %arg6[%parallel_loop3A_777], %broadcast_in_dim3A_5 {add = true} : memref<16384xi32, #tpu.memory_space<vmem>>[vector<16xi32>], vector<16xi32>,
      %parallel_loop3A_778 = arith.maxsi %parallel_loop3A_759, %parallel_loop3A_771 : vector<16xi32>
      scf.yield %parallel_loop3A_778 : vector<16xi32>
    } {sc.loop_unroll_factor = 8 : i64, sc.parallel_access}
    %reduce_max3A_220 = arith.constant true
    %reduce_max3A_221 = vector.broadcast %reduce_max3A_220 : i1 to vector<16xi1>
    %reduce_max3A_222 = arith.constant -2147483648 : i32
    %reduce_max3A_223 = vector.broadcast %reduce_max3A_222 : i32 to vector<16xi32>
    %reduce_max3A_224 = arith.xori %parallel_loop3A_219, %reduce_max3A_223 : vector<16xi32>
    %reduce_max3A_225 = tpu.scan <max>, %reduce_max3A_224 masked %reduce_max3A_221 : vector<16xi32>, vector<16xi1> -> vector<16xi32>
    %reduce_max3A_226 = arith.xori %reduce_max3A_225, %reduce_max3A_223 : vector<16xi32>
    %reduce_max3A_227 = vector.extract %reduce_max3A_226[15] : i32 from vector<16xi32>
    %shift_right_arithmetic3A_228 = arith.constant 18 : i32
    %shift_right_arithmetic3A_229 = arith.shrsi %reduce_max3A_227, %shift_right_arithmetic3A_228 : i32
    %add3A_230 = arith.constant 8192 : i32
    %add3A_231 = arith.addi %shift_right_arithmetic3A_229, %add3A_230 : i32
    %jit3A_232 = arith.constant 16 : i32
    %div3A_233 = arith.divsi %add3A_231, %jit3A_232 : i32
    %sign3A_234 = arith.constant 0 : i32
    %sign3A_235 = arith.cmpi sgt, %add3A_231, %sign3A_234 : i32
    %sign3A_236 = arith.extui %sign3A_235 : i1 to i32
    %sign3A_237 = arith.constant 0 : i32
    %sign3A_238 = arith.cmpi slt, %add3A_231, %sign3A_237 : i32
    %sign3A_239 = arith.extui %sign3A_238 : i1 to i32
    %sign3A_240 = arith.subi %sign3A_236, %sign3A_239 : i32
    %sign3A_241 = arith.constant 0 : i32
    %sign3A_242 = arith.cmpi sgt, %jit3A_232, %sign3A_241 : i32
    %sign3A_243 = arith.extui %sign3A_242 : i1 to i32
    %sign3A_244 = arith.constant 0 : i32
    %sign3A_245 = arith.cmpi slt, %jit3A_232, %sign3A_244 : i32
    %sign3A_246 = arith.extui %sign3A_245 : i1 to i32
    %sign3A_247 = arith.subi %sign3A_243, %sign3A_246 : i32
    %ne3A_248 = arith.cmpi ne, %sign3A_240, %sign3A_247 : i32
    %rem3A_249 = arith.remsi %add3A_231, %jit3A_232 : i32
    %ne3A_250 = arith.constant 0 : i32
    %ne3A_251 = arith.cmpi ne, %rem3A_249, %ne3A_250 : i32
    %and3A_252 = arith.andi %ne3A_248, %ne3A_251 : i1
    %sub3A_253 = arith.constant 1 : i32
    %sub3A_254 = arith.subi %div3A_233, %sub3A_253 : i32
    %select_n3A_255 = arith.select %and3A_252, %sub3A_254, %div3A_233 : i32
    %while3A_256 = arith.constant 0 : i32
    %while3A_257:2 = scf.while (%while3A_758 = %select_n3A_255, %while3A_759 = %while3A_256) : (i32, i32) -> (i32, i32) {
      %mul3A_760 = arith.constant 16 : i32
      %mul3A_761 = arith.muli %while3A_758, %mul3A_760 : i32
      %get3A_762 = arith.index_cast %mul3A_761 : i32 to index
      %get3A_763 = tpu.vector_load %arg6[%get3A_762] {strides = array<i32>} : memref<16384xi32, #tpu.memory_space<vmem>>, vector<16xi32>,
      %reduce_sum3A_764 = arith.constant true
      %reduce_sum3A_765 = vector.broadcast %reduce_sum3A_764 : i1 to vector<16xi1>
      %reduce_sum3A_766 = tpu.scan <sum>, %get3A_763 masked %reduce_sum3A_765 : vector<16xi32>, vector<16xi1> -> vector<16xi32>
      %reduce_sum3A_767 = vector.extract %reduce_sum3A_766[15] : i32 from vector<16xi32>
      %add3A_768 = arith.addi %while3A_759, %reduce_sum3A_767 : i32
      %lt3A = arith.constant 3276 : i32
      %lt3A_769 = arith.cmpi slt, %add3A_768, %lt3A : i32
      scf.condition(%lt3A_769) %while3A_758, %while3A_759 : i32, i32
    } do {
    ^bb0(%while3A_758: i32, %while3A_759: i32):
      %mul3A_760 = arith.constant 16 : i32
      %mul3A_761 = arith.muli %while3A_758, %mul3A_760 : i32
      %get3A_762 = arith.index_cast %mul3A_761 : i32 to index
      %get3A_763 = tpu.vector_load %arg6[%get3A_762] {strides = array<i32>} : memref<16384xi32, #tpu.memory_space<vmem>>, vector<16xi32>,
      %reduce_sum3A_764 = arith.constant true
      %reduce_sum3A_765 = vector.broadcast %reduce_sum3A_764 : i1 to vector<16xi1>
      %reduce_sum3A_766 = tpu.scan <sum>, %get3A_763 masked %reduce_sum3A_765 : vector<16xi32>, vector<16xi1> -> vector<16xi32>
      %reduce_sum3A_767 = vector.extract %reduce_sum3A_766[15] : i32 from vector<16xi32>
      %sub3A_768 = arith.constant 1 : i32
      %sub3A_769 = arith.subi %while3A_758, %sub3A_768 : i32
      %add3A_770 = arith.addi %while3A_759, %reduce_sum3A_767 : i32
      scf.yield %sub3A_769, %add3A_770 : i32, i32
    }
    %mul3A_258 = arith.constant 16 : i32
    %mul3A_259 = arith.muli %while3A_257#0, %mul3A_258 : i32
    %get3A_260 = arith.index_cast %mul3A_259 : i32 to index
    %get3A_261 = tpu.vector_load %arg6[%get3A_260] {strides = array<i32>} : memref<16384xi32, #tpu.memory_space<vmem>>, vector<16xi32>,
    %reduce_sum3A_262 = arith.constant true
    %reduce_sum3A_263 = vector.broadcast %reduce_sum3A_262 : i1 to vector<16xi1>
    %reduce_sum3A_264 = tpu.scan <sum>, %get3A_261 masked %reduce_sum3A_263 : vector<16xi32>, vector<16xi1> -> vector<16xi32>
    %reduce_sum3A_265 = vector.extract %reduce_sum3A_264[15] : i32 from vector<16xi32>
    %broadcast_in_dim3A_266 = arith.constant true
    %broadcast_in_dim3A_267 = vector.broadcast %broadcast_in_dim3A_266 : i1 to vector<16xi1>
    %masked_cumsum3A_268 = tpu.scan <sum>, %get3A_261 masked %broadcast_in_dim3A_267 : vector<16xi32>, vector<16xi1> -> vector<16xi32>
    %sub3A_269 = vector.broadcast %reduce_sum3A_265 : i32 to vector<16xi32>
    %sub3A_270 = arith.subi %sub3A_269, %masked_cumsum3A_268 : vector<16xi32>
    %select_n3A_271 = arith.select %eq3A_17, %get3A_261, %broadcast_in_dim3A_3 : vector<16xi32>
    %add3A_272 = arith.addi %sub3A_270, %select_n3A_271 : vector<16xi32>
    %add3A_273 = vector.broadcast %while3A_257#1 : i32 to vector<16xi32>
    %add3A_274 = arith.addi %add3A_273, %add3A_272 : vector<16xi32>
    %ge3A_275 = arith.constant 3276 : i32
    %ge3A_276 = vector.broadcast %ge3A_275 : i32 to vector<16xi32>
    %ge3A_277 = arith.cmpi sge, %add3A_274, %ge3A_276 : vector<16xi32>
    %jit3A_278 = arith.constant -1 : i32
    %broadcast_in_dim3A_279 = vector.broadcast %jit3A_278 : i32 to vector<16xi32>
    %select_n3A_280 = arith.select %ge3A_277, %iota3A, %broadcast_in_dim3A_279 : vector<16xi1>, vector<16xi32>
    %reduce_max3A_281 = arith.constant true
    %reduce_max3A_282 = vector.broadcast %reduce_max3A_281 : i1 to vector<16xi1>
    %reduce_max3A_283 = arith.constant -2147483648 : i32
    %reduce_max3A_284 = vector.broadcast %reduce_max3A_283 : i32 to vector<16xi32>
    %reduce_max3A_285 = arith.xori %select_n3A_280, %reduce_max3A_284 : vector<16xi32>
    %reduce_max3A_286 = tpu.scan <max>, %reduce_max3A_285 masked %reduce_max3A_282 : vector<16xi32>, vector<16xi1> -> vector<16xi32>
    %reduce_max3A_287 = arith.xori %reduce_max3A_286, %reduce_max3A_284 : vector<16xi32>
    %reduce_max3A_288 = vector.extract %reduce_max3A_287[15] : i32 from vector<16xi32>
    %sub3A_289 = arith.constant 3276 : i32
    %sub3A_290 = arith.subi %sub3A_289, %while3A_257#1 : i32
    %sub3A_291 = vector.broadcast %sub3A_290 : i32 to vector<16xi32>
    %sub3A_292 = arith.subi %sub3A_291, %add3A_272 : vector<16xi32>
    %add3A_293 = arith.addi %sub3A_292, %get3A_261 : vector<16xi32>
    %eq3A_294 = vector.broadcast %reduce_max3A_288 : i32 to vector<16xi32>
    %eq3A_295 = arith.cmpi eq, %iota3A, %eq3A_294 : vector<16xi32>
    %jit3A_296 = arith.constant -2147483648 : i32
    %broadcast_in_dim3A_297 = vector.broadcast %jit3A_296 : i32 to vector<16xi32>
    %select_n3A_298 = arith.select %eq3A_295, %add3A_293, %broadcast_in_dim3A_297 : vector<16xi1>, vector<16xi32>
    %reduce_max3A_299 = arith.constant true
    %reduce_max3A_300 = vector.broadcast %reduce_max3A_299 : i1 to vector<16xi1>
    %reduce_max3A_301 = arith.constant -2147483648 : i32
    %reduce_max3A_302 = vector.broadcast %reduce_max3A_301 : i32 to vector<16xi32>
    %reduce_max3A_303 = arith.xori %select_n3A_298, %reduce_max3A_302 : vector<16xi32>
    %reduce_max3A_304 = tpu.scan <max>, %reduce_max3A_303 masked %reduce_max3A_300 : vector<16xi32>, vector<16xi1> -> vector<16xi32>
    %reduce_max3A_305 = arith.xori %reduce_max3A_304, %reduce_max3A_302 : vector<16xi32>
    %reduce_max3A_306 = vector.extract %reduce_max3A_305[15] : i32 from vector<16xi32>
    %mul3A_307 = arith.constant 16 : i32
    %mul3A_308 = arith.muli %while3A_257#0, %mul3A_307 : i32
    %add3A_309 = arith.addi %mul3A_308, %reduce_max3A_288 : i32
    %parallel_loop3A_310 = arith.constant 0 : i32
    %parallel_loop3A_311 = arith.constant 2048 : i32
    %parallel_loop3A_312 = arith.constant 1 : i32
    %parallel_loop3A_313 = scf.for %parallel_loop3A_758 = %parallel_loop3A_310 to %parallel_loop3A_311 step %parallel_loop3A_312 iter_args(%parallel_loop3A_759 = %broadcast_in_dim3A_3) -> (vector<16xi32>)  : i32 {
      %parallel_loop3A_760 = arith.constant 16 : i32
      %parallel_loop3A_761 = arith.muli %parallel_loop3A_758, %parallel_loop3A_760 : i32
      %parallel_loop3A_762 = arith.index_cast %parallel_loop3A_761 : i32 to index
      %parallel_loop3A_763 = tpu.vector_load %arg5[%parallel_loop3A_762] {strides = array<i32>} : memref<32768xf32, #tpu.memory_space<vmem>>, vector<16xf32>,
      %parallel_loop3A_764 = tpu.bitcast %parallel_loop3A_763 : vector<16xf32> -> vector<16xi32>
      %parallel_loop3A_765 = arith.constant 31 : i32
      %parallel_loop3A_766 = vector.broadcast %parallel_loop3A_765 : i32 to vector<16xi32>
      %parallel_loop3A_767 = arith.shrsi %parallel_loop3A_764, %parallel_loop3A_766 : vector<16xi32>
      %parallel_loop3A_768 = arith.constant 2147483647 : i32
      %parallel_loop3A_769 = vector.broadcast %parallel_loop3A_768 : i32 to vector<16xi32>
      %parallel_loop3A_770 = arith.andi %parallel_loop3A_767, %parallel_loop3A_769 : vector<16xi32>
      %parallel_loop3A_771 = arith.xori %parallel_loop3A_764, %parallel_loop3A_770 : vector<16xi32>
      %parallel_loop3A_772 = arith.constant 18 : i32
      %parallel_loop3A_773 = vector.broadcast %parallel_loop3A_772 : i32 to vector<16xi32>
      %parallel_loop3A_774 = arith.shrsi %parallel_loop3A_771, %parallel_loop3A_773 : vector<16xi32>
      %parallel_loop3A_775 = arith.constant 8192 : i32
      %parallel_loop3A_776 = vector.broadcast %parallel_loop3A_775 : i32 to vector<16xi32>
      %parallel_loop3A_777 = arith.addi %parallel_loop3A_774, %parallel_loop3A_776 : vector<16xi32>
      %parallel_loop3A_778 = vector.broadcast %add3A_309 : i32 to vector<16xi32>
      %parallel_loop3A_779 = arith.cmpi eq, %parallel_loop3A_777, %parallel_loop3A_778 : vector<16xi32>
      %parallel_loop3A_780 = arith.constant 1 : i32
      %parallel_loop3A_781 = arith.constant 0 : i32
      %parallel_loop3A_782 = vector.broadcast %parallel_loop3A_780 : i32 to vector<16xi32>
      %parallel_loop3A_783 = vector.broadcast %parallel_loop3A_781 : i32 to vector<16xi32>
      %parallel_loop3A_784 = arith.select %parallel_loop3A_779, %parallel_loop3A_782, %parallel_loop3A_783 : vector<16xi1>, vector<16xi32>
      %parallel_loop3A_785 = arith.constant true
      %parallel_loop3A_786 = vector.broadcast %parallel_loop3A_785 : i1 to vector<16xi1>
      %parallel_loop3A_787 = tpu.scan <sum>, %parallel_loop3A_784 masked %parallel_loop3A_786 : vector<16xi32>, vector<16xi1> -> vector<16xi32>
      %parallel_loop3A_788 = arith.select %eq3A_17, %parallel_loop3A_784, %broadcast_in_dim3A_3 : vector<16xi32>
      %parallel_loop3A_789 = arith.subi %parallel_loop3A_787, %parallel_loop3A_788 : vector<16xi32>
      %parallel_loop3A_790 = arith.addi %parallel_loop3A_759, %parallel_loop3A_789 : vector<16xi32>
      tpu.vector_store_idx %arg7[%parallel_loop3A_790], %parallel_loop3A_771 masked %parallel_loop3A_779 : memref<32784xi32, #tpu.memory_space<vmem>>[vector<16xi32>], vector<16xi32>, vector<16xi1>
      %parallel_loop3A_791 = tpu.all_reduce %parallel_loop3A_779 {dim = 0 : i64, kind = #tpu.reduction_kind<sum>} : vector<16xi1> -> vector<16xi32>
      %parallel_loop3A_792 = arith.addi %parallel_loop3A_759, %parallel_loop3A_791 : vector<16xi32>
      scf.yield %parallel_loop3A_792 : vector<16xi32>
    } {sc.loop_unroll_factor = 8 : i64, sc.parallel_access}
    %reduce_max3A_314 = arith.constant true
    %reduce_max3A_315 = vector.broadcast %reduce_max3A_314 : i1 to vector<16xi1>
    %reduce_max3A_316 = arith.constant -2147483648 : i32
    %reduce_max3A_317 = vector.broadcast %reduce_max3A_316 : i32 to vector<16xi32>
    %reduce_max3A_318 = arith.xori %parallel_loop3A_313, %reduce_max3A_317 : vector<16xi32>
    %reduce_max3A_319 = tpu.scan <max>, %reduce_max3A_318 masked %reduce_max3A_315 : vector<16xi32>, vector<16xi1> -> vector<16xi32>
    %reduce_max3A_320 = arith.xori %reduce_max3A_319, %reduce_max3A_317 : vector<16xi32>
    %reduce_max3A_321 = vector.extract %reduce_max3A_320[15] : i32 from vector<16xi32>
    %add3A_322 = arith.constant 16 : i32
    %add3A_323 = arith.addi %reduce_max3A_321, %add3A_322 : i32
    %sub3A_324 = arith.constant 1 : i32
    %sub3A_325 = arith.subi %add3A_323, %sub3A_324 : i32
    %jit3A_326 = arith.constant 16 : i32
    %div3A_327 = arith.divsi %sub3A_325, %jit3A_326 : i32
    %sign3A_328 = arith.constant 0 : i32
    %sign3A_329 = arith.cmpi sgt, %sub3A_325, %sign3A_328 : i32
    %sign3A_330 = arith.extui %sign3A_329 : i1 to i32
    %sign3A_331 = arith.constant 0 : i32
    %sign3A_332 = arith.cmpi slt, %sub3A_325, %sign3A_331 : i32
    %sign3A_333 = arith.extui %sign3A_332 : i1 to i32
    %sign3A_334 = arith.subi %sign3A_330, %sign3A_333 : i32
    %sign3A_335 = arith.constant 0 : i32
    %sign3A_336 = arith.cmpi sgt, %jit3A_326, %sign3A_335 : i32
    %sign3A_337 = arith.extui %sign3A_336 : i1 to i32
    %sign3A_338 = arith.constant 0 : i32
    %sign3A_339 = arith.cmpi slt, %jit3A_326, %sign3A_338 : i32
    %sign3A_340 = arith.extui %sign3A_339 : i1 to i32
    %sign3A_341 = arith.subi %sign3A_337, %sign3A_340 : i32
    %ne3A_342 = arith.cmpi ne, %sign3A_334, %sign3A_341 : i32
    %rem3A_343 = arith.remsi %sub3A_325, %jit3A_326 : i32
    %ne3A_344 = arith.constant 0 : i32
    %ne3A_345 = arith.cmpi ne, %rem3A_343, %ne3A_344 : i32
    %and3A_346 = arith.andi %ne3A_342, %ne3A_345 : i1
    %sub3A_347 = arith.constant 1 : i32
    %sub3A_348 = arith.subi %div3A_327, %sub3A_347 : i32
    %select_n3A_349 = arith.select %and3A_346, %sub3A_348, %div3A_327 : i32
    %sub3A_350 = arith.constant 8192 : i32
    %sub3A_351 = arith.subi %add3A_309, %sub3A_350 : i32
    %shift_left3A_352 = arith.constant 18 : i32
    %shift_left3A_353 = arith.shli %sub3A_351, %shift_left3A_352 : i32
    %scan3A_354 = arith.constant 0 : i32
    %scan3A_355 = arith.constant 18 : i32
    %scan3A_356 = arith.addi %scan3A_354, %scan3A_355 : i32
    %scan3A_357 = arith.constant 1 : i32
    %scan3A_358 = scf.for %scan3A_758 = %scan3A_354 to %scan3A_356 step %scan3A_357 iter_args(%scan3A_759 = %shift_left3A_353) -> (i32)  : i32 {
      %sub3A_760 = arith.constant 17 : i32
      %sub3A_761 = arith.subi %sub3A_760, %scan3A_758 : i32
      %shift_left3A_762 = arith.constant 1 : i32
      %shift_left3A_763 = arith.shli %shift_left3A_762, %sub3A_761 : i32
      %or3A = arith.ori %scan3A_759, %shift_left3A_763 : i32
      %while3A_764 = arith.constant 0 : i32
      %while3A_765 = arith.subi %select_n3A_349, %while3A_764 : i32
      %while3A_766 = arith.addi %while3A_764, %while3A_765 : i32
      %while3A_767 = arith.constant 1 : i32
      %while3A_768 = arith.divsi %while3A_765, %while3A_767 : i32
      %while3A_769 = arith.muli %while3A_768, %while3A_767 : i32
      %while3A_770 = arith.addi %while3A_764, %while3A_769 : i32
      %while3A_771 = arith.constant 1 : i32
      %while3A_772 = scf.for %while3A_781 = %while3A_764 to %while3A_770 step %while3A_771 iter_args(%while3A_782 = %broadcast_in_dim3A_3) -> (vector<16xi32>)  : i32 {
        %mul3A_783 = arith.constant 16 : i32
        %mul3A_784 = arith.muli %while3A_781, %mul3A_783 : i32
        %get3A_785 = arith.index_cast %mul3A_784 : i32 to index
        %get3A_786 = tpu.vector_load %arg7[%get3A_785] {strides = array<i32>} : memref<32784xi32, #tpu.memory_space<vmem>>, vector<16xi32>,
        %mul3A_787 = arith.constant 16 : i32
        %mul3A_788 = arith.muli %while3A_781, %mul3A_787 : i32
        %add3A_789 = vector.broadcast %mul3A_788 : i32 to vector<16xi32>
        %add3A_790 = arith.addi %add3A_789, %iota3A : vector<16xi32>
        %lt3A = vector.broadcast %reduce_max3A_321 : i32 to vector<16xi32>
        %lt3A_791 = arith.cmpi slt, %add3A_790, %lt3A : vector<16xi32>
        %ge3A_792 = vector.broadcast %or3A : i32 to vector<16xi32>
        %ge3A_793 = arith.cmpi sge, %get3A_786, %ge3A_792 : vector<16xi32>
        %and3A_794 = arith.andi %lt3A_791, %ge3A_793 : vector<16xi1>
        %jit3A_795 = arith.constant 1 : i32
        %jit3A_796 = arith.constant 0 : i32
        %broadcast_in_dim3A_797 = vector.broadcast %jit3A_795 : i32 to vector<16xi32>
        %broadcast_in_dim3A_798 = vector.broadcast %jit3A_796 : i32 to vector<16xi32>
        %select_n3A_799 = arith.select %and3A_794, %broadcast_in_dim3A_797, %broadcast_in_dim3A_798 : vector<16xi1>, vector<16xi32>
        %add3A_800 = arith.addi %while3A_782, %select_n3A_799 : vector<16xi32>
        scf.yield %add3A_800 : vector<16xi32>
      }
      %while3A_773 = arith.constant 1 : i32
      %while3A_774 = scf.for %while3A_781 = %while3A_770 to %while3A_766 step %while3A_773 iter_args(%while3A_782 = %while3A_772) -> (vector<16xi32>)  : i32 {
        %mul3A_783 = arith.constant 16 : i32
        %mul3A_784 = arith.muli %while3A_781, %mul3A_783 : i32
        %get3A_785 = arith.index_cast %mul3A_784 : i32 to index
        %get3A_786 = tpu.vector_load %arg7[%get3A_785] {strides = array<i32>} : memref<32784xi32, #tpu.memory_space<vmem>>, vector<16xi32>,
        %mul3A_787 = arith.constant 16 : i32
        %mul3A_788 = arith.muli %while3A_781, %mul3A_787 : i32
        %add3A_789 = vector.broadcast %mul3A_788 : i32 to vector<16xi32>
        %add3A_790 = arith.addi %add3A_789, %iota3A : vector<16xi32>
        %lt3A = vector.broadcast %reduce_max3A_321 : i32 to vector<16xi32>
        %lt3A_791 = arith.cmpi slt, %add3A_790, %lt3A : vector<16xi32>
        %ge3A_792 = vector.broadcast %or3A : i32 to vector<16xi32>
        %ge3A_793 = arith.cmpi sge, %get3A_786, %ge3A_792 : vector<16xi32>
        %and3A_794 = arith.andi %lt3A_791, %ge3A_793 : vector<16xi1>
        %jit3A_795 = arith.constant 1 : i32
        %jit3A_796 = arith.constant 0 : i32
        %broadcast_in_dim3A_797 = vector.broadcast %jit3A_795 : i32 to vector<16xi32>
        %broadcast_in_dim3A_798 = vector.broadcast %jit3A_796 : i32 to vector<16xi32>
        %select_n3A_799 = arith.select %and3A_794, %broadcast_in_dim3A_797, %broadcast_in_dim3A_798 : vector<16xi1>, vector<16xi32>
        %add3A_800 = arith.addi %while3A_782, %select_n3A_799 : vector<16xi32>
        scf.yield %add3A_800 : vector<16xi32>
      }
      %reduce_sum3A_775 = arith.constant true
      %reduce_sum3A_776 = vector.broadcast %reduce_sum3A_775 : i1 to vector<16xi1>
      %reduce_sum3A_777 = tpu.scan <sum>, %while3A_774 masked %reduce_sum3A_776 : vector<16xi32>, vector<16xi1> -> vector<16xi32>
      %reduce_sum3A_778 = vector.extract %reduce_sum3A_777[15] : i32 from vector<16xi32>
      %ge3A_779 = arith.cmpi sge, %reduce_sum3A_778, %reduce_max3A_306 : i32
      %select_n3A_780 = arith.select %ge3A_779, %or3A, %scan3A_759 : i32
      scf.yield %select_n3A_780 : i32
    }
    %scan3A_359 = arith.constant 18 : i32
    %broadcast_in_dim3A_360 = vector.broadcast %scan3A_358 : i32 to vector<16xi32>
    %shift_right_arithmetic3A_361 = arith.constant 31 : i32
    %shift_right_arithmetic3A_362 = vector.broadcast %shift_right_arithmetic3A_361 : i32 to vector<16xi32>
    %shift_right_arithmetic3A_363 = arith.shrsi %broadcast_in_dim3A_360, %shift_right_arithmetic3A_362 : vector<16xi32>
    %and3A_364 = arith.constant 2147483647 : i32
    %and3A_365 = vector.broadcast %and3A_364 : i32 to vector<16xi32>
    %and3A_366 = arith.andi %shift_right_arithmetic3A_363, %and3A_365 : vector<16xi32>
    %xor3A_367 = arith.xori %broadcast_in_dim3A_360, %and3A_366 : vector<16xi32>
    %bitcast_convert_type3A_368 = tpu.bitcast %xor3A_367 : vector<16xi32> -> vector<16xf32>
    %parallel_loop3A_369 = arith.constant 0 : i32
    %parallel_loop3A_370 = arith.constant 2048 : i32
    %parallel_loop3A_371 = arith.constant 1 : i32
    scf.for %parallel_loop3A_758 = %parallel_loop3A_369 to %parallel_loop3A_370 step %parallel_loop3A_371  : i32 {
      %parallel_loop3A_759 = arith.constant 16 : i32
      %parallel_loop3A_760 = arith.muli %parallel_loop3A_758, %parallel_loop3A_759 : i32
      %parallel_loop3A_761 = arith.index_cast %parallel_loop3A_760 : i32 to index
      %parallel_loop3A_762 = tpu.vector_load %arg5[%parallel_loop3A_761] {strides = array<i32>} : memref<32768xf32, #tpu.memory_space<vmem>>, vector<16xf32>,
      %parallel_loop3A_763 = arith.cmpf oge, %parallel_loop3A_762, %bitcast_convert_type3A_368 : vector<16xf32>
      %parallel_loop3A_764 = arith.select %parallel_loop3A_763, %parallel_loop3A_762, %broadcast_in_dim3A_7 : vector<16xi1>, vector<16xf32>
      %parallel_loop3A_765 = arith.index_cast %parallel_loop3A_760 : i32 to index
      %parallel_loop3A_766 = tpu.vector_load %arg5[%parallel_loop3A_765] {strides = array<i32>} : memref<32768xf32, #tpu.memory_space<vmem>>, vector<16xf32>,
      tpu.vector_store %arg5[%parallel_loop3A_765], %parallel_loop3A_764 {strides = array<i32>} : memref<32768xf32, #tpu.memory_space<vmem>>, vector<16xf32>,
    } {sc.loop_unroll_factor = 8 : i64, sc.parallel_access}
    %add3A_372 = arith.constant 1 : i32
    %add3A_373 = arith.addi %mul3A_2, %add3A_372 : i32
    %dma_start3A_374 = arith.constant 0 : i32
    %dma_start3A_375 = tpu.memref_slice %arg3[%add3A_373, %dma_start3A_374] : memref<128x32768xf32, #tpu.memory_space<hbm>> -> memref<1x32768xf32, #tpu.memory_space<hbm>>
    %dma_start3A_376 = tpu.memref_squeeze %dma_start3A_375 : memref<1x32768xf32, #tpu.memory_space<hbm>> -> memref<32768xf32, #tpu.memory_space<hbm>>
    %dma_start3A_377 = arith.constant 0 : i32
    %dma_start3A_378 = tpu.memref_slice %arg3[%add3A_373, %dma_start3A_377] : memref<128x32768xf32, #tpu.memory_space<hbm>> -> memref<1x32768xf32, #tpu.memory_space<hbm>>
    %dma_start3A_379 = tpu.memref_squeeze %dma_start3A_378 : memref<1x32768xf32, #tpu.memory_space<hbm>> -> memref<32768xf32, #tpu.memory_space<hbm>>
    tpu.enqueue_dma source(%arg5 : memref<32768xf32, #tpu.memory_space<vmem>>) target(%dma_start3A_379 : memref<32768xf32, #tpu.memory_space<hbm>>) target_semaphore(%arg11 : memref<!tpu.dma_semaphore, #tpu.memory_space<semaphore_mem>>)
    %dma_wait3A_380 = arith.constant 0 : i32
    %dma_wait3A_381 = tpu.memref_slice %arg3[%add3A_373, %dma_wait3A_380] : memref<128x32768xf32, #tpu.memory_space<hbm>> -> memref<1x32768xf32, #tpu.memory_space<hbm>>
    %dma_wait3A_382 = tpu.memref_squeeze %dma_wait3A_381 : memref<1x32768xf32, #tpu.memory_space<hbm>> -> memref<32768xf32, #tpu.memory_space<hbm>>
    %dma_wait3A_383 = arith.constant 0 : i32
    %dma_wait3A_384 = tpu.memref_slice %arg3[%add3A_373, %dma_wait3A_383] : memref<128x32768xf32, #tpu.memory_space<hbm>> -> memref<1x32768xf32, #tpu.memory_space<hbm>>
    %dma_wait3A_385 = tpu.memref_squeeze %dma_wait3A_384 : memref<1x32768xf32, #tpu.memory_space<hbm>> -> memref<32768xf32, #tpu.memory_space<hbm>>
    tpu.wait_dma2 semaphore(%arg11 : memref<!tpu.dma_semaphore, #tpu.memory_space<semaphore_mem>>) src(%arg5 : memref<32768xf32, #tpu.memory_space<vmem>>) dst(%dma_wait3A_385 : memref<32768xf32, #tpu.memory_space<hbm>>)
    %add3A_386 = arith.constant 2 : i32
    %add3A_387 = arith.addi %mul3A_2, %add3A_386 : i32
    %add3A_388 = arith.constant 1 : i32
    %add3A_389 = arith.addi %add3A_387, %add3A_388 : i32
    %dma_start3A_390 = arith.constant 0 : i32
    %dma_start3A_391 = tpu.memref_slice %arg2[%add3A_389, %dma_start3A_390] : memref<128x32768xf32, #tpu.memory_space<hbm>> -> memref<1x32768xf32, #tpu.memory_space<hbm>>
    %dma_start3A_392 = tpu.memref_squeeze %dma_start3A_391 : memref<1x32768xf32, #tpu.memory_space<hbm>> -> memref<32768xf32, #tpu.memory_space<hbm>>
    %dma_start3A_393 = arith.constant 0 : i32
    %dma_start3A_394 = tpu.memref_slice %arg2[%add3A_389, %dma_start3A_393] : memref<128x32768xf32, #tpu.memory_space<hbm>> -> memref<1x32768xf32, #tpu.memory_space<hbm>>
    %dma_start3A_395 = tpu.memref_squeeze %dma_start3A_394 : memref<1x32768xf32, #tpu.memory_space<hbm>> -> memref<32768xf32, #tpu.memory_space<hbm>>
    tpu.enqueue_dma source(%dma_start3A_395 : memref<32768xf32, #tpu.memory_space<hbm>>) target(%arg5 : memref<32768xf32, #tpu.memory_space<vmem>>) target_semaphore(%arg9 : memref<!tpu.dma_semaphore, #tpu.memory_space<semaphore_mem>>)
    %dma_wait3A_396 = arith.constant 0 : i32
    %dma_wait3A_397 = tpu.memref_slice %arg2[%add3A_198, %dma_wait3A_396] : memref<128x32768xf32, #tpu.memory_space<hbm>> -> memref<1x32768xf32, #tpu.memory_space<hbm>>
    %dma_wait3A_398 = tpu.memref_squeeze %dma_wait3A_397 : memref<1x32768xf32, #tpu.memory_space<hbm>> -> memref<32768xf32, #tpu.memory_space<hbm>>
    %dma_wait3A_399 = arith.constant 0 : i32
    %dma_wait3A_400 = tpu.memref_slice %arg2[%add3A_198, %dma_wait3A_399] : memref<128x32768xf32, #tpu.memory_space<hbm>> -> memref<1x32768xf32, #tpu.memory_space<hbm>>
    %dma_wait3A_401 = tpu.memref_squeeze %dma_wait3A_400 : memref<1x32768xf32, #tpu.memory_space<hbm>> -> memref<32768xf32, #tpu.memory_space<hbm>>
    tpu.wait_dma2 semaphore(%arg8 : memref<!tpu.dma_semaphore, #tpu.memory_space<semaphore_mem>>) src(%dma_wait3A_401 : memref<32768xf32, #tpu.memory_space<hbm>>) dst(%arg4 : memref<32768xf32, #tpu.memory_space<vmem>>)
    %parallel_loop3A_402 = arith.constant 0 : i32
    %parallel_loop3A_403 = arith.constant 1024 : i32
    %parallel_loop3A_404 = arith.constant 1 : i32
    scf.for %parallel_loop3A_758 = %parallel_loop3A_402 to %parallel_loop3A_403 step %parallel_loop3A_404  : i32 {
      %parallel_loop3A_759 = arith.constant 16 : i32
      %parallel_loop3A_760 = arith.muli %parallel_loop3A_758, %parallel_loop3A_759 : i32
      %parallel_loop3A_761 = arith.index_cast %parallel_loop3A_760 : i32 to index
      %parallel_loop3A_762 = tpu.vector_load %arg6[%parallel_loop3A_761] {strides = array<i32>} : memref<16384xi32, #tpu.memory_space<vmem>>, vector<16xi32>,
      tpu.vector_store %arg6[%parallel_loop3A_761], %broadcast_in_dim3A_3 {strides = array<i32>} : memref<16384xi32, #tpu.memory_space<vmem>>, vector<16xi32>,
    } {sc.loop_unroll_factor = 8 : i64, sc.parallel_access}
    %broadcast_in_dim3A_405 = arith.constant -2147483648 : i32
    %broadcast_in_dim3A_406 = vector.broadcast %broadcast_in_dim3A_405 : i32 to vector<16xi32>
    %parallel_loop3A_407 = arith.constant 0 : i32
    %parallel_loop3A_408 = arith.constant 2048 : i32
    %parallel_loop3A_409 = arith.constant 1 : i32
    %parallel_loop3A_410 = scf.for %parallel_loop3A_758 = %parallel_loop3A_407 to %parallel_loop3A_408 step %parallel_loop3A_409 iter_args(%parallel_loop3A_759 = %broadcast_in_dim3A_406) -> (vector<16xi32>)  : i32 {
      %parallel_loop3A_760 = arith.constant 16 : i32
      %parallel_loop3A_761 = arith.muli %parallel_loop3A_758, %parallel_loop3A_760 : i32
      %parallel_loop3A_762 = arith.index_cast %parallel_loop3A_761 : i32 to index
      %parallel_loop3A_763 = tpu.vector_load %arg4[%parallel_loop3A_762] {strides = array<i32>} : memref<32768xf32, #tpu.memory_space<vmem>>, vector<16xf32>,
      %parallel_loop3A_764 = tpu.bitcast %parallel_loop3A_763 : vector<16xf32> -> vector<16xi32>
      %parallel_loop3A_765 = arith.constant 31 : i32
      %parallel_loop3A_766 = vector.broadcast %parallel_loop3A_765 : i32 to vector<16xi32>
      %parallel_loop3A_767 = arith.shrsi %parallel_loop3A_764, %parallel_loop3A_766 : vector<16xi32>
      %parallel_loop3A_768 = arith.constant 2147483647 : i32
      %parallel_loop3A_769 = vector.broadcast %parallel_loop3A_768 : i32 to vector<16xi32>
      %parallel_loop3A_770 = arith.andi %parallel_loop3A_767, %parallel_loop3A_769 : vector<16xi32>
      %parallel_loop3A_771 = arith.xori %parallel_loop3A_764, %parallel_loop3A_770 : vector<16xi32>
      %parallel_loop3A_772 = arith.constant 18 : i32
      %parallel_loop3A_773 = vector.broadcast %parallel_loop3A_772 : i32 to vector<16xi32>
      %parallel_loop3A_774 = arith.shrsi %parallel_loop3A_771, %parallel_loop3A_773 : vector<16xi32>
      %parallel_loop3A_775 = arith.constant 8192 : i32
      %parallel_loop3A_776 = vector.broadcast %parallel_loop3A_775 : i32 to vector<16xi32>
      %parallel_loop3A_777 = arith.addi %parallel_loop3A_774, %parallel_loop3A_776 : vector<16xi32>
      tpu.vector_store_idx %arg6[%parallel_loop3A_777], %broadcast_in_dim3A_5 {add = true} : memref<16384xi32, #tpu.memory_space<vmem>>[vector<16xi32>], vector<16xi32>,
      %parallel_loop3A_778 = arith.maxsi %parallel_loop3A_759, %parallel_loop3A_771 : vector<16xi32>
      scf.yield %parallel_loop3A_778 : vector<16xi32>
    } {sc.loop_unroll_factor = 8 : i64, sc.parallel_access}
    %reduce_max3A_411 = arith.constant true
    %reduce_max3A_412 = vector.broadcast %reduce_max3A_411 : i1 to vector<16xi1>
    %reduce_max3A_413 = arith.constant -2147483648 : i32
    %reduce_max3A_414 = vector.broadcast %reduce_max3A_413 : i32 to vector<16xi32>
    %reduce_max3A_415 = arith.xori %parallel_loop3A_410, %reduce_max3A_414 : vector<16xi32>
    %reduce_max3A_416 = tpu.scan <max>, %reduce_max3A_415 masked %reduce_max3A_412 : vector<16xi32>, vector<16xi1> -> vector<16xi32>
    %reduce_max3A_417 = arith.xori %reduce_max3A_416, %reduce_max3A_414 : vector<16xi32>
    %reduce_max3A_418 = vector.extract %reduce_max3A_417[15] : i32 from vector<16xi32>
    %shift_right_arithmetic3A_419 = arith.constant 18 : i32
    %shift_right_arithmetic3A_420 = arith.shrsi %reduce_max3A_418, %shift_right_arithmetic3A_419 : i32
    %add3A_421 = arith.constant 8192 : i32
    %add3A_422 = arith.addi %shift_right_arithmetic3A_420, %add3A_421 : i32
    %jit3A_423 = arith.constant 16 : i32
    %div3A_424 = arith.divsi %add3A_422, %jit3A_423 : i32
    %sign3A_425 = arith.constant 0 : i32
    %sign3A_426 = arith.cmpi sgt, %add3A_422, %sign3A_425 : i32
    %sign3A_427 = arith.extui %sign3A_426 : i1 to i32
    %sign3A_428 = arith.constant 0 : i32
    %sign3A_429 = arith.cmpi slt, %add3A_422, %sign3A_428 : i32
    %sign3A_430 = arith.extui %sign3A_429 : i1 to i32
    %sign3A_431 = arith.subi %sign3A_427, %sign3A_430 : i32
    %sign3A_432 = arith.constant 0 : i32
    %sign3A_433 = arith.cmpi sgt, %jit3A_423, %sign3A_432 : i32
    %sign3A_434 = arith.extui %sign3A_433 : i1 to i32
    %sign3A_435 = arith.constant 0 : i32
    %sign3A_436 = arith.cmpi slt, %jit3A_423, %sign3A_435 : i32
    %sign3A_437 = arith.extui %sign3A_436 : i1 to i32
    %sign3A_438 = arith.subi %sign3A_434, %sign3A_437 : i32
    %ne3A_439 = arith.cmpi ne, %sign3A_431, %sign3A_438 : i32
    %rem3A_440 = arith.remsi %add3A_422, %jit3A_423 : i32
    %ne3A_441 = arith.constant 0 : i32
    %ne3A_442 = arith.cmpi ne, %rem3A_440, %ne3A_441 : i32
    %and3A_443 = arith.andi %ne3A_439, %ne3A_442 : i1
    %sub3A_444 = arith.constant 1 : i32
    %sub3A_445 = arith.subi %div3A_424, %sub3A_444 : i32
    %select_n3A_446 = arith.select %and3A_443, %sub3A_445, %div3A_424 : i32
    %while3A_447 = arith.constant 0 : i32
    %while3A_448:2 = scf.while (%while3A_758 = %select_n3A_446, %while3A_759 = %while3A_447) : (i32, i32) -> (i32, i32) {
      %mul3A_760 = arith.constant 16 : i32
      %mul3A_761 = arith.muli %while3A_758, %mul3A_760 : i32
      %get3A_762 = arith.index_cast %mul3A_761 : i32 to index
      %get3A_763 = tpu.vector_load %arg6[%get3A_762] {strides = array<i32>} : memref<16384xi32, #tpu.memory_space<vmem>>, vector<16xi32>,
      %reduce_sum3A_764 = arith.constant true
      %reduce_sum3A_765 = vector.broadcast %reduce_sum3A_764 : i1 to vector<16xi1>
      %reduce_sum3A_766 = tpu.scan <sum>, %get3A_763 masked %reduce_sum3A_765 : vector<16xi32>, vector<16xi1> -> vector<16xi32>
      %reduce_sum3A_767 = vector.extract %reduce_sum3A_766[15] : i32 from vector<16xi32>
      %add3A_768 = arith.addi %while3A_759, %reduce_sum3A_767 : i32
      %lt3A = arith.constant 3276 : i32
      %lt3A_769 = arith.cmpi slt, %add3A_768, %lt3A : i32
      scf.condition(%lt3A_769) %while3A_758, %while3A_759 : i32, i32
    } do {
    ^bb0(%while3A_758: i32, %while3A_759: i32):
      %mul3A_760 = arith.constant 16 : i32
      %mul3A_761 = arith.muli %while3A_758, %mul3A_760 : i32
      %get3A_762 = arith.index_cast %mul3A_761 : i32 to index
      %get3A_763 = tpu.vector_load %arg6[%get3A_762] {strides = array<i32>} : memref<16384xi32, #tpu.memory_space<vmem>>, vector<16xi32>,
      %reduce_sum3A_764 = arith.constant true
      %reduce_sum3A_765 = vector.broadcast %reduce_sum3A_764 : i1 to vector<16xi1>
      %reduce_sum3A_766 = tpu.scan <sum>, %get3A_763 masked %reduce_sum3A_765 : vector<16xi32>, vector<16xi1> -> vector<16xi32>
      %reduce_sum3A_767 = vector.extract %reduce_sum3A_766[15] : i32 from vector<16xi32>
      %sub3A_768 = arith.constant 1 : i32
      %sub3A_769 = arith.subi %while3A_758, %sub3A_768 : i32
      %add3A_770 = arith.addi %while3A_759, %reduce_sum3A_767 : i32
      scf.yield %sub3A_769, %add3A_770 : i32, i32
    }
    %mul3A_449 = arith.constant 16 : i32
    %mul3A_450 = arith.muli %while3A_448#0, %mul3A_449 : i32
    %get3A_451 = arith.index_cast %mul3A_450 : i32 to index
    %get3A_452 = tpu.vector_load %arg6[%get3A_451] {strides = array<i32>} : memref<16384xi32, #tpu.memory_space<vmem>>, vector<16xi32>,
    %reduce_sum3A_453 = arith.constant true
    %reduce_sum3A_454 = vector.broadcast %reduce_sum3A_453 : i1 to vector<16xi1>
    %reduce_sum3A_455 = tpu.scan <sum>, %get3A_452 masked %reduce_sum3A_454 : vector<16xi32>, vector<16xi1> -> vector<16xi32>
    %reduce_sum3A_456 = vector.extract %reduce_sum3A_455[15] : i32 from vector<16xi32>
    %broadcast_in_dim3A_457 = arith.constant true
    %broadcast_in_dim3A_458 = vector.broadcast %broadcast_in_dim3A_457 : i1 to vector<16xi1>
    %masked_cumsum3A_459 = tpu.scan <sum>, %get3A_452 masked %broadcast_in_dim3A_458 : vector<16xi32>, vector<16xi1> -> vector<16xi32>
    %sub3A_460 = vector.broadcast %reduce_sum3A_456 : i32 to vector<16xi32>
    %sub3A_461 = arith.subi %sub3A_460, %masked_cumsum3A_459 : vector<16xi32>
    %select_n3A_462 = arith.select %eq3A_17, %get3A_452, %broadcast_in_dim3A_3 : vector<16xi32>
    %add3A_463 = arith.addi %sub3A_461, %select_n3A_462 : vector<16xi32>
    %add3A_464 = vector.broadcast %while3A_448#1 : i32 to vector<16xi32>
    %add3A_465 = arith.addi %add3A_464, %add3A_463 : vector<16xi32>
    %ge3A_466 = arith.constant 3276 : i32
    %ge3A_467 = vector.broadcast %ge3A_466 : i32 to vector<16xi32>
    %ge3A_468 = arith.cmpi sge, %add3A_465, %ge3A_467 : vector<16xi32>
    %jit3A_469 = arith.constant -1 : i32
    %broadcast_in_dim3A_470 = vector.broadcast %jit3A_469 : i32 to vector<16xi32>
    %select_n3A_471 = arith.select %ge3A_468, %iota3A, %broadcast_in_dim3A_470 : vector<16xi1>, vector<16xi32>
    %reduce_max3A_472 = arith.constant true
    %reduce_max3A_473 = vector.broadcast %reduce_max3A_472 : i1 to vector<16xi1>
    %reduce_max3A_474 = arith.constant -2147483648 : i32
    %reduce_max3A_475 = vector.broadcast %reduce_max3A_474 : i32 to vector<16xi32>
    %reduce_max3A_476 = arith.xori %select_n3A_471, %reduce_max3A_475 : vector<16xi32>
    %reduce_max3A_477 = tpu.scan <max>, %reduce_max3A_476 masked %reduce_max3A_473 : vector<16xi32>, vector<16xi1> -> vector<16xi32>
    %reduce_max3A_478 = arith.xori %reduce_max3A_477, %reduce_max3A_475 : vector<16xi32>
    %reduce_max3A_479 = vector.extract %reduce_max3A_478[15] : i32 from vector<16xi32>
    %sub3A_480 = arith.constant 3276 : i32
    %sub3A_481 = arith.subi %sub3A_480, %while3A_448#1 : i32
    %sub3A_482 = vector.broadcast %sub3A_481 : i32 to vector<16xi32>
    %sub3A_483 = arith.subi %sub3A_482, %add3A_463 : vector<16xi32>
    %add3A_484 = arith.addi %sub3A_483, %get3A_452 : vector<16xi32>
    %eq3A_485 = vector.broadcast %reduce_max3A_479 : i32 to vector<16xi32>
    %eq3A_486 = arith.cmpi eq, %iota3A, %eq3A_485 : vector<16xi32>
    %jit3A_487 = arith.constant -2147483648 : i32
    %broadcast_in_dim3A_488 = vector.broadcast %jit3A_487 : i32 to vector<16xi32>
    %select_n3A_489 = arith.select %eq3A_486, %add3A_484, %broadcast_in_dim3A_488 : vector<16xi1>, vector<16xi32>
    %reduce_max3A_490 = arith.constant true
    %reduce_max3A_491 = vector.broadcast %reduce_max3A_490 : i1 to vector<16xi1>
    %reduce_max3A_492 = arith.constant -2147483648 : i32
    %reduce_max3A_493 = vector.broadcast %reduce_max3A_492 : i32 to vector<16xi32>
    %reduce_max3A_494 = arith.xori %select_n3A_489, %reduce_max3A_493 : vector<16xi32>
    %reduce_max3A_495 = tpu.scan <max>, %reduce_max3A_494 masked %reduce_max3A_491 : vector<16xi32>, vector<16xi1> -> vector<16xi32>
    %reduce_max3A_496 = arith.xori %reduce_max3A_495, %reduce_max3A_493 : vector<16xi32>
    %reduce_max3A_497 = vector.extract %reduce_max3A_496[15] : i32 from vector<16xi32>
    %mul3A_498 = arith.constant 16 : i32
    %mul3A_499 = arith.muli %while3A_448#0, %mul3A_498 : i32
    %add3A_500 = arith.addi %mul3A_499, %reduce_max3A_479 : i32
    %parallel_loop3A_501 = arith.constant 0 : i32
    %parallel_loop3A_502 = arith.constant 2048 : i32
    %parallel_loop3A_503 = arith.constant 1 : i32
    %parallel_loop3A_504 = scf.for %parallel_loop3A_758 = %parallel_loop3A_501 to %parallel_loop3A_502 step %parallel_loop3A_503 iter_args(%parallel_loop3A_759 = %broadcast_in_dim3A_3) -> (vector<16xi32>)  : i32 {
      %parallel_loop3A_760 = arith.constant 16 : i32
      %parallel_loop3A_761 = arith.muli %parallel_loop3A_758, %parallel_loop3A_760 : i32
      %parallel_loop3A_762 = arith.index_cast %parallel_loop3A_761 : i32 to index
      %parallel_loop3A_763 = tpu.vector_load %arg4[%parallel_loop3A_762] {strides = array<i32>} : memref<32768xf32, #tpu.memory_space<vmem>>, vector<16xf32>,
      %parallel_loop3A_764 = tpu.bitcast %parallel_loop3A_763 : vector<16xf32> -> vector<16xi32>
      %parallel_loop3A_765 = arith.constant 31 : i32
      %parallel_loop3A_766 = vector.broadcast %parallel_loop3A_765 : i32 to vector<16xi32>
      %parallel_loop3A_767 = arith.shrsi %parallel_loop3A_764, %parallel_loop3A_766 : vector<16xi32>
      %parallel_loop3A_768 = arith.constant 2147483647 : i32
      %parallel_loop3A_769 = vector.broadcast %parallel_loop3A_768 : i32 to vector<16xi32>
      %parallel_loop3A_770 = arith.andi %parallel_loop3A_767, %parallel_loop3A_769 : vector<16xi32>
      %parallel_loop3A_771 = arith.xori %parallel_loop3A_764, %parallel_loop3A_770 : vector<16xi32>
      %parallel_loop3A_772 = arith.constant 18 : i32
      %parallel_loop3A_773 = vector.broadcast %parallel_loop3A_772 : i32 to vector<16xi32>
      %parallel_loop3A_774 = arith.shrsi %parallel_loop3A_771, %parallel_loop3A_773 : vector<16xi32>
      %parallel_loop3A_775 = arith.constant 8192 : i32
      %parallel_loop3A_776 = vector.broadcast %parallel_loop3A_775 : i32 to vector<16xi32>
      %parallel_loop3A_777 = arith.addi %parallel_loop3A_774, %parallel_loop3A_776 : vector<16xi32>
      %parallel_loop3A_778 = vector.broadcast %add3A_500 : i32 to vector<16xi32>
      %parallel_loop3A_779 = arith.cmpi eq, %parallel_loop3A_777, %parallel_loop3A_778 : vector<16xi32>
      %parallel_loop3A_780 = arith.constant 1 : i32
      %parallel_loop3A_781 = arith.constant 0 : i32
      %parallel_loop3A_782 = vector.broadcast %parallel_loop3A_780 : i32 to vector<16xi32>
      %parallel_loop3A_783 = vector.broadcast %parallel_loop3A_781 : i32 to vector<16xi32>
      %parallel_loop3A_784 = arith.select %parallel_loop3A_779, %parallel_loop3A_782, %parallel_loop3A_783 : vector<16xi1>, vector<16xi32>
      %parallel_loop3A_785 = arith.constant true
      %parallel_loop3A_786 = vector.broadcast %parallel_loop3A_785 : i1 to vector<16xi1>
      %parallel_loop3A_787 = tpu.scan <sum>, %parallel_loop3A_784 masked %parallel_loop3A_786 : vector<16xi32>, vector<16xi1> -> vector<16xi32>
      %parallel_loop3A_788 = arith.select %eq3A_17, %parallel_loop3A_784, %broadcast_in_dim3A_3 : vector<16xi32>
      %parallel_loop3A_789 = arith.subi %parallel_loop3A_787, %parallel_loop3A_788 : vector<16xi32>
      %parallel_loop3A_790 = arith.addi %parallel_loop3A_759, %parallel_loop3A_789 : vector<16xi32>
      tpu.vector_store_idx %arg7[%parallel_loop3A_790], %parallel_loop3A_771 masked %parallel_loop3A_779 : memref<32784xi32, #tpu.memory_space<vmem>>[vector<16xi32>], vector<16xi32>, vector<16xi1>
      %parallel_loop3A_791 = tpu.all_reduce %parallel_loop3A_779 {dim = 0 : i64, kind = #tpu.reduction_kind<sum>} : vector<16xi1> -> vector<16xi32>
      %parallel_loop3A_792 = arith.addi %parallel_loop3A_759, %parallel_loop3A_791 : vector<16xi32>
      scf.yield %parallel_loop3A_792 : vector<16xi32>
    } {sc.loop_unroll_factor = 8 : i64, sc.parallel_access}
    %reduce_max3A_505 = arith.constant true
    %reduce_max3A_506 = vector.broadcast %reduce_max3A_505 : i1 to vector<16xi1>
    %reduce_max3A_507 = arith.constant -2147483648 : i32
    %reduce_max3A_508 = vector.broadcast %reduce_max3A_507 : i32 to vector<16xi32>
    %reduce_max3A_509 = arith.xori %parallel_loop3A_504, %reduce_max3A_508 : vector<16xi32>
    %reduce_max3A_510 = tpu.scan <max>, %reduce_max3A_509 masked %reduce_max3A_506 : vector<16xi32>, vector<16xi1> -> vector<16xi32>
    %reduce_max3A_511 = arith.xori %reduce_max3A_510, %reduce_max3A_508 : vector<16xi32>
    %reduce_max3A_512 = vector.extract %reduce_max3A_511[15] : i32 from vector<16xi32>
    %add3A_513 = arith.constant 16 : i32
    %add3A_514 = arith.addi %reduce_max3A_512, %add3A_513 : i32
    %sub3A_515 = arith.constant 1 : i32
    %sub3A_516 = arith.subi %add3A_514, %sub3A_515 : i32
    %jit3A_517 = arith.constant 16 : i32
    %div3A_518 = arith.divsi %sub3A_516, %jit3A_517 : i32
    %sign3A_519 = arith.constant 0 : i32
    %sign3A_520 = arith.cmpi sgt, %sub3A_516, %sign3A_519 : i32
    %sign3A_521 = arith.extui %sign3A_520 : i1 to i32
    %sign3A_522 = arith.constant 0 : i32
    %sign3A_523 = arith.cmpi slt, %sub3A_516, %sign3A_522 : i32
    %sign3A_524 = arith.extui %sign3A_523 : i1 to i32
    %sign3A_525 = arith.subi %sign3A_521, %sign3A_524 : i32
    %sign3A_526 = arith.constant 0 : i32
    %sign3A_527 = arith.cmpi sgt, %jit3A_517, %sign3A_526 : i32
    %sign3A_528 = arith.extui %sign3A_527 : i1 to i32
    %sign3A_529 = arith.constant 0 : i32
    %sign3A_530 = arith.cmpi slt, %jit3A_517, %sign3A_529 : i32
    %sign3A_531 = arith.extui %sign3A_530 : i1 to i32
    %sign3A_532 = arith.subi %sign3A_528, %sign3A_531 : i32
    %ne3A_533 = arith.cmpi ne, %sign3A_525, %sign3A_532 : i32
    %rem3A_534 = arith.remsi %sub3A_516, %jit3A_517 : i32
    %ne3A_535 = arith.constant 0 : i32
    %ne3A_536 = arith.cmpi ne, %rem3A_534, %ne3A_535 : i32
    %and3A_537 = arith.andi %ne3A_533, %ne3A_536 : i1
    %sub3A_538 = arith.constant 1 : i32
    %sub3A_539 = arith.subi %div3A_518, %sub3A_538 : i32
    %select_n3A_540 = arith.select %and3A_537, %sub3A_539, %div3A_518 : i32
    %sub3A_541 = arith.constant 8192 : i32
    %sub3A_542 = arith.subi %add3A_500, %sub3A_541 : i32
    %shift_left3A_543 = arith.constant 18 : i32
    %shift_left3A_544 = arith.shli %sub3A_542, %shift_left3A_543 : i32
    %scan3A_545 = arith.constant 0 : i32
    %scan3A_546 = arith.constant 18 : i32
    %scan3A_547 = arith.addi %scan3A_545, %scan3A_546 : i32
    %scan3A_548 = arith.constant 1 : i32
    %scan3A_549 = scf.for %scan3A_758 = %scan3A_545 to %scan3A_547 step %scan3A_548 iter_args(%scan3A_759 = %shift_left3A_544) -> (i32)  : i32 {
      %sub3A_760 = arith.constant 17 : i32
      %sub3A_761 = arith.subi %sub3A_760, %scan3A_758 : i32
      %shift_left3A_762 = arith.constant 1 : i32
      %shift_left3A_763 = arith.shli %shift_left3A_762, %sub3A_761 : i32
      %or3A = arith.ori %scan3A_759, %shift_left3A_763 : i32
      %while3A_764 = arith.constant 0 : i32
      %while3A_765 = arith.subi %select_n3A_540, %while3A_764 : i32
      %while3A_766 = arith.addi %while3A_764, %while3A_765 : i32
      %while3A_767 = arith.constant 1 : i32
      %while3A_768 = arith.divsi %while3A_765, %while3A_767 : i32
      %while3A_769 = arith.muli %while3A_768, %while3A_767 : i32
      %while3A_770 = arith.addi %while3A_764, %while3A_769 : i32
      %while3A_771 = arith.constant 1 : i32
      %while3A_772 = scf.for %while3A_781 = %while3A_764 to %while3A_770 step %while3A_771 iter_args(%while3A_782 = %broadcast_in_dim3A_3) -> (vector<16xi32>)  : i32 {
        %mul3A_783 = arith.constant 16 : i32
        %mul3A_784 = arith.muli %while3A_781, %mul3A_783 : i32
        %get3A_785 = arith.index_cast %mul3A_784 : i32 to index
        %get3A_786 = tpu.vector_load %arg7[%get3A_785] {strides = array<i32>} : memref<32784xi32, #tpu.memory_space<vmem>>, vector<16xi32>,
        %mul3A_787 = arith.constant 16 : i32
        %mul3A_788 = arith.muli %while3A_781, %mul3A_787 : i32
        %add3A_789 = vector.broadcast %mul3A_788 : i32 to vector<16xi32>
        %add3A_790 = arith.addi %add3A_789, %iota3A : vector<16xi32>
        %lt3A = vector.broadcast %reduce_max3A_512 : i32 to vector<16xi32>
        %lt3A_791 = arith.cmpi slt, %add3A_790, %lt3A : vector<16xi32>
        %ge3A_792 = vector.broadcast %or3A : i32 to vector<16xi32>
        %ge3A_793 = arith.cmpi sge, %get3A_786, %ge3A_792 : vector<16xi32>
        %and3A_794 = arith.andi %lt3A_791, %ge3A_793 : vector<16xi1>
        %jit3A_795 = arith.constant 1 : i32
        %jit3A_796 = arith.constant 0 : i32
        %broadcast_in_dim3A_797 = vector.broadcast %jit3A_795 : i32 to vector<16xi32>
        %broadcast_in_dim3A_798 = vector.broadcast %jit3A_796 : i32 to vector<16xi32>
        %select_n3A_799 = arith.select %and3A_794, %broadcast_in_dim3A_797, %broadcast_in_dim3A_798 : vector<16xi1>, vector<16xi32>
        %add3A_800 = arith.addi %while3A_782, %select_n3A_799 : vector<16xi32>
        scf.yield %add3A_800 : vector<16xi32>
      }
      %while3A_773 = arith.constant 1 : i32
      %while3A_774 = scf.for %while3A_781 = %while3A_770 to %while3A_766 step %while3A_773 iter_args(%while3A_782 = %while3A_772) -> (vector<16xi32>)  : i32 {
        %mul3A_783 = arith.constant 16 : i32
        %mul3A_784 = arith.muli %while3A_781, %mul3A_783 : i32
        %get3A_785 = arith.index_cast %mul3A_784 : i32 to index
        %get3A_786 = tpu.vector_load %arg7[%get3A_785] {strides = array<i32>} : memref<32784xi32, #tpu.memory_space<vmem>>, vector<16xi32>,
        %mul3A_787 = arith.constant 16 : i32
        %mul3A_788 = arith.muli %while3A_781, %mul3A_787 : i32
        %add3A_789 = vector.broadcast %mul3A_788 : i32 to vector<16xi32>
        %add3A_790 = arith.addi %add3A_789, %iota3A : vector<16xi32>
        %lt3A = vector.broadcast %reduce_max3A_512 : i32 to vector<16xi32>
        %lt3A_791 = arith.cmpi slt, %add3A_790, %lt3A : vector<16xi32>
        %ge3A_792 = vector.broadcast %or3A : i32 to vector<16xi32>
        %ge3A_793 = arith.cmpi sge, %get3A_786, %ge3A_792 : vector<16xi32>
        %and3A_794 = arith.andi %lt3A_791, %ge3A_793 : vector<16xi1>
        %jit3A_795 = arith.constant 1 : i32
        %jit3A_796 = arith.constant 0 : i32
        %broadcast_in_dim3A_797 = vector.broadcast %jit3A_795 : i32 to vector<16xi32>
        %broadcast_in_dim3A_798 = vector.broadcast %jit3A_796 : i32 to vector<16xi32>
        %select_n3A_799 = arith.select %and3A_794, %broadcast_in_dim3A_797, %broadcast_in_dim3A_798 : vector<16xi1>, vector<16xi32>
        %add3A_800 = arith.addi %while3A_782, %select_n3A_799 : vector<16xi32>
        scf.yield %add3A_800 : vector<16xi32>
      }
      %reduce_sum3A_775 = arith.constant true
      %reduce_sum3A_776 = vector.broadcast %reduce_sum3A_775 : i1 to vector<16xi1>
      %reduce_sum3A_777 = tpu.scan <sum>, %while3A_774 masked %reduce_sum3A_776 : vector<16xi32>, vector<16xi1> -> vector<16xi32>
      %reduce_sum3A_778 = vector.extract %reduce_sum3A_777[15] : i32 from vector<16xi32>
      %ge3A_779 = arith.cmpi sge, %reduce_sum3A_778, %reduce_max3A_497 : i32
      %select_n3A_780 = arith.select %ge3A_779, %or3A, %scan3A_759 : i32
      scf.yield %select_n3A_780 : i32
    }
    %scan3A_550 = arith.constant 18 : i32
    %broadcast_in_dim3A_551 = vector.broadcast %scan3A_549 : i32 to vector<16xi32>
    %shift_right_arithmetic3A_552 = arith.constant 31 : i32
    %shift_right_arithmetic3A_553 = vector.broadcast %shift_right_arithmetic3A_552 : i32 to vector<16xi32>
    %shift_right_arithmetic3A_554 = arith.shrsi %broadcast_in_dim3A_551, %shift_right_arithmetic3A_553 : vector<16xi32>
    %and3A_555 = arith.constant 2147483647 : i32
    %and3A_556 = vector.broadcast %and3A_555 : i32 to vector<16xi32>
    %and3A_557 = arith.andi %shift_right_arithmetic3A_554, %and3A_556 : vector<16xi32>
    %xor3A_558 = arith.xori %broadcast_in_dim3A_551, %and3A_557 : vector<16xi32>
    %bitcast_convert_type3A_559 = tpu.bitcast %xor3A_558 : vector<16xi32> -> vector<16xf32>
    %parallel_loop3A_560 = arith.constant 0 : i32
    %parallel_loop3A_561 = arith.constant 2048 : i32
    %parallel_loop3A_562 = arith.constant 1 : i32
    scf.for %parallel_loop3A_758 = %parallel_loop3A_560 to %parallel_loop3A_561 step %parallel_loop3A_562  : i32 {
      %parallel_loop3A_759 = arith.constant 16 : i32
      %parallel_loop3A_760 = arith.muli %parallel_loop3A_758, %parallel_loop3A_759 : i32
      %parallel_loop3A_761 = arith.index_cast %parallel_loop3A_760 : i32 to index
      %parallel_loop3A_762 = tpu.vector_load %arg4[%parallel_loop3A_761] {strides = array<i32>} : memref<32768xf32, #tpu.memory_space<vmem>>, vector<16xf32>,
      %parallel_loop3A_763 = arith.cmpf oge, %parallel_loop3A_762, %bitcast_convert_type3A_559 : vector<16xf32>
      %parallel_loop3A_764 = arith.select %parallel_loop3A_763, %parallel_loop3A_762, %broadcast_in_dim3A_7 : vector<16xi1>, vector<16xf32>
      %parallel_loop3A_765 = arith.index_cast %parallel_loop3A_760 : i32 to index
      %parallel_loop3A_766 = tpu.vector_load %arg4[%parallel_loop3A_765] {strides = array<i32>} : memref<32768xf32, #tpu.memory_space<vmem>>, vector<16xf32>,
      tpu.vector_store %arg4[%parallel_loop3A_765], %parallel_loop3A_764 {strides = array<i32>} : memref<32768xf32, #tpu.memory_space<vmem>>, vector<16xf32>,
    } {sc.loop_unroll_factor = 8 : i64, sc.parallel_access}
    %add3A_563 = arith.constant 2 : i32
    %add3A_564 = arith.addi %mul3A_2, %add3A_563 : i32
    %dma_start3A_565 = arith.constant 0 : i32
    %dma_start3A_566 = tpu.memref_slice %arg3[%add3A_564, %dma_start3A_565] : memref<128x32768xf32, #tpu.memory_space<hbm>> -> memref<1x32768xf32, #tpu.memory_space<hbm>>
    %dma_start3A_567 = tpu.memref_squeeze %dma_start3A_566 : memref<1x32768xf32, #tpu.memory_space<hbm>> -> memref<32768xf32, #tpu.memory_space<hbm>>
    %dma_start3A_568 = arith.constant 0 : i32
    %dma_start3A_569 = tpu.memref_slice %arg3[%add3A_564, %dma_start3A_568] : memref<128x32768xf32, #tpu.memory_space<hbm>> -> memref<1x32768xf32, #tpu.memory_space<hbm>>
    %dma_start3A_570 = tpu.memref_squeeze %dma_start3A_569 : memref<1x32768xf32, #tpu.memory_space<hbm>> -> memref<32768xf32, #tpu.memory_space<hbm>>
    tpu.enqueue_dma source(%arg4 : memref<32768xf32, #tpu.memory_space<vmem>>) target(%dma_start3A_570 : memref<32768xf32, #tpu.memory_space<hbm>>) target_semaphore(%arg10 : memref<!tpu.dma_semaphore, #tpu.memory_space<semaphore_mem>>)
    %dma_wait3A_571 = arith.constant 0 : i32
    %dma_wait3A_572 = tpu.memref_slice %arg3[%add3A_564, %dma_wait3A_571] : memref<128x32768xf32, #tpu.memory_space<hbm>> -> memref<1x32768xf32, #tpu.memory_space<hbm>>
    %dma_wait3A_573 = tpu.memref_squeeze %dma_wait3A_572 : memref<1x32768xf32, #tpu.memory_space<hbm>> -> memref<32768xf32, #tpu.memory_space<hbm>>
    %dma_wait3A_574 = arith.constant 0 : i32
    %dma_wait3A_575 = tpu.memref_slice %arg3[%add3A_564, %dma_wait3A_574] : memref<128x32768xf32, #tpu.memory_space<hbm>> -> memref<1x32768xf32, #tpu.memory_space<hbm>>
    %dma_wait3A_576 = tpu.memref_squeeze %dma_wait3A_575 : memref<1x32768xf32, #tpu.memory_space<hbm>> -> memref<32768xf32, #tpu.memory_space<hbm>>
    tpu.wait_dma2 semaphore(%arg10 : memref<!tpu.dma_semaphore, #tpu.memory_space<semaphore_mem>>) src(%arg4 : memref<32768xf32, #tpu.memory_space<vmem>>) dst(%dma_wait3A_576 : memref<32768xf32, #tpu.memory_space<hbm>>)
    %dma_wait3A_577 = arith.constant 0 : i32
    %dma_wait3A_578 = tpu.memref_slice %arg2[%add3A_389, %dma_wait3A_577] : memref<128x32768xf32, #tpu.memory_space<hbm>> -> memref<1x32768xf32, #tpu.memory_space<hbm>>
    %dma_wait3A_579 = tpu.memref_squeeze %dma_wait3A_578 : memref<1x32768xf32, #tpu.memory_space<hbm>> -> memref<32768xf32, #tpu.memory_space<hbm>>
    %dma_wait3A_580 = arith.constant 0 : i32
    %dma_wait3A_581 = tpu.memref_slice %arg2[%add3A_389, %dma_wait3A_580] : memref<128x32768xf32, #tpu.memory_space<hbm>> -> memref<1x32768xf32, #tpu.memory_space<hbm>>
    %dma_wait3A_582 = tpu.memref_squeeze %dma_wait3A_581 : memref<1x32768xf32, #tpu.memory_space<hbm>> -> memref<32768xf32, #tpu.memory_space<hbm>>
    tpu.wait_dma2 semaphore(%arg9 : memref<!tpu.dma_semaphore, #tpu.memory_space<semaphore_mem>>) src(%dma_wait3A_582 : memref<32768xf32, #tpu.memory_space<hbm>>) dst(%arg5 : memref<32768xf32, #tpu.memory_space<vmem>>)
    %parallel_loop3A_583 = arith.constant 0 : i32
    %parallel_loop3A_584 = arith.constant 1024 : i32
    %parallel_loop3A_585 = arith.constant 1 : i32
    scf.for %parallel_loop3A_758 = %parallel_loop3A_583 to %parallel_loop3A_584 step %parallel_loop3A_585  : i32 {
      %parallel_loop3A_759 = arith.constant 16 : i32
      %parallel_loop3A_760 = arith.muli %parallel_loop3A_758, %parallel_loop3A_759 : i32
      %parallel_loop3A_761 = arith.index_cast %parallel_loop3A_760 : i32 to index
      %parallel_loop3A_762 = tpu.vector_load %arg6[%parallel_loop3A_761] {strides = array<i32>} : memref<16384xi32, #tpu.memory_space<vmem>>, vector<16xi32>,
      tpu.vector_store %arg6[%parallel_loop3A_761], %broadcast_in_dim3A_3 {strides = array<i32>} : memref<16384xi32, #tpu.memory_space<vmem>>, vector<16xi32>,
    } {sc.loop_unroll_factor = 8 : i64, sc.parallel_access}
    %broadcast_in_dim3A_586 = arith.constant -2147483648 : i32
    %broadcast_in_dim3A_587 = vector.broadcast %broadcast_in_dim3A_586 : i32 to vector<16xi32>
    %parallel_loop3A_588 = arith.constant 0 : i32
    %parallel_loop3A_589 = arith.constant 2048 : i32
    %parallel_loop3A_590 = arith.constant 1 : i32
    %parallel_loop3A_591 = scf.for %parallel_loop3A_758 = %parallel_loop3A_588 to %parallel_loop3A_589 step %parallel_loop3A_590 iter_args(%parallel_loop3A_759 = %broadcast_in_dim3A_587) -> (vector<16xi32>)  : i32 {
      %parallel_loop3A_760 = arith.constant 16 : i32
      %parallel_loop3A_761 = arith.muli %parallel_loop3A_758, %parallel_loop3A_760 : i32
      %parallel_loop3A_762 = arith.index_cast %parallel_loop3A_761 : i32 to index
      %parallel_loop3A_763 = tpu.vector_load %arg5[%parallel_loop3A_762] {strides = array<i32>} : memref<32768xf32, #tpu.memory_space<vmem>>, vector<16xf32>,
      %parallel_loop3A_764 = tpu.bitcast %parallel_loop3A_763 : vector<16xf32> -> vector<16xi32>
      %parallel_loop3A_765 = arith.constant 31 : i32
      %parallel_loop3A_766 = vector.broadcast %parallel_loop3A_765 : i32 to vector<16xi32>
      %parallel_loop3A_767 = arith.shrsi %parallel_loop3A_764, %parallel_loop3A_766 : vector<16xi32>
      %parallel_loop3A_768 = arith.constant 2147483647 : i32
      %parallel_loop3A_769 = vector.broadcast %parallel_loop3A_768 : i32 to vector<16xi32>
      %parallel_loop3A_770 = arith.andi %parallel_loop3A_767, %parallel_loop3A_769 : vector<16xi32>
      %parallel_loop3A_771 = arith.xori %parallel_loop3A_764, %parallel_loop3A_770 : vector<16xi32>
      %parallel_loop3A_772 = arith.constant 18 : i32
      %parallel_loop3A_773 = vector.broadcast %parallel_loop3A_772 : i32 to vector<16xi32>
      %parallel_loop3A_774 = arith.shrsi %parallel_loop3A_771, %parallel_loop3A_773 : vector<16xi32>
      %parallel_loop3A_775 = arith.constant 8192 : i32
      %parallel_loop3A_776 = vector.broadcast %parallel_loop3A_775 : i32 to vector<16xi32>
      %parallel_loop3A_777 = arith.addi %parallel_loop3A_774, %parallel_loop3A_776 : vector<16xi32>
      tpu.vector_store_idx %arg6[%parallel_loop3A_777], %broadcast_in_dim3A_5 {add = true} : memref<16384xi32, #tpu.memory_space<vmem>>[vector<16xi32>], vector<16xi32>,
      %parallel_loop3A_778 = arith.maxsi %parallel_loop3A_759, %parallel_loop3A_771 : vector<16xi32>
      scf.yield %parallel_loop3A_778 : vector<16xi32>
    } {sc.loop_unroll_factor = 8 : i64, sc.parallel_access}
    %reduce_max3A_592 = arith.constant true
    %reduce_max3A_593 = vector.broadcast %reduce_max3A_592 : i1 to vector<16xi1>
    %reduce_max3A_594 = arith.constant -2147483648 : i32
    %reduce_max3A_595 = vector.broadcast %reduce_max3A_594 : i32 to vector<16xi32>
    %reduce_max3A_596 = arith.xori %parallel_loop3A_591, %reduce_max3A_595 : vector<16xi32>
    %reduce_max3A_597 = tpu.scan <max>, %reduce_max3A_596 masked %reduce_max3A_593 : vector<16xi32>, vector<16xi1> -> vector<16xi32>
    %reduce_max3A_598 = arith.xori %reduce_max3A_597, %reduce_max3A_595 : vector<16xi32>
    %reduce_max3A_599 = vector.extract %reduce_max3A_598[15] : i32 from vector<16xi32>
    %shift_right_arithmetic3A_600 = arith.constant 18 : i32
    %shift_right_arithmetic3A_601 = arith.shrsi %reduce_max3A_599, %shift_right_arithmetic3A_600 : i32
    %add3A_602 = arith.constant 8192 : i32
    %add3A_603 = arith.addi %shift_right_arithmetic3A_601, %add3A_602 : i32
    %jit3A_604 = arith.constant 16 : i32
    %div3A_605 = arith.divsi %add3A_603, %jit3A_604 : i32
    %sign3A_606 = arith.constant 0 : i32
    %sign3A_607 = arith.cmpi sgt, %add3A_603, %sign3A_606 : i32
    %sign3A_608 = arith.extui %sign3A_607 : i1 to i32
    %sign3A_609 = arith.constant 0 : i32
    %sign3A_610 = arith.cmpi slt, %add3A_603, %sign3A_609 : i32
    %sign3A_611 = arith.extui %sign3A_610 : i1 to i32
    %sign3A_612 = arith.subi %sign3A_608, %sign3A_611 : i32
    %sign3A_613 = arith.constant 0 : i32
    %sign3A_614 = arith.cmpi sgt, %jit3A_604, %sign3A_613 : i32
    %sign3A_615 = arith.extui %sign3A_614 : i1 to i32
    %sign3A_616 = arith.constant 0 : i32
    %sign3A_617 = arith.cmpi slt, %jit3A_604, %sign3A_616 : i32
    %sign3A_618 = arith.extui %sign3A_617 : i1 to i32
    %sign3A_619 = arith.subi %sign3A_615, %sign3A_618 : i32
    %ne3A_620 = arith.cmpi ne, %sign3A_612, %sign3A_619 : i32
    %rem3A_621 = arith.remsi %add3A_603, %jit3A_604 : i32
    %ne3A_622 = arith.constant 0 : i32
    %ne3A_623 = arith.cmpi ne, %rem3A_621, %ne3A_622 : i32
    %and3A_624 = arith.andi %ne3A_620, %ne3A_623 : i1
    %sub3A_625 = arith.constant 1 : i32
    %sub3A_626 = arith.subi %div3A_605, %sub3A_625 : i32
    %select_n3A_627 = arith.select %and3A_624, %sub3A_626, %div3A_605 : i32
    %while3A_628 = arith.constant 0 : i32
    %while3A_629:2 = scf.while (%while3A_758 = %select_n3A_627, %while3A_759 = %while3A_628) : (i32, i32) -> (i32, i32) {
      %mul3A_760 = arith.constant 16 : i32
      %mul3A_761 = arith.muli %while3A_758, %mul3A_760 : i32
      %get3A_762 = arith.index_cast %mul3A_761 : i32 to index
      %get3A_763 = tpu.vector_load %arg6[%get3A_762] {strides = array<i32>} : memref<16384xi32, #tpu.memory_space<vmem>>, vector<16xi32>,
      %reduce_sum3A_764 = arith.constant true
      %reduce_sum3A_765 = vector.broadcast %reduce_sum3A_764 : i1 to vector<16xi1>
      %reduce_sum3A_766 = tpu.scan <sum>, %get3A_763 masked %reduce_sum3A_765 : vector<16xi32>, vector<16xi1> -> vector<16xi32>
      %reduce_sum3A_767 = vector.extract %reduce_sum3A_766[15] : i32 from vector<16xi32>
      %add3A_768 = arith.addi %while3A_759, %reduce_sum3A_767 : i32
      %lt3A = arith.constant 3276 : i32
      %lt3A_769 = arith.cmpi slt, %add3A_768, %lt3A : i32
      scf.condition(%lt3A_769) %while3A_758, %while3A_759 : i32, i32
    } do {
    ^bb0(%while3A_758: i32, %while3A_759: i32):
      %mul3A_760 = arith.constant 16 : i32
      %mul3A_761 = arith.muli %while3A_758, %mul3A_760 : i32
      %get3A_762 = arith.index_cast %mul3A_761 : i32 to index
      %get3A_763 = tpu.vector_load %arg6[%get3A_762] {strides = array<i32>} : memref<16384xi32, #tpu.memory_space<vmem>>, vector<16xi32>,
      %reduce_sum3A_764 = arith.constant true
      %reduce_sum3A_765 = vector.broadcast %reduce_sum3A_764 : i1 to vector<16xi1>
      %reduce_sum3A_766 = tpu.scan <sum>, %get3A_763 masked %reduce_sum3A_765 : vector<16xi32>, vector<16xi1> -> vector<16xi32>
      %reduce_sum3A_767 = vector.extract %reduce_sum3A_766[15] : i32 from vector<16xi32>
      %sub3A_768 = arith.constant 1 : i32
      %sub3A_769 = arith.subi %while3A_758, %sub3A_768 : i32
      %add3A_770 = arith.addi %while3A_759, %reduce_sum3A_767 : i32
      scf.yield %sub3A_769, %add3A_770 : i32, i32
    }
    %mul3A_630 = arith.constant 16 : i32
    %mul3A_631 = arith.muli %while3A_629#0, %mul3A_630 : i32
    %get3A_632 = arith.index_cast %mul3A_631 : i32 to index
    %get3A_633 = tpu.vector_load %arg6[%get3A_632] {strides = array<i32>} : memref<16384xi32, #tpu.memory_space<vmem>>, vector<16xi32>,
    %reduce_sum3A_634 = arith.constant true
    %reduce_sum3A_635 = vector.broadcast %reduce_sum3A_634 : i1 to vector<16xi1>
    %reduce_sum3A_636 = tpu.scan <sum>, %get3A_633 masked %reduce_sum3A_635 : vector<16xi32>, vector<16xi1> -> vector<16xi32>
    %reduce_sum3A_637 = vector.extract %reduce_sum3A_636[15] : i32 from vector<16xi32>
    %broadcast_in_dim3A_638 = arith.constant true
    %broadcast_in_dim3A_639 = vector.broadcast %broadcast_in_dim3A_638 : i1 to vector<16xi1>
    %masked_cumsum3A_640 = tpu.scan <sum>, %get3A_633 masked %broadcast_in_dim3A_639 : vector<16xi32>, vector<16xi1> -> vector<16xi32>
    %sub3A_641 = vector.broadcast %reduce_sum3A_637 : i32 to vector<16xi32>
    %sub3A_642 = arith.subi %sub3A_641, %masked_cumsum3A_640 : vector<16xi32>
    %select_n3A_643 = arith.select %eq3A_17, %get3A_633, %broadcast_in_dim3A_3 : vector<16xi32>
    %add3A_644 = arith.addi %sub3A_642, %select_n3A_643 : vector<16xi32>
    %add3A_645 = vector.broadcast %while3A_629#1 : i32 to vector<16xi32>
    %add3A_646 = arith.addi %add3A_645, %add3A_644 : vector<16xi32>
    %ge3A_647 = arith.constant 3276 : i32
    %ge3A_648 = vector.broadcast %ge3A_647 : i32 to vector<16xi32>
    %ge3A_649 = arith.cmpi sge, %add3A_646, %ge3A_648 : vector<16xi32>
    %jit3A_650 = arith.constant -1 : i32
    %broadcast_in_dim3A_651 = vector.broadcast %jit3A_650 : i32 to vector<16xi32>
    %select_n3A_652 = arith.select %ge3A_649, %iota3A, %broadcast_in_dim3A_651 : vector<16xi1>, vector<16xi32>
    %reduce_max3A_653 = arith.constant true
    %reduce_max3A_654 = vector.broadcast %reduce_max3A_653 : i1 to vector<16xi1>
    %reduce_max3A_655 = arith.constant -2147483648 : i32
    %reduce_max3A_656 = vector.broadcast %reduce_max3A_655 : i32 to vector<16xi32>
    %reduce_max3A_657 = arith.xori %select_n3A_652, %reduce_max3A_656 : vector<16xi32>
    %reduce_max3A_658 = tpu.scan <max>, %reduce_max3A_657 masked %reduce_max3A_654 : vector<16xi32>, vector<16xi1> -> vector<16xi32>
    %reduce_max3A_659 = arith.xori %reduce_max3A_658, %reduce_max3A_656 : vector<16xi32>
    %reduce_max3A_660 = vector.extract %reduce_max3A_659[15] : i32 from vector<16xi32>
    %sub3A_661 = arith.constant 3276 : i32
    %sub3A_662 = arith.subi %sub3A_661, %while3A_629#1 : i32
    %sub3A_663 = vector.broadcast %sub3A_662 : i32 to vector<16xi32>
    %sub3A_664 = arith.subi %sub3A_663, %add3A_644 : vector<16xi32>
    %add3A_665 = arith.addi %sub3A_664, %get3A_633 : vector<16xi32>
    %eq3A_666 = vector.broadcast %reduce_max3A_660 : i32 to vector<16xi32>
    %eq3A_667 = arith.cmpi eq, %iota3A, %eq3A_666 : vector<16xi32>
    %jit3A_668 = arith.constant -2147483648 : i32
    %broadcast_in_dim3A_669 = vector.broadcast %jit3A_668 : i32 to vector<16xi32>
    %select_n3A_670 = arith.select %eq3A_667, %add3A_665, %broadcast_in_dim3A_669 : vector<16xi1>, vector<16xi32>
    %reduce_max3A_671 = arith.constant true
    %reduce_max3A_672 = vector.broadcast %reduce_max3A_671 : i1 to vector<16xi1>
    %reduce_max3A_673 = arith.constant -2147483648 : i32
    %reduce_max3A_674 = vector.broadcast %reduce_max3A_673 : i32 to vector<16xi32>
    %reduce_max3A_675 = arith.xori %select_n3A_670, %reduce_max3A_674 : vector<16xi32>
    %reduce_max3A_676 = tpu.scan <max>, %reduce_max3A_675 masked %reduce_max3A_672 : vector<16xi32>, vector<16xi1> -> vector<16xi32>
    %reduce_max3A_677 = arith.xori %reduce_max3A_676, %reduce_max3A_674 : vector<16xi32>
    %reduce_max3A_678 = vector.extract %reduce_max3A_677[15] : i32 from vector<16xi32>
    %mul3A_679 = arith.constant 16 : i32
    %mul3A_680 = arith.muli %while3A_629#0, %mul3A_679 : i32
    %add3A_681 = arith.addi %mul3A_680, %reduce_max3A_660 : i32
    %parallel_loop3A_682 = arith.constant 0 : i32
    %parallel_loop3A_683 = arith.constant 2048 : i32
    %parallel_loop3A_684 = arith.constant 1 : i32
    %parallel_loop3A_685 = scf.for %parallel_loop3A_758 = %parallel_loop3A_682 to %parallel_loop3A_683 step %parallel_loop3A_684 iter_args(%parallel_loop3A_759 = %broadcast_in_dim3A_3) -> (vector<16xi32>)  : i32 {
      %parallel_loop3A_760 = arith.constant 16 : i32
      %parallel_loop3A_761 = arith.muli %parallel_loop3A_758, %parallel_loop3A_760 : i32
      %parallel_loop3A_762 = arith.index_cast %parallel_loop3A_761 : i32 to index
      %parallel_loop3A_763 = tpu.vector_load %arg5[%parallel_loop3A_762] {strides = array<i32>} : memref<32768xf32, #tpu.memory_space<vmem>>, vector<16xf32>,
      %parallel_loop3A_764 = tpu.bitcast %parallel_loop3A_763 : vector<16xf32> -> vector<16xi32>
      %parallel_loop3A_765 = arith.constant 31 : i32
      %parallel_loop3A_766 = vector.broadcast %parallel_loop3A_765 : i32 to vector<16xi32>
      %parallel_loop3A_767 = arith.shrsi %parallel_loop3A_764, %parallel_loop3A_766 : vector<16xi32>
      %parallel_loop3A_768 = arith.constant 2147483647 : i32
      %parallel_loop3A_769 = vector.broadcast %parallel_loop3A_768 : i32 to vector<16xi32>
      %parallel_loop3A_770 = arith.andi %parallel_loop3A_767, %parallel_loop3A_769 : vector<16xi32>
      %parallel_loop3A_771 = arith.xori %parallel_loop3A_764, %parallel_loop3A_770 : vector<16xi32>
      %parallel_loop3A_772 = arith.constant 18 : i32
      %parallel_loop3A_773 = vector.broadcast %parallel_loop3A_772 : i32 to vector<16xi32>
      %parallel_loop3A_774 = arith.shrsi %parallel_loop3A_771, %parallel_loop3A_773 : vector<16xi32>
      %parallel_loop3A_775 = arith.constant 8192 : i32
      %parallel_loop3A_776 = vector.broadcast %parallel_loop3A_775 : i32 to vector<16xi32>
      %parallel_loop3A_777 = arith.addi %parallel_loop3A_774, %parallel_loop3A_776 : vector<16xi32>
      %parallel_loop3A_778 = vector.broadcast %add3A_681 : i32 to vector<16xi32>
      %parallel_loop3A_779 = arith.cmpi eq, %parallel_loop3A_777, %parallel_loop3A_778 : vector<16xi32>
      %parallel_loop3A_780 = arith.constant 1 : i32
      %parallel_loop3A_781 = arith.constant 0 : i32
      %parallel_loop3A_782 = vector.broadcast %parallel_loop3A_780 : i32 to vector<16xi32>
      %parallel_loop3A_783 = vector.broadcast %parallel_loop3A_781 : i32 to vector<16xi32>
      %parallel_loop3A_784 = arith.select %parallel_loop3A_779, %parallel_loop3A_782, %parallel_loop3A_783 : vector<16xi1>, vector<16xi32>
      %parallel_loop3A_785 = arith.constant true
      %parallel_loop3A_786 = vector.broadcast %parallel_loop3A_785 : i1 to vector<16xi1>
      %parallel_loop3A_787 = tpu.scan <sum>, %parallel_loop3A_784 masked %parallel_loop3A_786 : vector<16xi32>, vector<16xi1> -> vector<16xi32>
      %parallel_loop3A_788 = arith.select %eq3A_17, %parallel_loop3A_784, %broadcast_in_dim3A_3 : vector<16xi32>
      %parallel_loop3A_789 = arith.subi %parallel_loop3A_787, %parallel_loop3A_788 : vector<16xi32>
      %parallel_loop3A_790 = arith.addi %parallel_loop3A_759, %parallel_loop3A_789 : vector<16xi32>
      tpu.vector_store_idx %arg7[%parallel_loop3A_790], %parallel_loop3A_771 masked %parallel_loop3A_779 : memref<32784xi32, #tpu.memory_space<vmem>>[vector<16xi32>], vector<16xi32>, vector<16xi1>
      %parallel_loop3A_791 = tpu.all_reduce %parallel_loop3A_779 {dim = 0 : i64, kind = #tpu.reduction_kind<sum>} : vector<16xi1> -> vector<16xi32>
      %parallel_loop3A_792 = arith.addi %parallel_loop3A_759, %parallel_loop3A_791 : vector<16xi32>
      scf.yield %parallel_loop3A_792 : vector<16xi32>
    } {sc.loop_unroll_factor = 8 : i64, sc.parallel_access}
    %reduce_max3A_686 = arith.constant true
    %reduce_max3A_687 = vector.broadcast %reduce_max3A_686 : i1 to vector<16xi1>
    %reduce_max3A_688 = arith.constant -2147483648 : i32
    %reduce_max3A_689 = vector.broadcast %reduce_max3A_688 : i32 to vector<16xi32>
    %reduce_max3A_690 = arith.xori %parallel_loop3A_685, %reduce_max3A_689 : vector<16xi32>
    %reduce_max3A_691 = tpu.scan <max>, %reduce_max3A_690 masked %reduce_max3A_687 : vector<16xi32>, vector<16xi1> -> vector<16xi32>
    %reduce_max3A_692 = arith.xori %reduce_max3A_691, %reduce_max3A_689 : vector<16xi32>
    %reduce_max3A_693 = vector.extract %reduce_max3A_692[15] : i32 from vector<16xi32>
    %add3A_694 = arith.constant 16 : i32
    %add3A_695 = arith.addi %reduce_max3A_693, %add3A_694 : i32
    %sub3A_696 = arith.constant 1 : i32
    %sub3A_697 = arith.subi %add3A_695, %sub3A_696 : i32
    %jit3A_698 = arith.constant 16 : i32
    %div3A_699 = arith.divsi %sub3A_697, %jit3A_698 : i32
    %sign3A_700 = arith.constant 0 : i32
    %sign3A_701 = arith.cmpi sgt, %sub3A_697, %sign3A_700 : i32
    %sign3A_702 = arith.extui %sign3A_701 : i1 to i32
    %sign3A_703 = arith.constant 0 : i32
    %sign3A_704 = arith.cmpi slt, %sub3A_697, %sign3A_703 : i32
    %sign3A_705 = arith.extui %sign3A_704 : i1 to i32
    %sign3A_706 = arith.subi %sign3A_702, %sign3A_705 : i32
    %sign3A_707 = arith.constant 0 : i32
    %sign3A_708 = arith.cmpi sgt, %jit3A_698, %sign3A_707 : i32
    %sign3A_709 = arith.extui %sign3A_708 : i1 to i32
    %sign3A_710 = arith.constant 0 : i32
    %sign3A_711 = arith.cmpi slt, %jit3A_698, %sign3A_710 : i32
    %sign3A_712 = arith.extui %sign3A_711 : i1 to i32
    %sign3A_713 = arith.subi %sign3A_709, %sign3A_712 : i32
    %ne3A_714 = arith.cmpi ne, %sign3A_706, %sign3A_713 : i32
    %rem3A_715 = arith.remsi %sub3A_697, %jit3A_698 : i32
    %ne3A_716 = arith.constant 0 : i32
    %ne3A_717 = arith.cmpi ne, %rem3A_715, %ne3A_716 : i32
    %and3A_718 = arith.andi %ne3A_714, %ne3A_717 : i1
    %sub3A_719 = arith.constant 1 : i32
    %sub3A_720 = arith.subi %div3A_699, %sub3A_719 : i32
    %select_n3A_721 = arith.select %and3A_718, %sub3A_720, %div3A_699 : i32
    %sub3A_722 = arith.constant 8192 : i32
    %sub3A_723 = arith.subi %add3A_681, %sub3A_722 : i32
    %shift_left3A_724 = arith.constant 18 : i32
    %shift_left3A_725 = arith.shli %sub3A_723, %shift_left3A_724 : i32
    %scan3A_726 = arith.constant 0 : i32
    %scan3A_727 = arith.constant 18 : i32
    %scan3A_728 = arith.addi %scan3A_726, %scan3A_727 : i32
    %scan3A_729 = arith.constant 1 : i32
    %scan3A_730 = scf.for %scan3A_758 = %scan3A_726 to %scan3A_728 step %scan3A_729 iter_args(%scan3A_759 = %shift_left3A_725) -> (i32)  : i32 {
      %sub3A_760 = arith.constant 17 : i32
      %sub3A_761 = arith.subi %sub3A_760, %scan3A_758 : i32
      %shift_left3A_762 = arith.constant 1 : i32
      %shift_left3A_763 = arith.shli %shift_left3A_762, %sub3A_761 : i32
      %or3A = arith.ori %scan3A_759, %shift_left3A_763 : i32
      %while3A_764 = arith.constant 0 : i32
      %while3A_765 = arith.subi %select_n3A_721, %while3A_764 : i32
      %while3A_766 = arith.addi %while3A_764, %while3A_765 : i32
      %while3A_767 = arith.constant 1 : i32
      %while3A_768 = arith.divsi %while3A_765, %while3A_767 : i32
      %while3A_769 = arith.muli %while3A_768, %while3A_767 : i32
      %while3A_770 = arith.addi %while3A_764, %while3A_769 : i32
      %while3A_771 = arith.constant 1 : i32
      %while3A_772 = scf.for %while3A_781 = %while3A_764 to %while3A_770 step %while3A_771 iter_args(%while3A_782 = %broadcast_in_dim3A_3) -> (vector<16xi32>)  : i32 {
        %mul3A_783 = arith.constant 16 : i32
        %mul3A_784 = arith.muli %while3A_781, %mul3A_783 : i32
        %get3A_785 = arith.index_cast %mul3A_784 : i32 to index
        %get3A_786 = tpu.vector_load %arg7[%get3A_785] {strides = array<i32>} : memref<32784xi32, #tpu.memory_space<vmem>>, vector<16xi32>,
        %mul3A_787 = arith.constant 16 : i32
        %mul3A_788 = arith.muli %while3A_781, %mul3A_787 : i32
        %add3A_789 = vector.broadcast %mul3A_788 : i32 to vector<16xi32>
        %add3A_790 = arith.addi %add3A_789, %iota3A : vector<16xi32>
        %lt3A = vector.broadcast %reduce_max3A_693 : i32 to vector<16xi32>
        %lt3A_791 = arith.cmpi slt, %add3A_790, %lt3A : vector<16xi32>
        %ge3A_792 = vector.broadcast %or3A : i32 to vector<16xi32>
        %ge3A_793 = arith.cmpi sge, %get3A_786, %ge3A_792 : vector<16xi32>
        %and3A_794 = arith.andi %lt3A_791, %ge3A_793 : vector<16xi1>
        %jit3A_795 = arith.constant 1 : i32
        %jit3A_796 = arith.constant 0 : i32
        %broadcast_in_dim3A_797 = vector.broadcast %jit3A_795 : i32 to vector<16xi32>
        %broadcast_in_dim3A_798 = vector.broadcast %jit3A_796 : i32 to vector<16xi32>
        %select_n3A_799 = arith.select %and3A_794, %broadcast_in_dim3A_797, %broadcast_in_dim3A_798 : vector<16xi1>, vector<16xi32>
        %add3A_800 = arith.addi %while3A_782, %select_n3A_799 : vector<16xi32>
        scf.yield %add3A_800 : vector<16xi32>
      }
      %while3A_773 = arith.constant 1 : i32
      %while3A_774 = scf.for %while3A_781 = %while3A_770 to %while3A_766 step %while3A_773 iter_args(%while3A_782 = %while3A_772) -> (vector<16xi32>)  : i32 {
        %mul3A_783 = arith.constant 16 : i32
        %mul3A_784 = arith.muli %while3A_781, %mul3A_783 : i32
        %get3A_785 = arith.index_cast %mul3A_784 : i32 to index
        %get3A_786 = tpu.vector_load %arg7[%get3A_785] {strides = array<i32>} : memref<32784xi32, #tpu.memory_space<vmem>>, vector<16xi32>,
        %mul3A_787 = arith.constant 16 : i32
        %mul3A_788 = arith.muli %while3A_781, %mul3A_787 : i32
        %add3A_789 = vector.broadcast %mul3A_788 : i32 to vector<16xi32>
        %add3A_790 = arith.addi %add3A_789, %iota3A : vector<16xi32>
        %lt3A = vector.broadcast %reduce_max3A_693 : i32 to vector<16xi32>
        %lt3A_791 = arith.cmpi slt, %add3A_790, %lt3A : vector<16xi32>
        %ge3A_792 = vector.broadcast %or3A : i32 to vector<16xi32>
        %ge3A_793 = arith.cmpi sge, %get3A_786, %ge3A_792 : vector<16xi32>
        %and3A_794 = arith.andi %lt3A_791, %ge3A_793 : vector<16xi1>
        %jit3A_795 = arith.constant 1 : i32
        %jit3A_796 = arith.constant 0 : i32
        %broadcast_in_dim3A_797 = vector.broadcast %jit3A_795 : i32 to vector<16xi32>
        %broadcast_in_dim3A_798 = vector.broadcast %jit3A_796 : i32 to vector<16xi32>
        %select_n3A_799 = arith.select %and3A_794, %broadcast_in_dim3A_797, %broadcast_in_dim3A_798 : vector<16xi1>, vector<16xi32>
        %add3A_800 = arith.addi %while3A_782, %select_n3A_799 : vector<16xi32>
        scf.yield %add3A_800 : vector<16xi32>
      }
      %reduce_sum3A_775 = arith.constant true
      %reduce_sum3A_776 = vector.broadcast %reduce_sum3A_775 : i1 to vector<16xi1>
      %reduce_sum3A_777 = tpu.scan <sum>, %while3A_774 masked %reduce_sum3A_776 : vector<16xi32>, vector<16xi1> -> vector<16xi32>
      %reduce_sum3A_778 = vector.extract %reduce_sum3A_777[15] : i32 from vector<16xi32>
      %ge3A_779 = arith.cmpi sge, %reduce_sum3A_778, %reduce_max3A_678 : i32
      %select_n3A_780 = arith.select %ge3A_779, %or3A, %scan3A_759 : i32
      scf.yield %select_n3A_780 : i32
    }
    %scan3A_731 = arith.constant 18 : i32
    %broadcast_in_dim3A_732 = vector.broadcast %scan3A_730 : i32 to vector<16xi32>
    %shift_right_arithmetic3A_733 = arith.constant 31 : i32
    %shift_right_arithmetic3A_734 = vector.broadcast %shift_right_arithmetic3A_733 : i32 to vector<16xi32>
    %shift_right_arithmetic3A_735 = arith.shrsi %broadcast_in_dim3A_732, %shift_right_arithmetic3A_734 : vector<16xi32>
    %and3A_736 = arith.constant 2147483647 : i32
    %and3A_737 = vector.broadcast %and3A_736 : i32 to vector<16xi32>
    %and3A_738 = arith.andi %shift_right_arithmetic3A_735, %and3A_737 : vector<16xi32>
    %xor3A_739 = arith.xori %broadcast_in_dim3A_732, %and3A_738 : vector<16xi32>
    %bitcast_convert_type3A_740 = tpu.bitcast %xor3A_739 : vector<16xi32> -> vector<16xf32>
    %parallel_loop3A_741 = arith.constant 0 : i32
    %parallel_loop3A_742 = arith.constant 2048 : i32
    %parallel_loop3A_743 = arith.constant 1 : i32
    scf.for %parallel_loop3A_758 = %parallel_loop3A_741 to %parallel_loop3A_742 step %parallel_loop3A_743  : i32 {
      %parallel_loop3A_759 = arith.constant 16 : i32
      %parallel_loop3A_760 = arith.muli %parallel_loop3A_758, %parallel_loop3A_759 : i32
      %parallel_loop3A_761 = arith.index_cast %parallel_loop3A_760 : i32 to index
      %parallel_loop3A_762 = tpu.vector_load %arg5[%parallel_loop3A_761] {strides = array<i32>} : memref<32768xf32, #tpu.memory_space<vmem>>, vector<16xf32>,
      %parallel_loop3A_763 = arith.cmpf oge, %parallel_loop3A_762, %bitcast_convert_type3A_740 : vector<16xf32>
      %parallel_loop3A_764 = arith.select %parallel_loop3A_763, %parallel_loop3A_762, %broadcast_in_dim3A_7 : vector<16xi1>, vector<16xf32>
      %parallel_loop3A_765 = arith.index_cast %parallel_loop3A_760 : i32 to index
      %parallel_loop3A_766 = tpu.vector_load %arg5[%parallel_loop3A_765] {strides = array<i32>} : memref<32768xf32, #tpu.memory_space<vmem>>, vector<16xf32>,
      tpu.vector_store %arg5[%parallel_loop3A_765], %parallel_loop3A_764 {strides = array<i32>} : memref<32768xf32, #tpu.memory_space<vmem>>, vector<16xf32>,
    } {sc.loop_unroll_factor = 8 : i64, sc.parallel_access}
    %add3A_744 = arith.constant 3 : i32
    %add3A_745 = arith.addi %mul3A_2, %add3A_744 : i32
    %dma_start3A_746 = arith.constant 0 : i32
    %dma_start3A_747 = tpu.memref_slice %arg3[%add3A_745, %dma_start3A_746] : memref<128x32768xf32, #tpu.memory_space<hbm>> -> memref<1x32768xf32, #tpu.memory_space<hbm>>
    %dma_start3A_748 = tpu.memref_squeeze %dma_start3A_747 : memref<1x32768xf32, #tpu.memory_space<hbm>> -> memref<32768xf32, #tpu.memory_space<hbm>>
    %dma_start3A_749 = arith.constant 0 : i32
    %dma_start3A_750 = tpu.memref_slice %arg3[%add3A_745, %dma_start3A_749] : memref<128x32768xf32, #tpu.memory_space<hbm>> -> memref<1x32768xf32, #tpu.memory_space<hbm>>
    %dma_start3A_751 = tpu.memref_squeeze %dma_start3A_750 : memref<1x32768xf32, #tpu.memory_space<hbm>> -> memref<32768xf32, #tpu.memory_space<hbm>>
    tpu.enqueue_dma source(%arg5 : memref<32768xf32, #tpu.memory_space<vmem>>) target(%dma_start3A_751 : memref<32768xf32, #tpu.memory_space<hbm>>) target_semaphore(%arg11 : memref<!tpu.dma_semaphore, #tpu.memory_space<semaphore_mem>>)
    %dma_wait3A_752 = arith.constant 0 : i32
    %dma_wait3A_753 = tpu.memref_slice %arg3[%add3A_745, %dma_wait3A_752] : memref<128x32768xf32, #tpu.memory_space<hbm>> -> memref<1x32768xf32, #tpu.memory_space<hbm>>
    %dma_wait3A_754 = tpu.memref_squeeze %dma_wait3A_753 : memref<1x32768xf32, #tpu.memory_space<hbm>> -> memref<32768xf32, #tpu.memory_space<hbm>>
    %dma_wait3A_755 = arith.constant 0 : i32
    %dma_wait3A_756 = tpu.memref_slice %arg3[%add3A_745, %dma_wait3A_755] : memref<128x32768xf32, #tpu.memory_space<hbm>> -> memref<1x32768xf32, #tpu.memory_space<hbm>>
    %dma_wait3A_757 = tpu.memref_squeeze %dma_wait3A_756 : memref<1x32768xf32, #tpu.memory_space<hbm>> -> memref<32768xf32, #tpu.memory_space<hbm>>
    tpu.wait_dma2 semaphore(%arg11 : memref<!tpu.dma_semaphore, #tpu.memory_space<semaphore_mem>>) src(%arg5 : memref<32768xf32, #tpu.memory_space<vmem>>) dst(%dma_wait3A_757 : memref<32768xf32, #tpu.memory_space<hbm>>)
    return
  }
}

</mosaic_0001>

<sc_bundles>
// kernel: kernel.3.cloned.1.call-start
scs
__scs_entry_jumppad:
0x0: {  	(pc) =	sbr.rel $0x88, $3  }
0x1: {  	(tag) =	ssettag $0x0;
	lr =	simm.s32 $0x1  }
0x2: {  	[smem:$0x3FA0] =	sst lr;
	_ =	strace $0xD0000000  }
0x3: {  	_ = 	snop  }
0x4: {  	_ = 	snop  }
0x5: {  	_ = 	snop  }
0x6: {  	_ = 	snop  }
0x7: {  	_ = 	snop  }
__scs_overlays_trampoline_lowered:
0x8: {  	[smem:$0x3FAF] =	sst s0  }
0x9: {  	[smem:$0x3FB0] =	sst s1  }
0xa: {  	[smem:$0x3FB1] =	sst s2  }
0xb: {  	[smem:$0x3FB2] =	sst s3  }
0xc: {  	[smem:$0x3FB3] =	sst s4  }
0xd: {  	[smem:$0x3FB4] =	sst s5  }
0xe: {  	[smem:$0x3FB5] =	sst s6  }
0xf: {  	[smem:$0x3FB6] =	sst s7  }
0x10: {  	[smem:$0x3FB7] =	sst s8  }
0x11: {  	[smem:$0x3FB8] =	sst s9;
	s0 =	simm.s32 @!p0 $0x0  }
0x12: {  	s1 =	sld [smem:$0x3F9E];
	s0 =	simm.s32 @p0 $0x1  }
0x13: {  	[smem:$0x3FB9] =	sst s0;
	s0 =	simm.s32 @!p1 $0x0  }
0x14: {  	s2 =	sld [smem:$0x3F9D];
	s0 =	simm.s32 @p1 $0x1  }
0x15: {  	[smem:$0x3FBA] =	sst s0;
	s0 =	simm.s32 @!p2 $0x0  }
0x16: {  	s3 =	sld [smem:$0x3FDB];
	s0 =	simm.s32 @p2 $0x1  }
0x17: {  	s4 =	simm.s32 $0x1BF5;
	[smem:$0x3FBC] =	sst s0  }
0x18: {  	s0 =	sld [smem:$0x3F9F];
	_ =	swait.ge [sflag:s4], $0x0  }
0x19: {  	s7 =	sld [smem:$0x3FA0]  }
0x1a: {  	s8 =	sadd.s32 $0xFFFFE003, lr  }
0x1b: {  	s9 =	sadd.s32 $0xFFFFFEF7, lr;
	s5 =	simm.s32 $0xFFFFFFFF;
	p2 =	slt.u32 s8, $0xFFFFF086  }
0x1c: {  	p1 =	slt.u32 s9, $0xF7A;
	s5 =	simm.s32 @!p2 $0x0  }
0x1d: {  	s5 =	simm.s32 @p1 $0x1;
	p0 =	seq.s32 s7, s2  }
0x1e: {  	s7 =	smul.u32 @!p0 $0xF7A, s2;
	p2 =	seq.s32 @!p0 s5, $0x0  }
0x1f: {  	s9 =	smul.u32 $0xF7A, s1;
	s8 =	simm.s32 @!p0 $0x1BF5;
	p2 =	por !p2, p0  }
0x20: {  	[sflag:s8] =	ssyncset.s32 @!p0 $0xFFFFF086;
	s6 =	sadd.s32 @!p0 s3, s7;
	s7 =	simm.s32 @!p0 $0x108  }
0x21: {  	s3 =	sadd.s32 s3, s9;
	s6 =	sadd.s32 @!p0 $0x88, s6;
	s7 =	simm.s32 @p2 $0x1082  }
0x22: {  	[simem:s7], [sflag:s8] =	dma.local @!p0 [hbm:s6], $0xF7A  }
0x23: {  	s9 =	sor.u32 $0xD0000000, s2;
	s6 =	simm.s32 $0x108;
	_ =	swait.ge @!p0 [sflag:s8], $0x0  }
0x24: {  	s3 =	sadd.s32 $0x88, s3;
	s6 =	simm.s32 @!p1 $0x1082;
	[sflag:s4] =	ssyncset.s32 $0xFFFFF086  }
0x25: {  	[simem:s6], [sflag:s4] =	dma.local [hbm:s3], $0xF7A  }
0x26: {  	[smem:$0x3FA0] =	sst s1;
	(tag) =	ssettag s2;
	_ =	strace s9  }
0x27: {  	s1 =	sld [smem:$0x3FB0]  }
0x28: {  	s2 =	sld [smem:$0x3FB1]  }
0x29: {  	s4 =	sld [smem:$0x3FB3]  }
0x2a: {  	p0 =	seq.s32 s5, $0x0;
	s5 =	sld [smem:$0x3FB4]  }
0x2b: {  	s6 =	sld [smem:$0x3FB5]  }
0x2c: {  	s7 =	sld [smem:$0x3FB6]  }
0x2d: {  	s3 =	simm.s32 $0x108;
	s8 =	sld [smem:$0x3FB7]  }
0x2e: {  	s3 =	simm.s32 @!p0 $0x1082;
	s9 =	sld [smem:$0x3FB8]  }
0x2f: {  	lr =	sadd.s32 s0, s3;
	s0 =	sld [smem:$0x3FAF]  }
0x30: {  	s3 =	sld [smem:$0x3FB2]  }
0x31: {  	[smem:$0x3FBB] =	sst s10  }
0x32: {  	s10 =	sld [smem:$0x3FB9];
	_ =	sdelay $0x3  }
0x33: {  	p0 =	seq.s32 s10, $0x1;
	s10 =	sld [smem:$0x3FBB];
	_ =	sdelay $0x3  }
0x34: {  	[smem:$0x3FBB] =	sst s10  }
0x35: {  	s10 =	sld [smem:$0x3FBA];
	_ =	sdelay $0x3  }
0x36: {  	p1 =	seq.s32 s10, $0x1;
	s10 =	sld [smem:$0x3FBB];
	_ =	sdelay $0x3  }
0x37: {  	[smem:$0x3FBB] =	sst s10  }
0x38: {  	s10 =	sld [smem:$0x3FBC]  }
0x39: {  	_ = 	snop;
	(pc) =	sbr.ind lr, $3  }
0x3a: {  	_ = 	snop  }
0x3b: {  	_ = 	snop  }
0x3c: {  	p2 =	seq.s32 s10, $0x1;
	s10 =	sld [smem:$0x3FBB]  }
0x3d: {  	_ =	shalt  }
0x3e: {  	_ =	shalt  }
0x3f: {  	_ =	shalt  }
0x40: {  	_ =	shalt  }
0x41: {  	_ =	shalt  }
0x42: {  	_ =	shalt  }
0x43: {  	_ =	shalt  }
0x44: {  	_ =	shalt  }
0x45: {  	_ =	shalt  }
0x46: {  	_ =	shalt  }
0x47: {  	_ =	shalt  }
0x48: {  	_ =	shalt  }
0x49: {  	_ =	shalt  }
0x4a: {  	_ =	shalt  }
0x4b: {  	_ =	shalt  }
0x4c: {  	_ =	shalt  }
0x4d: {  	_ =	shalt  }
0x4e: {  	_ =	shalt  }
0x4f: {  	_ =	shalt  }
0x50: {  	_ =	shalt  }
0x51: {  	_ =	shalt  }
0x52: {  	_ =	shalt  }
0x53: {  	_ =	shalt  }
0x54: {  	_ =	shalt  }
0x55: {  	_ =	shalt  }
0x56: {  	_ =	shalt  }
0x57: {  	_ =	shalt  }
0x58: {  	_ =	shalt  }
0x59: {  	_ =	shalt  }
0x5a: {  	_ =	shalt  }
0x5b: {  	_ =	shalt  }
0x5c: {  	_ =	shalt  }
0x5d: {  	_ =	shalt  }
0x5e: {  	_ =	shalt  }
0x5f: {  	_ =	shalt  }
0x60: {  	_ =	shalt  }
0x61: {  	_ =	shalt  }
0x62: {  	_ =	shalt  }
0x63: {  	_ =	shalt  }
0x64: {  	_ =	shalt  }
0x65: {  	_ =	shalt  }
0x66: {  	_ =	shalt  }
0x67: {  	_ =	shalt  }
0x68: {  	_ =	shalt  }
0x69: {  	_ =	shalt  }
0x6a: {  	_ =	shalt  }
0x6b: {  	_ =	shalt  }
0x6c: {  	_ =	shalt  }
0x6d: {  	_ =	shalt  }
0x6e: {  	_ =	shalt  }
0x6f: {  	_ =	shalt  }
0x70: {  	_ =	shalt  }
0x71: {  	_ =	shalt  }
0x72: {  	_ =	shalt  }
0x73: {  	_ =	shalt  }
0x74: {  	_ =	shalt  }
0x75: {  	_ =	shalt  }
0x76: {  	_ =	shalt  }
0x77: {  	_ =	shalt  }
0x78: {  	_ =	shalt  }
0x79: {  	_ =	shalt  }
0x7a: {  	_ =	shalt  }
0x7b: {  	_ =	shalt  }
0x7c: {  	_ =	shalt  }
0x7d: {  	_ =	shalt  }
0x7e: {  	_ =	shalt  }
0x7f: {  	_ =	shalt  }
0x80: {  	_ =	shalt  }
0x81: {  	_ =	shalt  }
0x82: {  	_ =	shalt  }
0x83: {  	_ =	shalt  }
0x84: {  	_ =	shalt  }
0x85: {  	_ =	shalt  }
0x86: {  	_ =	shalt  }
0x87: {  	_ =	shalt  }
.Lfunc_end0:
.L_simem_size_0:
called_computation_lowered:
.L_overlay_start_0:
0x88: {  	s2 =	sld [smem:$0x3FD9]  }
0x89: {  	s3 =	sld [smem:$0x3FFE];
	_ =	sdelay $0x1  }
0x8a: {  	s1 =	srdreg.scid  }
0x8b: {  	s0 =	sand.u32 $0x1, s1  }
0x8c: {  	s18 =	sshll.u32 s0, $0xA;
	s2 =	sadd.s32 s3, s2  }
0x8d: {  	s2 =	sadd.s32 s2, s18  }
0x8e: {  	[smem:$0x3FC7] =	sst s2  }
0x8f: {  	_ = 	snop  }
0x90: {  	s2 =	sld [smem:$0x3FC9]  }
0x91: {  	s19 =	sld [smem:$0x3FD0];
	(tm) =	ssettm $0x1  }
0x92: {  	s4 =	sld [smem:$0x3FFB];
	_ =	sdelay $0x3  }
0x93: {  	_ =	strace s4  }
0x94: {  	s4 =	sld [smem:$0x3FFC];
	_ =	sdelay $0x3  }
0x95: {  	_ =	strace s4  }
0x96: {  	s4 =	sld [smem:$0x3FFD];
	_ =	sdelay $0x3  }
0x97: {  	_ =	strace s4  }
0x98: {  	_ =	strace $0x8FFFFFFF  }
0x99: {  	s20 =	sld [smem:$0x3FDB];
	_ =	sdelay $0x1  }
0x9a: {  	s5 =	simm.s32 $_scs_section_size  }
0x9b: {  	s6 =	simm.s32 $_size__tile_overlayer_lowered;
	s7 =	simm.s32 $_tile_overlayer_lowered  }
0x9c: {  	s23 =	simm.s32 $0x1BFF;
	s22 =	sshll.u32 s7, $0x1;
	s4 =	sadd.s32 s5, s20  }
0x9d: {  	s8 =	simm.s32 $0x0;
	s21 =	sshll.u32 s6, $0x1;
	s6 =	sadd.s32 s22, s4  }
0x9e: {  	[timem:s8], [sflag:s23] =	dma.local [hbm:s6], s21  }
0x9f: {  	_ =	swait.ge [sflag:s23], s21  }
0xa0: {  	s5 =	ssub.s32 $0x0, s21;
	[sflag:s23] =	ssyncset.done $0x0  }
0xa1: {  	[sflag:s23] =	ssyncadd.s32 s5;
	_ =	sdelay $0x1  }
0xa2: {  	s24 =	simm.s32 $0x1B8B  }
0xa3: {  	_ =	swait.ge [sflag:s24], $0x1  }
0xa4: {  	[sflag:s24] =	ssyncset.done $0x0  }
0xa5: {  	s25 =	simm.s32 $0x1B8E;
	[sflag:s24] =	ssyncadd.s32 $0xFFFFFFFF  }
0xa6: {  	s26 =	simm.s32 $execute0_lowered;
	[smem:$0x3FD2] =	sst s25  }
0xa7: {  	s5 =	sshll.u32 s26, $0x1;
	_ =	strace $0x80000046;
	[dreg:$0x1] =	wrdreg $0xFFFFFFFF  }
0xa8: {  	s28 =	simm.s32 $_size_execute0_lowered;
	s4 =	sadd.s32 s4, s5;
	[dreg:$0x0] =	wrdreg $0x0  }
0xa9: {  	s5 =	sshll.u32 s28, $0x1;
	[dreg:$0x2] =	wrdreg s4  }
0xaa: {  	[dreg:$0x3] =	wrdreg s5  }
0xab: {  	[dreg:$0x4] =	wrdreg $0xC0  }
0xac: {  	_ =	task [dreg:s8], $0x5FFFF  }
0xad: {  	[dreg:$0x1] =	wrdreg $0xFFFFFFFF  }
0xae: {  	[dreg:$0x0] =	wrdreg $0x60  }
0xaf: {  	[dreg:$0x2] =	wrdreg s2  }
0xb0: {  	[dreg:$0x3] =	wrdreg s19  }
0xb1: {  	[dreg:$0x4] =	wrdreg $0x9  }
0xb2: {  	_ =	task.clear_ibuf [dreg:s8], $0x5FFFF;
	_ =	strace $0x90000046  }
0xb3: {  	s29 =	simm.s32 $0x9;
	_ =	strace $0x80000048  }
0xb4: {  	_ =	swait.ge [sflag:s29], $0x1  }
0xb5: {  	[sflag:s29] =	ssyncadd.s32 $0xFFFFFFFF  }
0xb6: {  	_ =	strace $0x90000048  }
0xb7: {  	_ =	sfence  }
0xb8: {  	s30 =	sld [smem:$0x0];
	_ =	sdelay $0x2  }
0xb9: {  	s31 =	sshll.u32 s1, $0xD;
	s1 =	sshrl.u32 s1, $0x2  }
0xba: {  	s3 =	sand.u32 $0x4000, s31;
	s1 =	sadd.s32 s1, s30  }
0xbb: {  	s0 =	sor.u32 s3, s0;
	s1 =	sshll.u32 s1, $0x11  }
0xbc: {  	s0 =	sor.u32 s1, s0  }
0xbd: {  	s0 =	sadd.s32 $0x8F2B, s0  }
0xbe: {  	[sflag:s0] =	ssyncadd.remote.s32 $0x1  }
0xbf: {  	_ =	sfence.sel $0xFFFF  }
0xc0: {  	[dreg:$0x0] =	wrdreg $0xFFFFFFFF;
	(pc) =	sbr.abs _section_cstart, $3  }
0xc1: {  	[dreg:$0x1] =	wrdreg $0xFFFFFFFF  }
0xc2: {  	_ =	task.clear_ibuf [dreg:s8], $0x2FFFF;
	_ =	strace $0x9FFFFFFF  }
0xc3: {  	(tm) =	ssettm $0x7FFFFFFF  }
tec
execute0_lowered:
.L_overlay_start_1:
0x0: {  	(tag) =	ssettag $0x1  }
0x1: {  	s8 =	rddreg [dreg:$0x0]  }
0x2: {  	s10 =	rddreg [dreg:$0x1];
	s1 =	simm.s32 $0x0  }
0x3: {  	[smem:$0x7FF] =	sst s1  }
0x4: {  	s0 =	rddreg [dreg:$0x2];
	v0 =	vimm.s32 $0x1;
	_ =	strace $0x80000047  }
0x5: {  	(xrf0) =	vadd.scan.msk.s32 $0xffff, v0;
	_ =	sdelay $0x5  }
0x6: {  	v1, _, _ =	vpop (xrf0)  }
0x7: {  	v1 =	vxor.u32 $0x80000000, v1  }
0x8: {  	(xrf0) =	vmax.scan.msk.u32 $0xffff, v1;
	_ =	sdelay $0x5  }
0x9: {  	v1, _, _ =	vpop (xrf0)  }
0xa: {  	(v2sf) =	vpush v1, $0xF;
	_ =	sdelay $0x4  }
0xb: {  	s3 =	srdreg.scid  }
0xc: {  	s2 =	stileid.u32;
	s14 =	simm.s32 $0x8000;
	s15 =	simm.s32 $0x1  }
0xd: {  	s16 =	simm.s32 $0x10000;
	s18 =	simm.s32 $0x20000;
	s19 =	simm.s32 $0x3  }
0xe: {  	s20 =	simm.s32 $0x2;
	s21 =	simm.s32 $0x4;
	s3 =	sand.u32 $0x1, s3  }
0xf: {  	s5 =	sshll.u32 s2, $0xF;
	s4 =	ssub.s32 $0x2, s3;
	s3 =	sshll.u32 s3, $0x6  }
0x10: {  	s22 =	simm.s32 $0x0;
	s6 =	sshrl.u32 s4, $0x1;
	s7 =	sor.u32 s3, s5  }
0x11: {  	s11 =	ssub.s32 s4, s6;
	s9 =	sor.u32 $0x10, s7;
	s3 =	sadd.s32 s8, s7  }
0x12: {  	s5 =	sadd.s32 s10, s7;
	s12 =	sor.u32 $0x20, s7;
	s13 =	sor.u32 $0x30, s7  }
0x13: {  	s4 =	sadd.s32 s8, s9;
	s6 =	sadd.s32 s8, s12;
	s7 =	sadd.s32 s10, s9  }
0x14: {  	s8 =	sadd.s32 s8, s13;
	s9 =	sadd.s32 s10, s12;
	s10 =	sadd.s32 s10, s13  }
0x15: {  	s11 =	smax.u32 s11, $0x1;
	s12 =	simm.s32 $0x80;
	v1 =	vlaneseq.u32;
	s17 =	spop (v2sf)  }
0x16: {  	v2 =	vimm.s32 $0x0;
	vm15 =	vmxor vm15, vm15;
	s13 =	simm.s32 $0x400;
	v3 =	vor.u32 $0x80000000, v1;
	p0 =	seq.s32 s17, $0x80000010;
	s17 =	simm.s32 $0x14000  }
.LBB2_1:
0x17: {  	[tilespmem:s1], [sflag:$0x1] =	stream.strided.gather [hbm4b:s3+s12], $0x8000, s13, s12, $0x38;
	[tilespmem:$0x1C080] =	vst v63  }
0x18: {  	_ = 	snop  }
0x19: {  	[tilespmem:s14], [sflag:$0x2] =	stream.strided.gather [hbm4b:s4+s12], $0x8000, s13, s12, $0x38;
	[tilespmem:$0x1C080] =	vst v63  }
0x1a: {  	_ =	swait.ge [sflag:s15], $0x8000  }
0x1b: {  	[sflag:s15] =	ssyncset.done $0x0  }
0x1c: {  	s23 =	simm.s32 $0x10040;
	[sflag:s15] =	ssyncadd.s32 $0xFFFF8000  }
0x1d: {  	[tilespmem:s23+$0xFFFFFFC0] =	vst v2  }
0x1e: {  	[tilespmem:s23+$0x30] =	vst v2  }
0x1f: {  	[tilespmem:s23+$0x20] =	vst v2  }
0x20: {  	[tilespmem:s23+$0x10] =	vst v2  }
0x21: {  	[tilespmem:s23+$0x0] =	vst v2  }
0x22: {  	[tilespmem:s23+$0xFFFFFFF0] =	vst v2  }
0x23: {  	s25 =	simm.s32 $0x0;
	[tilespmem:s23+$0xFFFFFFE0] =	vst v2  }
.LBB2_2:
0x24: {  	s25 =	sadd.s32 $0x8, s25;
	[tilespmem:s23+$0xFFFFFFD0] =	vst v2;
	s23 =	sadd.s32 $0x80, s23;
	v5 =	vimm.s32 $0x80000000;
	s24 =	simm.s32 $0x40  }
0x25: {  	[tilespmem:s23+$0xFFFFFFC0] =	vst v2;
	p1 =	slt.u32 s25, $0x3F8  }
0x26: {  	[tilespmem:s23+$0x30] =	vst v2  }
.Ltmp0:
0x27: {  	[tilespmem:s23+$0x20] =	vst v2;
	(pc) =	sbr.rel @p1 .LBB2_2-.Ltmp0, $4  }
0x28: {  	[tilespmem:s23+$0x10] =	vst v2  }
0x29: {  	[tilespmem:s23+$0x0] =	vst v2  }
0x2a: {  	[tilespmem:s23+$0xFFFFFFF0] =	vst v2  }
0x2b: {  	[tilespmem:s23+$0xFFFFFFE0] =	vst v2  }
0x2c: {  	[tilespmem:s23+$0xFFFFFFD0] =	vst v2  }
0x2d: {  	v4 =	vld [tilespmem:s24+$0xFFFFFFC0]  }
0x2e: {  	v6 =	vld [tilespmem:s24+$0xFFFFFFD0];
	_ =	sdelay $0x2  }
0x2f: {  	v7 =	vld [tilespmem:s24+$0xFFFFFFE0]  }
0x30: {  	v8 =	vshra.s32 v4, $0x1F  }
0x31: {  	v9 =	vld [tilespmem:s24+$0xFFFFFFF0];
	v10 =	vshra.s32 v6, $0x1F;
	v8 =	vand.u32 $0x7FFFFFFF, v8  }
0x32: {  	v10 =	vand.u32 $0x7FFFFFFF, v10;
	v8 =	vxor.u32 v4, v8  }
0x33: {  	v11 =	vld [tilespmem:s24+$0x0];
	v6 =	vxor.u32 v6, v10;
	vm1 =	vgt.s32 v5, v8  }
0x34: {  	v10 =	vshra.s32 v7, $0x1F;
	v4 =	vshra.s32 v8, $0x12;
	v8 =	vsel vm1, v5, v8  }
0x35: {  	v10 =	vand.u32 $0x7FFFFFFF, v10;
	vm1 =	vgt.s32 v8, v6  }
0x36: {  	v13 =	vld [tilespmem:s24+$0x10];
	v7 =	vxor.u32 v7, v10;
	v10 =	vshra.s32 v9, $0x1F;
	v8 =	vsel vm1, v8, v6  }
0x37: {  	v5 =	vshra.s32 v6, $0x12;
	v12 =	vand.u32 $0x7FFFFFFF, v10;
	vm1 =	vgt.s32 v8, v7  }
0x38: {  	v9 =	vxor.u32 v9, v12;
	v12 =	vshra.s32 v11, $0x1F;
	v8 =	vsel vm1, v8, v7  }
0x39: {  	v6 =	vshra.s32 v7, $0x12;
	v12 =	vand.u32 $0x7FFFFFFF, v12;
	vm1 =	vgt.s32 v8, v9  }
0x3a: {  	v10 =	vld [tilespmem:s24+$0x20];
	v7 =	vshra.s32 v9, $0x12;
	v11 =	vxor.u32 v11, v12;
	v9 =	vsel vm1, v8, v9  }
0x3b: {  	v12 =	vshra.s32 v13, $0x1F;
	vm1 =	vgt.s32 v9, v11  }
0x3c: {  	v14 =	vand.u32 $0x7FFFFFFF, v12;
	v8 =	vshra.s32 v11, $0x12;
	v12 =	vsel vm1, v9, v11;
	v11 =	vld [tilespmem:s24+$0x30];
	_ =	sdelay $0x2  }
0x3d: {  	v13 =	vxor.u32 v13, v14;
	v14 =	vshra.s32 v10, $0x1F  }
0x3e: {  	s23 =	simm.s32 $0x0;
	v14 =	vand.u32 $0x7FFFFFFF, v14;
	v9 =	vshra.s32 v13, $0x12;
	s24 =	simm.s32 $0xC0;
	vm1 =	vgt.s32 v12, v13  }
.LBB2_4:
0x3f: {  	v15 =	vld [tilespmem:s24+$0xFFFFFFC0];
	s23 =	sadd.s32 $0x8, s23;
	v12 =	vsel vm1, v12, v13;
	v10 =	vxor.u32 v10, v14;
	v13 =	vshra.s32 v11, $0x1F  }
0x40: {  	p1 =	slt.u32 s23, $0x7F8;
	v14 =	vshra.s32 v10, $0x12;
	vm1 =	vgt.s32 v12, v10;
	v13 =	vand.u32 $0x7FFFFFFF, v13  }
0x41: {  	v4 =	vadd.s32 $0x2000, v4;
	v16 =	vld [tilespmem:s24+$0xFFFFFFD0];
	v10 =	vsel vm1, v12, v10;
	v11 =	vxor.u32 v11, v13  }
0x42: {  	v5 =	vadd.s32 $0x2000, v5;
	v12 =	vshra.s32 v11, $0x12;
	vm1 =	vgt.s32 v10, v11  }
0x43: {  	v6 =	vadd.s32 $0x2000, v6;
	v7 =	vadd.s32 $0x2000, v7;
	v13 =	vld [tilespmem:s24+$0xFFFFFFE0];
	v10 =	vsel vm1, v10, v11  }
0x44: {  	v8 =	vadd.s32 $0x2000, v8;
	v9 =	vadd.s32 $0x2000, v9;
	v11 =	vshra.s32 v15, $0x1F  }
0x45: {  	v14 =	vadd.s32 $0x2000, v14;
	v18 =	vadd.s32 $0x2000, v12;
	v11 =	vand.u32 $0x7FFFFFFF, v11;
	v17 =	vld [tilespmem:s24+$0xFFFFFFF0]  }
0x46: {  	v11 =	vxor.u32 v15, v11;
	v12 =	vshra.s32 v16, $0x1F;
	[tilespmem:v4+s16+$0x0] =	vst.idx.add.s32.msk $0xffff, v0  }
0x47: {  	v4 =	vshra.s32 v11, $0x12;
	vm1 =	vgt.s32 v10, v11;
	v12 =	vand.u32 $0x7FFFFFFF, v12;
	v15 =	vld [tilespmem:s24+$0x0]  }
0x48: {  	v10 =	vsel vm1, v10, v11;
	v11 =	vxor.u32 v16, v12;
	v12 =	vshra.s32 v13, $0x1F;
	[tilespmem:v5+s16+$0x0] =	vst.idx.add.s32.msk $0xffff, v0  }
0x49: {  	v5 =	vshra.s32 v11, $0x12;
	vm1 =	vgt.s32 v10, v11;
	v12 =	vand.u32 $0x7FFFFFFF, v12;
	v16 =	vld [tilespmem:s24+$0x10]  }
0x4a: {  	v11 =	vsel vm1, v10, v11;
	v12 =	vxor.u32 v13, v12;
	v10 =	vshra.s32 v17, $0x1F;
	[tilespmem:v6+s16+$0x0] =	vst.idx.add.s32.msk $0xffff, v0  }
0x4b: {  	v6 =	vshra.s32 v12, $0x12;
	vm1 =	vgt.s32 v11, v12;
	v13 =	vand.u32 $0x7FFFFFFF, v10;
	v10 =	vld [tilespmem:s24+$0x20]  }
0x4c: {  	v12 =	vsel vm1, v11, v12;
	v13 =	vxor.u32 v17, v13;
	v11 =	vshra.s32 v15, $0x1F;
	[tilespmem:v7+s16+$0x0] =	vst.idx.add.s32.msk $0xffff, v0  }
.Ltmp1:
0x4d: {  	v7 =	vshra.s32 v13, $0x12;
	vm1 =	vgt.s32 v12, v13;
	v17 =	vand.u32 $0x7FFFFFFF, v11;
	v11 =	vld [tilespmem:s24+$0x30];
	(pc) =	sbr.rel @p1 .LBB2_4-.Ltmp1, $4  }
0x4e: {  	v12 =	vsel vm1, v12, v13;
	v13 =	vxor.u32 v15, v17;
	v15 =	vshra.s32 v16, $0x1F;
	[tilespmem:v8+s16+$0x0] =	vst.idx.add.s32.msk $0xffff, v0  }
0x4f: {  	v8 =	vshra.s32 v13, $0x12;
	vm1 =	vgt.s32 v12, v13;
	v15 =	vand.u32 $0x7FFFFFFF, v15;
	[tilespmem:v9+s16+$0x0] =	vst.idx.add.s32.msk $0xffff, v0  }
0x50: {  	v12 =	vsel vm1, v12, v13;
	v13 =	vxor.u32 v16, v15;
	v15 =	vshra.s32 v10, $0x1F;
	[tilespmem:v14+s16+$0x0] =	vst.idx.add.s32.msk $0xffff, v0  }
0x51: {  	s24 =	sadd.s32 $0x80, s24;
	v9 =	vshra.s32 v13, $0x12;
	vm1 =	vgt.s32 v12, v13;
	v14 =	vand.u32 $0x7FFFFFFF, v15;
	[tilespmem:v18+s16+$0x0] =	vst.idx.add.s32.msk $0xffff, v0  }
0x52: {  	v12 =	vsel vm1, v12, v13;
	v10 =	vxor.u32 v10, v14;
	v62 =	vshra.s32 v11, $0x1F  }
0x53: {  	vm1 =	vgt.s32 v12, v10;
	v13 =	vand.u32 $0x7FFFFFFF, v62  }
0x54: {  	v12 =	vsel vm1, v12, v10;
	v63 =	vxor.u32 v11, v13  }
0x55: {  	vm1 =	vgt.s32 v12, v63  }
0x56: {  	v12 =	vsel vm1, v12, v63  }
0x57: {  	v12 =	vxor.u32 $0x80000000, v12  }
0x58: {  	(xrf0) =	vmax.scan.msk.u32 $0xffff, v12;
	_ =	sdelay $0x5  }
0x59: {  	v12, _, _ =	vpop (xrf0)  }
0x5a: {  	(v2sf) =	vpush v12, $0xF;
	_ =	sdelay $0xc  }
0x5b: {  	v4 =	vadd.s32 $0x2000, v4  }
0x5c: {  	v5 =	vadd.s32 $0x2000, v5  }
0x5d: {  	v6 =	vadd.s32 $0x2000, v6;
	s23 =	spop (v2sf)  }
0x5e: {  	v7 =	vadd.s32 $0x2000, v7;
	s24 =	sshra.s32 s23, $0x12  }
0x5f: {  	v8 =	vadd.s32 $0x2000, v8;
	s23 =	sand.u32 $0x3C0000, s23;
	s24 =	sxor.u32 $0xFFFFE000, s24  }
0x60: {  	v9 =	vadd.s32 $0x2000, v9;
	v10 =	vshra.s32 v10, $0x12;
	[tilespmem:v4+s16+$0x0] =	vst.idx.add.s32.msk $0xffff, v0;
	p2 =	sne.s32 s23, $0x0;
	s25 =	sadd.s32 $0x2000, s24;
	p1 =	slt.s32 s24, $0xFFFFE001  }
0x61: {  	v10 =	vadd.s32 $0x2000, v10;
	v4 =	vshra.s32 v63, $0x12;
	[tilespmem:v5+s16+$0x0] =	vst.idx.add.s32.msk $0xffff, v0;
	s31 =	sshrl.u32 s25, $0x1C;
	p1 =	por !p2, !p1  }
0x62: {  	[tilespmem:v6+s16+$0x0] =	vst.idx.add.s32.msk $0xffff, v0;
	v4 =	vadd.s32 $0x2000, v4;
	s24 =	simm.s32 $0x1;
	s23 =	sadd.s32 s31, s25;
	p1 =	por !p1, !p1  }
0x63: {  	[tilespmem:v7+s16+$0x0] =	vst.idx.add.s32.msk $0xffff, v0;
	s23 =	sshra.s32 s23, $0x4;
	s24 =	simm.s32 @!p1 $0x0  }
0x64: {  	[tilespmem:v8+s16+$0x0] =	vst.idx.add.s32.msk $0xffff, v0;
	s23 =	ssub.s32 s23, s24  }
0x65: {  	[tilespmem:v9+s16+$0x0] =	vst.idx.add.s32.msk $0xffff, v0;
	s24 =	sshll.u32 s23, $0x6  }
0x66: {  	[tilespmem:v10+s16+$0x0] =	vst.idx.add.s32.msk $0xffff, v0;
	s23 =	sshll.u32 s23, $0x4;
	s24 =	sshra.s32 s24, $0x2  }
0x67: {  	s26 =	simm.s32 $0x0;
	[tilespmem:v4+s16+$0x0] =	vst.idx.add.s32.msk $0xffff, v0;
	s23 =	sadd.s32 $0x80000010, s23;
	s25 =	sadd.s32 $0x10000, s24  }
.LBB2_6:
0x68: {  	v4 =	vld [tilespmem:s25+$0x0];
	_ =	sdelay $0x4  }
0x69: {  	(xrf0) =	vadd.scan.msk.s32 $0xffff, v4;
	_ =	sdelay $0x5  }
0x6a: {  	v5, _, _ =	vpop (xrf0)  }
0x6b: {  	(v2sf) =	vpush v5, $0xF;
	_ =	sdelay $0xe  }
0x6c: {  	s24 =	smov.u32 s26;
	s31 =	spop (v2sf)  }
0x6d: {  	s26 =	sadd.s32 s24, s31  }
0x6e: {  	p1 =	slt.s32 s26, $0xCCC  }
.Ltmp2:
0x6f: {  	_ = 	snop;
	(pc) =	sbr.rel @p1 .LBB2_6-.Ltmp2, $2  }
0x70: {  	_ =	sdelay $0x2  }
0x71: {  	s23 =	sadd.s32 $0xFFFFFFF0, s23;
	s25 =	sadd.s32 $0xFFFFFFF0, s25  }
0x72: {  	v6 =	vbroadcast v5, $0xF;
	_ =	sdelay $0x1  }
0x73: {  	v5 =	vsub.s32 v6, v5;
	v6 =	vpsel !p0, $0x0, v4  }
0x74: {  	v6 =	vadd.s32 v6, v5  }
0x75: {  	v5 =	vadd.s32 s24, v6  }
0x76: {  	vm1 =	vgt.s32 v5, $0xCCB  }
0x77: {  	v5 =	vnsel vm1, $0x7FFFFFFF, v3  }
0x78: {  	(xrf0) =	vmax.scan.msk.u32 $0xffff, v5  }
0x79: {  	s25 =	simm.s32 $0x40  }
0x7a: {  	v8 =	vld [tilespmem:s25+$0xFFFFFFF0]  }
0x7b: {  	v9 =	vld [tilespmem:s25+$0x0]  }
0x7c: {  	v10 =	vld [tilespmem:s25+$0x10]  }
0x7d: {  	v11 =	vld [tilespmem:s25+$0x20]  }
0x7e: {  	v12 =	vld [tilespmem:s25+$0x30];
	v5, _, _ =	vpop (xrf0)  }
0x7f: {  	v13 =	vld [tilespmem:s25+$0xFFFFFFD0];
	(v2sf) =	vpush v5, $0xF  }
0x80: {  	s26 =	simm.s32 $0xC0;
	v14 =	vld [tilespmem:s25+$0xFFFFFFC0]  }
0x81: {  	v15 =	vimm.s32 $0x0;
	v57 =	vld [tilespmem:s26+$0xFFFFFFD0]  }
0x82: {  	vm6 =	vmmov vm15;
	vm7 =	vmmov vm15;
	vm11 =	vmmov vm15  }
0x83: {  	vm12 =	vmmov vm15;
	vm13 =	vmmov vm15;
	vm14 =	vmmov vm15  }
0x84: {  	v17 =	vshra.s32 v8, $0x1F;
	v18 =	vshra.s32 v9, $0x1F;
	v19 =	vshra.s32 v10, $0x1F  }
0x85: {  	v20 =	vshra.s32 v11, $0x1F;
	v21 =	vshra.s32 v12, $0x1F;
	v22 =	vshra.s32 v14, $0x1F  }
0x86: {  	v23 =	vshra.s32 v13, $0x1F;
	v40 =	vshra.s32 v57, $0x1F;
	v17 =	vand.u32 $0x7FFFFFFF, v17  }
0x87: {  	v18 =	vand.u32 $0x7FFFFFFF, v18;
	v24 =	vand.u32 $0x7FFFFFFF, v19;
	v25 =	vand.u32 $0x7FFFFFFF, v23;
	v5 =	vld [tilespmem:s25+$0xFFFFFFE0]  }
0x88: {  	v20 =	vand.u32 $0x7FFFFFFF, v20;
	v26 =	vand.u32 $0x7FFFFFFF, v21;
	v21 =	vand.u32 $0x7FFFFFFF, v22  }
0x89: {  	v40 =	vand.u32 $0x7FFFFFFF, v40;
	v22 =	vxor.u32 v8, v17;
	v19 =	vxor.u32 v9, v18  }
0x8a: {  	v18 =	vxor.u32 v10, v24;
	v20 =	vxor.u32 v11, v20;
	v24 =	vxor.u32 v14, v21  }
0x8b: {  	v21 =	vxor.u32 v13, v25;
	v9 =	vshra.s32 v22, $0x12;
	v10 =	vshra.s32 v19, $0x12  }
0x8c: {  	v11 =	vshra.s32 v18, $0x12;
	v14 =	vshra.s32 v24, $0x12;
	v16 =	vshra.s32 v5, $0x1F  }
0x8d: {  	v14 =	vadd.s32 $0x2000, v14;
	v9 =	vadd.s32 $0x2000, v9;
	v16 =	vand.u32 $0x7FFFFFFF, v16  }
0x8e: {  	v10 =	vadd.s32 $0x2000, v10;
	v11 =	vadd.s32 $0x2000, v11;
	v23 =	vxor.u32 v5, v16;
	s31 =	spop (v2sf)  }
0x8f: {  	v5 =	vxor.u32 v12, v26;
	v12 =	vshra.s32 v20, $0x12;
	v16 =	vshra.s32 v21, $0x12;
	s23 =	sadd.s32 s23, s31  }
0x90: {  	v8 =	vshra.s32 v23, $0x12;
	v13 =	vshra.s32 v5, $0x12;
	v7 =	vmov s23  }
0x91: {  	v12 =	vadd.s32 $0x2000, v12;
	v8 =	vadd.s32 $0x2000, v8;
	vm4 =	veq.s32 v14, v7  }
0x92: {  	v14 =	vadd.s32 $0x2000, v16;
	vm2 =	veq.s32 v8, v7;
	vm8 =	veq.s32 v9, v7  }
0x93: {  	vm10 =	veq.s32 v10, v7;
	vm9 =	veq.s32 v11, v7;
	vm5 =	veq.s32 v12, v7  }
0x94: {  	v12 =	vadd.s32 $0x2000, v13;
	v16 =	vmpcnt.ones.xlane vm4;
	vm3 =	veq.s32 v14, v7  }
0x95: {  	v8 =	vmpcnt.ones.xlane vm2;
	vm1 =	veq.s32 v12, v7;
	v12 =	vsel vm4, $0x1, v2  }
0x96: {  	v26 =	vsel vm2, $0x1, v2;
	v27 =	vsel vm8, $0x1, v2;
	v28 =	vsel vm10, $0x1, v2  }
0x97: {  	vm6 =	vmmov @p0 vm4;
	vm11 =	vmmov @p0 vm2;
	vm12 =	vmmov @p0 vm8  }
0x98: {  	vm13 =	vmmov @p0 vm10;
	vm14 =	vmmov @p0 vm9;
	v14 =	vmpcnt.ones.xlane vm3  }
0x99: {  	v17 =	vmpcnt.ones.xlane vm1;
	v25 =	vsel vm3, $0x1, v2;
	vm7 =	vmmov @p0 vm3  }
0x9a: {  	v29 =	vsel vm6, $0xFFFFFFFF, v2;
	vm6 =	vmmov vm15;
	vm15 =	vmxor vm15, vm15  }
0x9b: {  	(xrf0) =	vadd.scan.msk.s32 $0xffff, v12;
	v32 =	vsel vm12, $0xFFFFFFFF, v2;
	v34 =	vsel vm14, $0xFFFFFFFF, v2;
	v36 =	vsel vm13, $0xFFFFFFFF, v2  }
0x9c: {  	v16 =	vadd.s32 v15, v16;
	(xrf0) =	vadd.scan.msk.s32 $0xffff, v25;
	v25 =	vsel vm5, $0x1, v2;
	vm6 =	vmmov @p0 vm5  }
0x9d: {  	v30 =	vsel vm7, $0xFFFFFFFF, v2;
	v9 =	vadd.s32 v16, v14;
	v14 =	vmpcnt.ones.xlane vm8  }
0x9e: {  	(xrf0) =	vadd.scan.msk.s32 $0xffff, v26;
	v26 =	vsel vm1, $0x1, v2;
	v10 =	vadd.s32 v9, v8;
	v8 =	vmpcnt.ones.xlane vm10  }
0x9f: {  	vm1 =	vmmov vm1;
	v11 =	vadd.s32 v10, v14;
	v14 =	vmpcnt.ones.xlane vm9  }
0xa0: {  	v37 =	vsel vm6, $0xFFFFFFFF, v2;
	(xrf0) =	vadd.scan.msk.s32 $0xffff, v27;
	v13 =	vadd.s32 v11, v8;
	v8 =	vmpcnt.ones.xlane vm5  }
0xa1: {  	v16 =	vadd.s32 v30, v16;
	vm15 =	vmmov @p0 vm1;
	(xrf0) =	vadd.scan.msk.s32 $0xffff, v28;
	v14 =	vadd.s32 v13, v14  }
0xa2: {  	v55 =	vld [tilespmem:s26+$0x30];
	v10 =	vadd.s32 v32, v10;
	v11 =	vadd.s32 v36, v11;
	v12 =	vadd.s32 v14, v8  }
0xa3: {  	v28 =	vld [tilespmem:s26+$0xFFFFFFF0];
	v31, _, _ =	vpop (xrf0);
	v34 =	vadd.s32 v34, v13;
	v8 =	vadd.s32 v12, v17;
	v17 =	vsel vm9, $0x1, v2  }
0xa4: {  	v13 =	vsel vm15, $0xFFFFFFFF, v2;
	vm15 =	vmxor vm15, vm15;
	v35, _, _ =	vpop (xrf0);
	v14 =	vadd.s32 v37, v14;
	(xrf0) =	vadd.scan.msk.s32 $0xffff, v17;
	v17 =	vld [tilespmem:s26+$0x0]  }
0xa5: {  	v33 =	vld [tilespmem:s26+$0x10];
	vm13 =	vmmov vm15;
	vm12 =	vmmov vm15;
	v39, _, _ =	vpop (xrf0);
	v13 =	vadd.s32 v13, v12;
	(xrf0) =	vadd.scan.msk.s32 $0xffff, v25  }
0xa6: {  	v38 =	vld [tilespmem:s26+$0x20];
	v12 =	vadd.s32 v29, v15;
	v30 =	vadd.s32 v35, v16;
	v56, _, _ =	vpop (xrf0);
	v25 =	vsel vm11, $0xFFFFFFFF, v2  }
0xa7: {  	v29 =	vadd.s32 v31, v12;
	v15, _, _ =	vpop (xrf0);
	v32 =	vadd.s32 v56, v10;
	v9 =	vadd.s32 v25, v9;
	v25 =	vld [tilespmem:s26+$0xFFFFFFC0]  }
0xa8: {  	v27 =	vld [tilespmem:s26+$0xFFFFFFE0];
	v10 =	vshra.s32 v28, $0x1F;
	vm11 =	vmmov vm15;
	v58 =	vadd.s32 v15, v11  }
0xa9: {  	v15 =	vshra.s32 v55, $0x1F;
	v10 =	vand.u32 $0x7FFFFFFF, v10;
	v11 =	vshra.s32 v17, $0x1F  }
0xaa: {  	v31 =	vadd.s32 v39, v9;
	v43 =	vand.u32 $0x7FFFFFFF, v15;
	v12, _, _ =	vpop (xrf0);
	v41 =	vand.u32 $0x7FFFFFFF, v11  }
0xab: {  	v11 =	vxor.u32 v28, v10;
	v9, _, _ =	vpop (xrf0);
	v34 =	vadd.s32 v12, v34;
	v12 =	vshra.s32 v33, $0x1F  }
0xac: {  	v16 =	vshra.s32 v25, $0x1F;
	v10 =	vxor.u32 v17, v41;
	v59 =	vadd.s32 v9, v14  }
0xad: {  	v9 =	vshra.s32 v27, $0x1F;
	v14 =	vshra.s32 v38, $0x1F;
	v42 =	vand.u32 $0x7FFFFFFF, v12  }
0xae: {  	v15 =	vand.u32 $0x7FFFFFFF, v16;
	v28 =	vshra.s32 v10, $0x12;
	v9 =	vand.u32 $0x7FFFFFFF, v9  }
0xaf: {  	v14 =	vand.u32 $0x7FFFFFFF, v14;
	v17 =	vxor.u32 v25, v15;
	v15 =	vxor.u32 v57, v40  }
0xb0: {  	v28 =	vadd.s32 $0x2000, v28;
	v12 =	vxor.u32 v27, v9;
	v9 =	vxor.u32 v33, v42  }
0xb1: {  	v16 =	vxor.u32 v38, v14;
	v14 =	vxor.u32 v55, v43;
	v27 =	vshra.s32 v11, $0x12  }
0xb2: {  	[tilespmem:v30+s17+$0x0] =	vst.idx.msk vm3, v21;
	v61 =	vshra.s32 v17, $0x12;
	v40 =	vshra.s32 v15, $0x12;
	vm3 =	veq.s32 v28, v7  }
0xb3: {  	v25 =	vshra.s32 v12, $0x12;
	v33 =	vshra.s32 v9, $0x12;
	v60 =	vshra.s32 v16, $0x12  }
0xb4: {  	(xrf0) =	vadd.scan.msk.s32 $0xffff, v26;
	v37 =	vshra.s32 v14, $0x12;
	v38 =	vadd.s32 $0x2000, v61;
	v27 =	vadd.s32 $0x2000, v27  }
0xb5: {  	[tilespmem:v29+s17+$0x0] =	vst.idx.msk vm4, v24;
	v62 =	vadd.s32 $0x2000, v40;
	v30 =	vsel vm3, $0x1, v2;
	v25 =	vadd.s32 $0x2000, v25  }
0xb6: {  	[tilespmem:v32+s17+$0x0] =	vst.idx.msk vm8, v22;
	vm7 =	veq.s32 v38, v7;
	v33 =	vadd.s32 $0x2000, v33;
	vm6 =	veq.s32 v62, v7  }
0xb7: {  	[tilespmem:v31+s17+$0x0] =	vst.idx.msk vm2, v23;
	v36 =	vadd.s32 $0x2000, v60;
	v26 =	vmpcnt.ones.xlane vm7;
	v24 =	vmpcnt.ones.xlane vm6  }
0xb8: {  	vm4 =	veq.s32 v25, v7;
	v25 =	vadd.s32 $0x2000, v37;
	[tilespmem:v59+s17+$0x0] =	vst.idx.msk vm5, v20;
	vm5 =	veq.s32 v27, v7  }
0xb9: {  	[tilespmem:v34+s17+$0x0] =	vst.idx.msk vm9, v18;
	vm2 =	veq.s32 v33, v7;
	vm8 =	veq.s32 v36, v7;
	v18 =	vsel vm7, $0x1, v2  }
0xba: {  	v28 =	vsel vm6, $0x1, v2;
	v20 =	vadd.s32 v8, v26;
	v26 =	vmpcnt.ones.xlane vm4  }
0xbb: {  	vm13 =	vmmov @p0 vm7;
	v21 =	vadd.s32 v20, v24;
	v24 =	vmpcnt.ones.xlane vm5  }
0xbc: {  	vm11 =	vmmov @p0 vm6;
	v23 =	vadd.s32 v21, v26;
	v26 =	vmpcnt.ones.xlane vm3  }
0xbd: {  	[tilespmem:v58+s17+$0x0] =	vst.idx.msk vm10, v19;
	v27 =	vmpcnt.ones.xlane vm2;
	v19 =	vmpcnt.ones.xlane vm8;
	v22 =	vadd.s32 v23, v24  }
0xbe: {  	vm10 =	veq.s32 v25, v7;
	v31 =	vsel vm4, $0x1, v2;
	(xrf0) =	vadd.scan.msk.s32 $0xffff, v18;
	v24 =	vadd.s32 v22, v26  }
0xbf: {  	v63 =	vsel vm5, $0x1, v2;
	(xrf0) =	vadd.scan.msk.s32 $0xffff, v28;
	v26 =	vadd.s32 v24, v27;
	v27 =	vmpcnt.ones.xlane vm10  }
0xc0: {  	v29 =	vsel vm2, $0x1, v2;
	vm12 =	vmmov @p0 vm4;
	(xrf0) =	vadd.scan.msk.s32 $0xffff, v31;
	v25 =	vadd.s32 v26, v19  }
0xc1: {  	s28 =	simm.s32 $0x140;
	s25 =	sxor.u32 $0x80000000, s31;
	s26 =	simm.s32 $0x8;
	v28 =	vsel vm8, $0x1, v2;
	v18, _, _ =	vpop (xrf0);
	(xrf0) =	vadd.scan.msk.s32 $0xffff, v63;
	v19 =	vadd.s32 v25, v27;
	v27 =	vsel vm10, $0x1, v2  }
.LBB2_8:
0xc2: {  	vm14 =	vmmov vm15;
	vm15 =	vmxor vm15, vm15  }
0xc3: {  	vm0 =	vmxor vm0, vm0;
	vm9 =	vmmov vm1;
	vm1 =	vmmov vm10  }
0xc4: {  	v32 =	vsel vm13, $0xFFFFFFFF, v2;
	vm10 =	vmxor vm10, vm10;
	vm13 =	vmxor vm13, vm13  }
0xc5: {  	v33 =	vsel vm11, $0xFFFFFFFF, v2;
	v34 =	vsel vm12, $0xFFFFFFFF, v2;
	vm14 =	vmmov @p0 vm5  }
0xc6: {  	v31 =	vld [tilespmem:s28+$0xFFFFFFE0];
	(xrf0) =	vadd.scan.msk.s32 $0xffff, v30;
	vm15 =	vmmov @p0 vm3;
	vm0 =	vmmov @p0 vm2;
	vm10 =	vmmov @p0 vm8  }
0xc7: {  	vm13 =	vmmov @p0 vm1;
	v20 =	vadd.s32 v33, v20;
	v21 =	vadd.s32 v34, v21;
	v30 =	vld [tilespmem:s28+$0xFFFFFFF0];
	(xrf0) =	vadd.scan.msk.s32 $0xffff, v29  }
0xc8: {  	v35 =	vsel vm14, $0xFFFFFFFF, v2;
	v37 =	vsel vm15, $0xFFFFFFFF, v2;
	v38 =	vsel vm0, $0xFFFFFFFF, v2;
	v29 =	vld [tilespmem:s28+$0x0];
	v36, _, _ =	vpop (xrf0);
	(xrf0) =	vadd.scan.msk.s32 $0xffff, v28  }
0xc9: {  	vm15 =	vmxor vm15, vm15;
	v41 =	vsel vm10, $0xFFFFFFFF, v2;
	v24 =	vadd.s32 v38, v24;
	v28 =	vld [tilespmem:s28+$0x10];
	v40, _, _ =	vpop (xrf0);
	(xrf0) =	vadd.scan.msk.s32 $0xffff, v27  }
0xca: {  	v26 =	vadd.s32 v41, v26;
	v38 =	vsel vm13, $0xFFFFFFFF, v2;
	v23 =	vadd.s32 v35, v23;
	v27 =	vld [tilespmem:s28+$0x20];
	v39, _, _ =	vpop (xrf0)  }
0xcb: {  	v22 =	vadd.s32 v37, v22;
	vm13 =	vmmov vm15;
	v25 =	vadd.s32 v38, v25;
	v41 =	vld [tilespmem:s28+$0x30];
	v35, _, _ =	vpop (xrf0)  }
0xcc: {  	s26 =	sadd.s32 $0x8, s26;
	vm11 =	vmmov vm15;
	vm12 =	vmmov vm15;
	v38 =	vadd.s32 v32, v8;
	v37 =	vld [tilespmem:s28+$0xFFFFFFD0];
	v32, _, _ =	vpop (xrf0)  }
0xcd: {  	p1 =	slt.u32 s26, $0x7F8;
	v34 =	vadd.s32 v36, v38;
	v20 =	vadd.s32 v40, v20;
	v36 =	vadd.s32 v18, v13;
	v33 =	vld [tilespmem:s28+$0xFFFFFFC0];
	v8, _, _ =	vpop (xrf0)  }
0xce: {  	v21 =	vadd.s32 v39, v21;
	v23 =	vadd.s32 v35, v23;
	v22 =	vadd.s32 v32, v22;
	v13, _, _ =	vpop (xrf0)  }
0xcf: {  	v24 =	vadd.s32 v8, v24;
	v26 =	vadd.s32 v13, v26;
	v18, _, _ =	vpop (xrf0);
	v13 =	vmov v25  }
0xd0: {  	v32 =	vshra.s32 v30, $0x1F;
	v35 =	vshra.s32 v29, $0x1F;
	v8 =	vmovc v19;
	v25 =	vshra.s32 v31, $0x1F  }
0xd1: {  	v38 =	vshra.s32 v28, $0x1F;
	v39 =	vshra.s32 v27, $0x1F;
	v40 =	vshra.s32 v41, $0x1F  }
0xd2: {  	v25 =	vand.u32 $0x7FFFFFFF, v25;
	v43 =	vshra.s32 v37, $0x1F;
	v42 =	vshra.s32 v33, $0x1F;
	[tilespmem:v36+s17+$0x0] =	vst.idx.msk vm9, v5;
	v5 =	vmovc v14  }
0xd3: {  	v14 =	vand.u32 $0x7FFFFFFF, v32;
	v32 =	vand.u32 $0x7FFFFFFF, v35;
	v35 =	vand.u32 $0x7FFFFFFF, v38;
	[tilespmem:v34+s17+$0x0] =	vst.idx.msk vm7, v17  }
0xd4: {  	v36 =	vand.u32 $0x7FFFFFFF, v40;
	v34 =	vand.u32 $0x7FFFFFFF, v43;
	v17 =	vand.u32 $0x7FFFFFFF, v39;
	[tilespmem:v26+s17+$0x0] =	vst.idx.msk vm8, v16  }
0xd5: {  	v25 =	vxor.u32 v31, v25;
	v30 =	vxor.u32 v30, v14;
	v26 =	vand.u32 $0x7FFFFFFF, v42;
	[tilespmem:v20+s17+$0x0] =	vst.idx.msk vm6, v15  }
0xd6: {  	v28 =	vxor.u32 v28, v35;
	v16 =	vxor.u32 v27, v17;
	v20 =	vxor.u32 v29, v32  }
0xd7: {  	v14 =	vxor.u32 v41, v36;
	v17 =	vxor.u32 v33, v26;
	v15 =	vxor.u32 v37, v34  }
0xd8: {  	v27 =	vshra.s32 v30, $0x12;
	v26 =	vshra.s32 v25, $0x12;
	v29 =	vshra.s32 v20, $0x12;
	[tilespmem:v21+s17+$0x0] =	vst.idx.msk vm4, v12;
	v12 =	vmovc v25  }
0xd9: {  	v31 =	vshra.s32 v14, $0x12;
	v21 =	vshra.s32 v28, $0x12;
	v25 =	vshra.s32 v16, $0x12;
	[tilespmem:v23+s17+$0x0] =	vst.idx.msk vm5, v11;
	v11 =	vmovc v30  }
0xda: {  	v26 =	vadd.s32 $0x2000, v26;
	v23 =	vshra.s32 v17, $0x12;
	v30 =	vshra.s32 v15, $0x12;
	[tilespmem:v22+s17+$0x0] =	vst.idx.msk vm3, v10;
	v10 =	vmovc v20  }
0xdb: {  	v20 =	vadd.s32 $0x2000, v23;
	v22 =	vadd.s32 $0x2000, v27;
	v23 =	vadd.s32 $0x2000, v29;
	[tilespmem:v24+s17+$0x0] =	vst.idx.msk vm2, v9;
	v9 =	vmovc v28  }
0xdc: {  	vm7 =	veq.s32 v20, v7;
	v20 =	vadd.s32 $0x2000, v30;
	v24 =	vadd.s32 $0x2000, v21  }
0xdd: {  	v25 =	vadd.s32 $0x2000, v25;
	v21 =	vmpcnt.ones.xlane vm7;
	vm6 =	veq.s32 v20, v7  }
0xde: {  	vm4 =	veq.s32 v26, v7;
	v26 =	vadd.s32 $0x2000, v31;
	v27 =	vmpcnt.ones.xlane vm6  }
0xdf: {  	vm5 =	veq.s32 v22, v7;
	v20 =	vadd.s32 v19, v21;
	v19 =	vmpcnt.ones.xlane vm4  }
0xe0: {  	vm3 =	veq.s32 v23, v7;
	v22 =	vmpcnt.ones.xlane vm5;
	v21 =	vadd.s32 v20, v27  }
0xe1: {  	vm2 =	veq.s32 v24, v7;
	v23 =	vadd.s32 v21, v19;
	v19 =	vmpcnt.ones.xlane vm3  }
0xe2: {  	vm8 =	veq.s32 v25, v7;
	v27 =	vmpcnt.ones.xlane vm2;
	v22 =	vadd.s32 v23, v22  }
0xe3: {  	vm10 =	veq.s32 v26, v7;
	v24 =	vadd.s32 v22, v19;
	v19 =	vmpcnt.ones.xlane vm8  }
.Ltmp3:
0xe4: {  	v28 =	vsel vm7, $0x1, v2;
	v26 =	vadd.s32 v24, v27;
	v27 =	vmpcnt.ones.xlane vm10;
	(pc) =	sbr.rel @p1 .LBB2_8-.Ltmp3, $4  }
0xe5: {  	v31 =	vsel vm4, $0x1, v2;
	v29 =	vsel vm6, $0x1, v2;
	v25 =	vadd.s32 v26, v19;
	(xrf0) =	vadd.scan.msk.s32 $0xffff, v28  }
0xe6: {  	v32 =	vsel vm5, $0x1, v2;
	v30 =	vsel vm3, $0x1, v2;
	v19 =	vadd.s32 v25, v27;
	(xrf0) =	vadd.scan.msk.s32 $0xffff, v29  }
0xe7: {  	v28 =	vsel vm8, $0x1, v2;
	v27 =	vsel vm10, $0x1, v2;
	v29 =	vsel vm2, $0x1, v2;
	(xrf0) =	vadd.scan.msk.s32 $0xffff, v31  }
0xe8: {  	s28 =	sadd.s32 $0x80, s28;
	vm12 =	vmmov @p0 vm4;
	vm13 =	vmmov @p0 vm7;
	vm11 =	vmmov @p0 vm6;
	(xrf0) =	vadd.scan.msk.s32 $0xffff, v32  }
0xe9: {  	s24 =	ssub.s32 $0xCCC, s24  }
0xea: {  	v4 =	vadd.s32 s24, v4  }
0xeb: {  	(xrf0) =	vadd.scan.msk.s32 $0xffff, v30;
	v4 =	vsub.s32 v4, v6;
	v6 =	vmov s25  }
0xec: {  	(xrf0) =	vadd.scan.msk.s32 $0xffff, v29  }
0xed: {  	v7, _, _ =	vpop (xrf0);
	(xrf0) =	vadd.scan.msk.s32 $0xffff, v28;
	vm0 =	veq.s32 v6, v1;
	v4 =	vxor.u32 $0x80000000, v4  }
0xee: {  	v4 =	vnsel vm0, $0x0, v4;
	v6, _, _ =	vpop (xrf0);
	(xrf0) =	vadd.scan.msk.s32 $0xffff, v27  }
0xef: {  	v51, _, _ =	vpop (xrf0);
	(xrf0) =	vmax.scan.msk.u32 $0xffff, v4;
	v4 =	vxor.u32 $0x80000000, v19;
	_ =	sdelay $0x1  }
0xf0: {  	v52, _, _ =	vpop (xrf0);
	(xrf0) =	vmax.scan.msk.u32 $0xffff, v4  }
0xf1: {  	v4, _, _ =	vpop (xrf0)  }
0xf2: {  	v53, _, _ =	vpop (xrf0)  }
0xf3: {  	v54, _, _ =	vpop (xrf0)  }
0xf4: {  	v55, _, _ =	vpop (xrf0)  }
0xf5: {  	v31, _, _ =	vpop (xrf0)  }
0xf6: {  	(v2sf) =	vpush v31, $0xF;
	v56, _, _ =	vpop (xrf0)  }
0xf7: {  	(v2sf) =	vpush v56, $0xF;
	_ =	sdelay $0x4  }
0xf8: {  	v57 =	vsel vm13, $0xFFFFFFFF, v2  }
0xf9: {  	v32 =	vsel vm11, $0xFFFFFFFF, v2;
	vm9 =	vmmov vm15;
	v33 =	vsel vm12, $0xFFFFFFFF, v2  }
0xfa: {  	vm1 =	vmmov vm1;
	v13 =	vadd.s32 v18, v13;
	vm9 =	vmmov @p0 vm8  }
0xfb: {  	v8 =	vadd.s32 v57, v8;
	v59 =	vadd.s32 v32, v20;
	vm0 =	vmmov vm15  }
0xfc: {  	v21 =	vadd.s32 v33, v21;
	v35 =	vsel vm9, $0xFFFFFFFF, v2;
	vm0 =	vmmov @p0 vm5  }
0xfd: {  	vm9 =	vmmov vm10;
	v34 =	vsel vm0, $0xFFFFFFFF, v2;
	vm0 =	vmmov vm15  }
0xfe: {  	v7 =	vadd.s32 v7, v8;
	v6 =	vadd.s32 v6, v59;
	vm0 =	vmmov @p0 vm3  }
0xff: {  	v23 =	vadd.s32 v34, v23;
	v58 =	vsel vm0, $0xFFFFFFFF, v2;
	vm0 =	vmmov vm15  }
0x100: {  	v21 =	vadd.s32 v51, v21;
	v62 =	vadd.s32 v52, v23;
	vm0 =	vmmov @p0 vm2  }
0x101: {  	[tilespmem:v13+s17+$0x0] =	vst.idx.msk vm1, v5;
	v5 =	vadd.s32 v58, v22;
	v61 =	vsel vm0, $0xFFFFFFFF, v2;
	vm0 =	vmmov vm15;
	s30 =	spop (v2sf)  }
0x102: {  	v26 =	vadd.s32 v35, v26;
	v4 =	vadd.s32 v4, v5;
	vm0 =	vmmov @p0 vm9;
	s31 =	spop (v2sf)  }
0x103: {  	[tilespmem:v7+s17+$0x0] =	vst.idx.msk vm7, v17;
	v7 =	vadd.s32 v61, v24;
	v60 =	vadd.s32 v54, v26;
	v63 =	vsel vm0, $0xFFFFFFFF, v2;
	s26 =	sadd.s32 $0x8000000F, s31  }
0x104: {  	[tilespmem:v6+s17+$0x0] =	vst.idx.msk vm6, v15;
	v7 =	vadd.s32 v53, v7;
	v5 =	vadd.s32 v63, v25;
	s28 =	sand.u32 $0xF, s26  }
0x105: {  	[tilespmem:v21+s17+$0x0] =	vst.idx.msk vm4, v12;
	v5 =	vadd.s32 v55, v5;
	p2 =	slt.s32 s26, $0x1;
	p1 =	sne.s32 s28, $0x0;
	s28 =	sshra.s32 s26, $0x1F  }
.Ltmp4:
0x106: {  	[tilespmem:v62+s17+$0x0] =	vst.idx.msk vm5, v11;
	s28 =	sshrl.u32 s28, $0x1C;
	p1 =	por !p2, !p1;
	(pc) =	sbr.rel .LBB2_10-.Ltmp4, $4  }
0x107: {  	[tilespmem:v4+s17+$0x0] =	vst.idx.msk vm3, v10;
	s26 =	sadd.s32 s28, s26;
	p1 =	por !p1, !p1;
	s28 =	simm.s32 $0x1  }
0x108: {  	s23 =	sshll.u32 s23, $0x12;
	[tilespmem:v60+s17+$0x0] =	vst.idx.msk vm8, v16;
	s26 =	sshra.s32 s26, $0x4;
	s28 =	simm.s32 @!p1 $0x0  }
0x109: {  	s23 =	sxor.u32 $0x80000000, s23;
	[tilespmem:v7+s17+$0x0] =	vst.idx.msk vm2, v9;
	s25 =	sxor.u32 $0x80000000, s31;
	s26 =	ssub.s32 s26, s28  }
0x10a: {  	vm11 =	vmmov vm9;
	[tilespmem:v5+s17+$0x0] =	vst.idx.msk vm9, v14;
	s24 =	sxor.u32 $0x80000000, s30;
	v4 =	vmov s25;
	s28 =	simm.s32 $0x0;
	p1 =	slt.s32 s26, $0x1  }
.LBB2_11:
0x10b: {  	v5 =	vimm.s32 $0x0  }
.LBB2_15:
0x10c: {  	(xrf0) =	vadd.scan.msk.s32 $0xffff, v5;
	_ =	sdelay $0x5  }
0x10d: {  	v5, _, _ =	vpop (xrf0)  }
0x10e: {  	(v2sf) =	vpush v5, $0xF;
	_ =	sdelay $0xe  }
0x10f: {  	s29 =	spop (v2sf)  }
0x110: {  	s28 =	sadd.s32 $0x1, s28;
	p2 =	slt.s32 s29, s24  }
0x111: {  	s25 =	smov.u32 @p2 s23;
	p2 =	sne.s32 s28, $0x12  }
.Ltmp5:
0x112: {  	_ = 	snop;
	(pc) =	sbr.rel @!p2 .LBB2_16-.Ltmp5, $2  }
0x113: {  	_ =	sdelay $0x2  }
0x114: {  	s23 =	smov.u32 s25  }
.LBB2_10:
.Ltmp6:
0x115: {  	(pc) =	sbr.rel @p1 .LBB2_11-.Ltmp6, $3  }
0x116: {  	_ =	sdelay $0x1  }
0x117: {  	s25 =	sshrl.u32 s18, s28  }
0x118: {  	s25 =	sor.u32 s25, s23  }
0x119: {  	s29 =	simm.s32 $0x14000  }
0x11a: {  	p2 =	sne.s32 s26, $0x1;
	v7 =	vld [tilespmem:s29+$0x0]  }
.Ltmp7:
0x11b: {  	_ = 	snop;
	(pc) =	sbr.rel @!p2 .LBB2_14-.Ltmp7, $4  }
0x11c: {  	_ = 	snop  }
0x11d: {  	s29 =	simm.s32 $0x0  }
0x11e: {  	v6 =	vmov s25;
	v8 =	vor.u32 s29, v1  }
0x11f: {  	v5 =	vimm.s32 $0x0;
	s30 =	sadd.s32 $0xFFFFFFFF, s26;
	s31 =	simm.s32 $0x14010;
	vm1 =	vlt.s32 v8, v4;
	vm2 =	vge.s32 v7, v6  }
.LBB2_13:
0x120: {  	v7 =	vld [tilespmem:s31+$0x0];
	p2 =	sne.s32 s30, $0x1;
	s30 =	sadd.s32 $0xFFFFFFFF, s30;
	vm0 =	vmand vm1, vm2  }
.Ltmp8:
0x121: {  	v8 =	vsel vm0, $0x1, v2;
	(pc) =	sbr.rel @p2 .LBB2_13-.Ltmp8, $4  }
0x122: {  	v5 =	vadd.s32 v8, v5  }
0x123: {  	s29 =	sadd.s32 $0x10, s29  }
0x124: {  	v8 =	vor.u32 s29, v1  }
0x125: {  	s31 =	sadd.s32 $0x10, s31;
	vm1 =	vlt.s32 v8, v4;
	vm2 =	vge.s32 v7, v6  }
.LBB2_14:
.Ltmp9:
0x126: {  	(pc) =	sbr.rel .LBB2_15-.Ltmp9, $4  }
0x127: {  	_ = 	snop  }
0x128: {  	vm0 =	vmand vm1, vm2  }
0x129: {  	v6 =	vsel vm0, $0x1, v2  }
0x12a: {  	v5 =	vadd.s32 v6, v5  }
.LBB2_16:
0x12b: {  	s23 =	simm.s32 $0x40  }
0x12c: {  	v8 =	vld [tilespmem:s23+$0x30]  }
0x12d: {  	v4 =	vmov s25;
	v11 =	vld [tilespmem:s23+$0xFFFFFFD0]  }
0x12e: {  	v4 =	vshra.s32 v4, $0x1F;
	v10 =	vld [tilespmem:s23+$0xFFFFFFE0]  }
0x12f: {  	v9 =	vld [tilespmem:s23+$0xFFFFFFF0];
	v4 =	vand.u32 $0x7FFFFFFF, v4  }
0x130: {  	v7 =	vld [tilespmem:s23+$0x0];
	v4 =	vxor.u32 s25, v4  }
0x131: {  	v6 =	vld [tilespmem:s23+$0x10];
	vm0 =	vge.f32 v8, v4  }
0x132: {  	v5 =	vld [tilespmem:s23+$0x20];
	vm1 =	vge.f32 v11, v4;
	v12 =	vnsel vm0, $0x0, v8  }
0x133: {  	s24 =	simm.s32 $0x0;
	s25 =	simm.s32 $0xC0;
	v8 =	vld [tilespmem:s23+$0xFFFFFFC0];
	v11 =	vnsel vm1, $0x0, v11;
	vm1 =	vge.f32 v10, v4;
	[tilespmem:s23+$0x30] =	vst v12  }
.LBB2_17:
0x134: {  	v12 =	vld [tilespmem:s25+$0x30];
	s24 =	sadd.s32 $0x8, s24;
	[tilespmem:s23+$0xFFFFFFD0] =	vst v11;
	v10 =	vnsel vm1, $0x0, v10;
	vm0 =	vge.f32 v9, v4  }
0x135: {  	v11 =	vld [tilespmem:s25+$0xFFFFFFD0];
	p1 =	slt.u32 s24, $0x7F8;
	[tilespmem:s23+$0xFFFFFFE0] =	vst v10;
	v9 =	vnsel vm0, $0x0, v9;
	vm0 =	vge.f32 v7, v4  }
0x136: {  	v10 =	vld [tilespmem:s25+$0xFFFFFFE0];
	[tilespmem:s23+$0xFFFFFFF0] =	vst v9;
	v7 =	vnsel vm0, $0x0, v7;
	vm0 =	vge.f32 v6, v4  }
.Ltmp10:
0x137: {  	v9 =	vld [tilespmem:s25+$0xFFFFFFF0];
	[tilespmem:s23+$0x0] =	vst v7;
	v6 =	vnsel vm0, $0x0, v6;
	vm0 =	vge.f32 v5, v4;
	(pc) =	sbr.rel @p1 .LBB2_17-.Ltmp10, $4  }
0x138: {  	v7 =	vld [tilespmem:s25+$0x0];
	vm1 =	vge.f32 v8, v4;
	[tilespmem:s23+$0x10] =	vst v6;
	v5 =	vnsel vm0, $0x0, v5  }
0x139: {  	v6 =	vld [tilespmem:s25+$0x10];
	vm0 =	vge.f32 v12, v4;
	v8 =	vnsel vm1, $0x0, v8;
	[tilespmem:s23+$0x20] =	vst v5  }
0x13a: {  	vm1 =	vge.f32 v11, v4;
	v5 =	vld [tilespmem:s25+$0x20];
	v12 =	vnsel vm0, $0x0, v12;
	[tilespmem:s23+$0xFFFFFFC0] =	vst v8;
	s23 =	smov.u32 s25  }
0x13b: {  	s25 =	sadd.s32 $0x80, s25;
	v8 =	vld [tilespmem:s23+$0xFFFFFFC0];
	v11 =	vnsel vm1, $0x0, v11;
	vm1 =	vge.f32 v10, v4;
	[tilespmem:s23+$0x30] =	vst v12  }
0x13c: {  	[tilespmem:s23+$0xFFFFFFD0] =	vst v11;
	v10 =	vnsel vm1, $0x0, v10;
	vm0 =	vge.f32 v9, v4  }
0x13d: {  	[tilespmem:s23+$0xFFFFFFE0] =	vst v10;
	v9 =	vnsel vm0, $0x0, v9;
	vm8 =	vge.f32 v7, v4  }
0x13e: {  	[tilespmem:s23+$0xFFFFFFF0] =	vst v9;
	v7 =	vnsel vm8, $0x0, v7;
	vm9 =	vge.f32 v6, v4  }
0x13f: {  	[tilespmem:s23+$0x0] =	vst v7;
	v6 =	vnsel vm9, $0x0, v6;
	vm10 =	vge.f32 v5, v4  }
0x140: {  	vm11 =	vge.f32 v8, v4;
	[tilespmem:s23+$0x10] =	vst v6;
	v4 =	vnsel vm10, $0x0, v5  }
0x141: {  	v5 =	vnsel vm11, $0x0, v8;
	[tilespmem:s23+$0x20] =	vst v4  }
0x142: {  	[tilespmem:s23+$0xFFFFFFC0] =	vst v5  }
0x143: {  	[hbm4b:s5+s12] =	stream.strided.scatter [tilespmem:s1], [sflag:$0x3], $0x8000, s13, s12, $0x38;
	[tilespmem:$0x1C080] =	vst v63  }
0x144: {  	_ =	swait.ge [sflag:s19], $0x8000  }
0x145: {  	[sflag:s19] =	ssyncset.done $0x0  }
0x146: {  	[sflag:s19] =	ssyncadd.s32 $0xFFFF8000  }
0x147: {  	[tilespmem:s1], [sflag:$0x1] =	stream.strided.gather [hbm4b:s6+s12], $0x8000, s13, s12, $0x38;
	[tilespmem:$0x1C080] =	vst v63  }
0x148: {  	_ =	swait.ge [sflag:s20], $0x8000  }
0x149: {  	[sflag:s20] =	ssyncset.done $0x0  }
0x14a: {  	s23 =	simm.s32 $0x10040;
	[sflag:s20] =	ssyncadd.s32 $0xFFFF8000  }
0x14b: {  	[tilespmem:s23+$0xFFFFFFC0] =	vst v2  }
0x14c: {  	[tilespmem:s23+$0x30] =	vst v2  }
0x14d: {  	[tilespmem:s23+$0x20] =	vst v2  }
0x14e: {  	[tilespmem:s23+$0x10] =	vst v2  }
0x14f: {  	[tilespmem:s23+$0x0] =	vst v2  }
0x150: {  	[tilespmem:s23+$0xFFFFFFF0] =	vst v2  }
0x151: {  	s25 =	simm.s32 $0x0;
	[tilespmem:s23+$0xFFFFFFE0] =	vst v2  }
.LBB2_19:
0x152: {  	s25 =	sadd.s32 $0x8, s25;
	[tilespmem:s23+$0xFFFFFFD0] =	vst v2;
	s23 =	sadd.s32 $0x80, s23;
	s24 =	simm.s32 $0x8040  }
0x153: {  	[tilespmem:s23+$0xFFFFFFC0] =	vst v2;
	p1 =	slt.u32 s25, $0x3F8  }
0x154: {  	[tilespmem:s23+$0x30] =	vst v2  }
.Ltmp11:
0x155: {  	[tilespmem:s23+$0x20] =	vst v2;
	(pc) =	sbr.rel @p1 .LBB2_19-.Ltmp11, $4  }
0x156: {  	[tilespmem:s23+$0x10] =	vst v2  }
0x157: {  	[tilespmem:s23+$0x0] =	vst v2  }
0x158: {  	[tilespmem:s23+$0xFFFFFFF0] =	vst v2  }
0x159: {  	[tilespmem:s23+$0xFFFFFFE0] =	vst v2  }
0x15a: {  	[tilespmem:s23+$0xFFFFFFD0] =	vst v2  }
0x15b: {  	v4 =	vld [tilespmem:s24+$0xFFFFFFC0];
	_ =	sdelay $0x1  }
0x15c: {  	v5 =	vld [tilespmem:s24+$0xFFFFFFD0];
	_ =	sdelay $0x1  }
0x15d: {  	v6 =	vld [tilespmem:s24+$0xFFFFFFE0]  }
0x15e: {  	v7 =	vshra.s32 v4, $0x1F  }
0x15f: {  	v8 =	vld [tilespmem:s24+$0xFFFFFFF0];
	v7 =	vand.u32 $0x7FFFFFFF, v7  }
0x160: {  	v9 =	vimm.s32 $0x80000000;
	v10 =	vshra.s32 v5, $0x1F;
	v7 =	vxor.u32 v4, v7  }
0x161: {  	v11 =	vld [tilespmem:s24+$0x0];
	v10 =	vand.u32 $0x7FFFFFFF, v10;
	v4 =	vshra.s32 v7, $0x12;
	vm0 =	vgt.s32 v9, v7  }
0x162: {  	v7 =	vsel vm0, v9, v7;
	v9 =	vxor.u32 v5, v10;
	v10 =	vshra.s32 v6, $0x1F  }
0x163: {  	v5 =	vshra.s32 v9, $0x12;
	vm0 =	vgt.s32 v7, v9;
	v10 =	vand.u32 $0x7FFFFFFF, v10  }
0x164: {  	v13 =	vld [tilespmem:s24+$0x10];
	v7 =	vsel vm0, v7, v9;
	v9 =	vxor.u32 v6, v10;
	v10 =	vshra.s32 v8, $0x1F  }
0x165: {  	v6 =	vshra.s32 v9, $0x12;
	vm0 =	vgt.s32 v7, v9;
	v12 =	vand.u32 $0x7FFFFFFF, v10  }
0x166: {  	v9 =	vsel vm0, v7, v9;
	v8 =	vxor.u32 v8, v12;
	v12 =	vshra.s32 v11, $0x1F  }
0x167: {  	vm0 =	vgt.s32 v9, v8;
	v12 =	vand.u32 $0x7FFFFFFF, v12  }
0x168: {  	v10 =	vld [tilespmem:s24+$0x20];
	v9 =	vsel vm0, v9, v8;
	v11 =	vxor.u32 v11, v12  }
0x169: {  	v7 =	vshra.s32 v8, $0x12;
	v12 =	vshra.s32 v13, $0x1F;
	vm0 =	vgt.s32 v9, v11  }
0x16a: {  	v8 =	vshra.s32 v11, $0x12;
	v14 =	vand.u32 $0x7FFFFFFF, v12;
	v12 =	vsel vm0, v9, v11;
	v11 =	vld [tilespmem:s24+$0x30];
	_ =	sdelay $0x2  }
0x16b: {  	v13 =	vxor.u32 v13, v14;
	v14 =	vshra.s32 v10, $0x1F  }
0x16c: {  	s23 =	simm.s32 $0x0;
	s24 =	simm.s32 $0x80C0;
	v9 =	vshra.s32 v13, $0x12;
	vm1 =	vgt.s32 v12, v13;
	v14 =	vand.u32 $0x7FFFFFFF, v14  }
.LBB2_21:
0x16d: {  	v15 =	vld [tilespmem:s24+$0xFFFFFFC0];
	s23 =	sadd.s32 $0x8, s23;
	v12 =	vsel vm1, v12, v13;
	v10 =	vxor.u32 v10, v14;
	v13 =	vshra.s32 v11, $0x1F  }
0x16e: {  	p1 =	slt.u32 s23, $0x7F8;
	v14 =	vshra.s32 v10, $0x12;
	vm0 =	vgt.s32 v12, v10;
	v13 =	vand.u32 $0x7FFFFFFF, v13  }
0x16f: {  	v4 =	vadd.s32 $0x2000, v4;
	v16 =	vld [tilespmem:s24+$0xFFFFFFD0];
	v10 =	vsel vm0, v12, v10;
	v11 =	vxor.u32 v11, v13  }
0x170: {  	v5 =	vadd.s32 $0x2000, v5;
	v12 =	vshra.s32 v11, $0x12;
	vm0 =	vgt.s32 v10, v11  }
0x171: {  	v6 =	vadd.s32 $0x2000, v6;
	v7 =	vadd.s32 $0x2000, v7;
	v13 =	vld [tilespmem:s24+$0xFFFFFFE0];
	v10 =	vsel vm0, v10, v11  }
0x172: {  	v8 =	vadd.s32 $0x2000, v8;
	v9 =	vadd.s32 $0x2000, v9;
	v11 =	vshra.s32 v15, $0x1F  }
0x173: {  	v14 =	vadd.s32 $0x2000, v14;
	v18 =	vadd.s32 $0x2000, v12;
	v11 =	vand.u32 $0x7FFFFFFF, v11;
	v17 =	vld [tilespmem:s24+$0xFFFFFFF0]  }
0x174: {  	v11 =	vxor.u32 v15, v11;
	v12 =	vshra.s32 v16, $0x1F;
	[tilespmem:v4+s16+$0x0] =	vst.idx.add.s32.msk $0xffff, v0  }
0x175: {  	v4 =	vshra.s32 v11, $0x12;
	vm0 =	vgt.s32 v10, v11;
	v12 =	vand.u32 $0x7FFFFFFF, v12;
	v15 =	vld [tilespmem:s24+$0x0]  }
0x176: {  	v10 =	vsel vm0, v10, v11;
	v11 =	vxor.u32 v16, v12;
	v12 =	vshra.s32 v13, $0x1F;
	[tilespmem:v5+s16+$0x0] =	vst.idx.add.s32.msk $0xffff, v0  }
0x177: {  	v5 =	vshra.s32 v11, $0x12;
	vm0 =	vgt.s32 v10, v11;
	v12 =	vand.u32 $0x7FFFFFFF, v12;
	v16 =	vld [tilespmem:s24+$0x10]  }
0x178: {  	v11 =	vsel vm0, v10, v11;
	v12 =	vxor.u32 v13, v12;
	v10 =	vshra.s32 v17, $0x1F;
	[tilespmem:v6+s16+$0x0] =	vst.idx.add.s32.msk $0xffff, v0  }
0x179: {  	v6 =	vshra.s32 v12, $0x12;
	vm0 =	vgt.s32 v11, v12;
	v13 =	vand.u32 $0x7FFFFFFF, v10;
	v10 =	vld [tilespmem:s24+$0x20]  }
0x17a: {  	v12 =	vsel vm0, v11, v12;
	v13 =	vxor.u32 v17, v13;
	v11 =	vshra.s32 v15, $0x1F;
	[tilespmem:v7+s16+$0x0] =	vst.idx.add.s32.msk $0xffff, v0  }
.Ltmp12:
0x17b: {  	v7 =	vshra.s32 v13, $0x12;
	vm0 =	vgt.s32 v12, v13;
	v17 =	vand.u32 $0x7FFFFFFF, v11;
	v11 =	vld [tilespmem:s24+$0x30];
	(pc) =	sbr.rel @p1 .LBB2_21-.Ltmp12, $4  }
0x17c: {  	v12 =	vsel vm0, v12, v13;
	v13 =	vxor.u32 v15, v17;
	v15 =	vshra.s32 v16, $0x1F;
	[tilespmem:v8+s16+$0x0] =	vst.idx.add.s32.msk $0xffff, v0  }
0x17d: {  	v8 =	vshra.s32 v13, $0x12;
	vm0 =	vgt.s32 v12, v13;
	v15 =	vand.u32 $0x7FFFFFFF, v15;
	[tilespmem:v9+s16+$0x0] =	vst.idx.add.s32.msk $0xffff, v0  }
0x17e: {  	v12 =	vsel vm0, v12, v13;
	v13 =	vxor.u32 v16, v15;
	v15 =	vshra.s32 v10, $0x1F;
	[tilespmem:v14+s16+$0x0] =	vst.idx.add.s32.msk $0xffff, v0  }
0x17f: {  	s24 =	sadd.s32 $0x80, s24;
	v9 =	vshra.s32 v13, $0x12;
	vm1 =	vgt.s32 v12, v13;
	v14 =	vand.u32 $0x7FFFFFFF, v15;
	[tilespmem:v18+s16+$0x0] =	vst.idx.add.s32.msk $0xffff, v0  }
0x180: {  	v12 =	vsel vm1, v12, v13;
	v10 =	vxor.u32 v10, v14;
	v62 =	vshra.s32 v11, $0x1F  }
0x181: {  	vm0 =	vgt.s32 v12, v10;
	v13 =	vand.u32 $0x7FFFFFFF, v62  }
0x182: {  	v12 =	vsel vm0, v12, v10;
	v63 =	vxor.u32 v11, v13  }
0x183: {  	vm0 =	vgt.s32 v12, v63  }
0x184: {  	v12 =	vsel vm0, v12, v63  }
0x185: {  	v12 =	vxor.u32 $0x80000000, v12  }
0x186: {  	(xrf0) =	vmax.scan.msk.u32 $0xffff, v12;
	_ =	sdelay $0x5  }
0x187: {  	v12, _, _ =	vpop (xrf0)  }
0x188: {  	(v2sf) =	vpush v12, $0xF;
	_ =	sdelay $0xc  }
0x189: {  	v4 =	vadd.s32 $0x2000, v4  }
0x18a: {  	v5 =	vadd.s32 $0x2000, v5  }
0x18b: {  	v6 =	vadd.s32 $0x2000, v6;
	s23 =	spop (v2sf)  }
0x18c: {  	v7 =	vadd.s32 $0x2000, v7;
	s24 =	sshra.s32 s23, $0x12  }
0x18d: {  	v8 =	vadd.s32 $0x2000, v8;
	s23 =	sand.u32 $0x3C0000, s23;
	s24 =	sxor.u32 $0xFFFFE000, s24  }
0x18e: {  	v9 =	vadd.s32 $0x2000, v9;
	v10 =	vshra.s32 v10, $0x12;
	[tilespmem:v4+s16+$0x0] =	vst.idx.add.s32.msk $0xffff, v0;
	p2 =	sne.s32 s23, $0x0;
	s25 =	sadd.s32 $0x2000, s24;
	p1 =	slt.s32 s24, $0xFFFFE001  }
0x18f: {  	v10 =	vadd.s32 $0x2000, v10;
	v4 =	vshra.s32 v63, $0x12;
	[tilespmem:v5+s16+$0x0] =	vst.idx.add.s32.msk $0xffff, v0;
	s31 =	sshrl.u32 s25, $0x1C;
	p1 =	por !p2, !p1  }
0x190: {  	[tilespmem:v6+s16+$0x0] =	vst.idx.add.s32.msk $0xffff, v0;
	v4 =	vadd.s32 $0x2000, v4;
	s24 =	simm.s32 $0x1;
	s23 =	sadd.s32 s31, s25;
	p1 =	por !p1, !p1  }
0x191: {  	[tilespmem:v7+s16+$0x0] =	vst.idx.add.s32.msk $0xffff, v0;
	s23 =	sshra.s32 s23, $0x4;
	s24 =	simm.s32 @!p1 $0x0  }
0x192: {  	[tilespmem:v8+s16+$0x0] =	vst.idx.add.s32.msk $0xffff, v0;
	s23 =	ssub.s32 s23, s24  }
0x193: {  	[tilespmem:v9+s16+$0x0] =	vst.idx.add.s32.msk $0xffff, v0;
	s24 =	sshll.u32 s23, $0x6  }
0x194: {  	[tilespmem:v10+s16+$0x0] =	vst.idx.add.s32.msk $0xffff, v0;
	s23 =	sshll.u32 s23, $0x4;
	s24 =	sshra.s32 s24, $0x2  }
0x195: {  	s26 =	simm.s32 $0x0;
	[tilespmem:v4+s16+$0x0] =	vst.idx.add.s32.msk $0xffff, v0;
	s23 =	sadd.s32 $0x80000010, s23;
	s25 =	sadd.s32 $0x10000, s24  }
.LBB2_23:
0x196: {  	v4 =	vld [tilespmem:s25+$0x0];
	_ =	sdelay $0x4  }
0x197: {  	(xrf0) =	vadd.scan.msk.s32 $0xffff, v4;
	_ =	sdelay $0x5  }
0x198: {  	v5, _, _ =	vpop (xrf0)  }
0x199: {  	(v2sf) =	vpush v5, $0xF;
	_ =	sdelay $0xe  }
0x19a: {  	s24 =	smov.u32 s26;
	s31 =	spop (v2sf)  }
0x19b: {  	s26 =	sadd.s32 s24, s31  }
0x19c: {  	p1 =	slt.s32 s26, $0xCCC  }
.Ltmp13:
0x19d: {  	_ = 	snop;
	(pc) =	sbr.rel @p1 .LBB2_23-.Ltmp13, $2  }
0x19e: {  	_ =	sdelay $0x2  }
0x19f: {  	s23 =	sadd.s32 $0xFFFFFFF0, s23;
	s25 =	sadd.s32 $0xFFFFFFF0, s25  }
0x1a0: {  	v6 =	vbroadcast v5, $0xF;
	_ =	sdelay $0x1  }
0x1a1: {  	v5 =	vsub.s32 v6, v5;
	v6 =	vpsel !p0, $0x0, v4  }
0x1a2: {  	v6 =	vadd.s32 v6, v5  }
0x1a3: {  	v5 =	vadd.s32 s24, v6  }
0x1a4: {  	vm0 =	vgt.s32 v5, $0xCCB  }
0x1a5: {  	v5 =	vnsel vm0, $0x7FFFFFFF, v3  }
0x1a6: {  	s25 =	simm.s32 $0x8040;
	(xrf0) =	vmax.scan.msk.u32 $0xffff, v5  }
0x1a7: {  	v8 =	vld [tilespmem:s25+$0xFFFFFFF0]  }
0x1a8: {  	v9 =	vld [tilespmem:s25+$0x0]  }
0x1a9: {  	v10 =	vld [tilespmem:s25+$0x10]  }
0x1aa: {  	v11 =	vld [tilespmem:s25+$0x20]  }
0x1ab: {  	v12 =	vld [tilespmem:s25+$0x30]  }
0x1ac: {  	v13 =	vld [tilespmem:s25+$0xFFFFFFD0];
	v5, _, _ =	vpop (xrf0)  }
0x1ad: {  	s26 =	simm.s32 $0x80C0;
	v14 =	vld [tilespmem:s25+$0xFFFFFFC0];
	(v2sf) =	vpush v5, $0xF  }
0x1ae: {  	v57 =	vld [tilespmem:s26+$0xFFFFFFD0]  }
0x1af: {  	v15 =	vimm.s32 $0x0;
	vm6 =	vmmov vm15;
	vm7 =	vmmov vm15  }
0x1b0: {  	vm11 =	vmmov vm15;
	vm12 =	vmmov vm15;
	vm13 =	vmmov vm15  }
0x1b1: {  	vm14 =	vmmov vm15;
	v17 =	vshra.s32 v8, $0x1F;
	v18 =	vshra.s32 v9, $0x1F  }
0x1b2: {  	v19 =	vshra.s32 v10, $0x1F;
	v20 =	vshra.s32 v11, $0x1F;
	v21 =	vshra.s32 v12, $0x1F  }
0x1b3: {  	v22 =	vshra.s32 v14, $0x1F;
	v23 =	vshra.s32 v13, $0x1F;
	v40 =	vshra.s32 v57, $0x1F  }
0x1b4: {  	v17 =	vand.u32 $0x7FFFFFFF, v17;
	v18 =	vand.u32 $0x7FFFFFFF, v18;
	v24 =	vand.u32 $0x7FFFFFFF, v19  }
0x1b5: {  	v25 =	vand.u32 $0x7FFFFFFF, v23;
	v20 =	vand.u32 $0x7FFFFFFF, v20;
	v26 =	vand.u32 $0x7FFFFFFF, v21;
	v5 =	vld [tilespmem:s25+$0xFFFFFFE0]  }
0x1b6: {  	v21 =	vand.u32 $0x7FFFFFFF, v22;
	v40 =	vand.u32 $0x7FFFFFFF, v40;
	v22 =	vxor.u32 v8, v17  }
0x1b7: {  	v19 =	vxor.u32 v9, v18;
	v18 =	vxor.u32 v10, v24;
	v20 =	vxor.u32 v11, v20  }
0x1b8: {  	v24 =	vxor.u32 v14, v21;
	v21 =	vxor.u32 v13, v25;
	v9 =	vshra.s32 v22, $0x12  }
0x1b9: {  	v10 =	vshra.s32 v19, $0x12;
	v11 =	vshra.s32 v18, $0x12;
	v14 =	vshra.s32 v24, $0x12  }
0x1ba: {  	v14 =	vadd.s32 $0x2000, v14;
	v9 =	vadd.s32 $0x2000, v9;
	v16 =	vshra.s32 v5, $0x1F  }
0x1bb: {  	v10 =	vadd.s32 $0x2000, v10;
	v11 =	vadd.s32 $0x2000, v11;
	v16 =	vand.u32 $0x7FFFFFFF, v16  }
0x1bc: {  	v23 =	vxor.u32 v5, v16;
	v5 =	vxor.u32 v12, v26;
	v12 =	vshra.s32 v20, $0x12;
	s31 =	spop (v2sf)  }
0x1bd: {  	v16 =	vshra.s32 v21, $0x12;
	v8 =	vshra.s32 v23, $0x12;
	v13 =	vshra.s32 v5, $0x12;
	s23 =	sadd.s32 s23, s31  }
0x1be: {  	v12 =	vadd.s32 $0x2000, v12;
	v8 =	vadd.s32 $0x2000, v8;
	v7 =	vmov s23  }
0x1bf: {  	vm4 =	veq.s32 v14, v7;
	v14 =	vadd.s32 $0x2000, v16;
	vm2 =	veq.s32 v8, v7  }
0x1c0: {  	vm8 =	veq.s32 v9, v7;
	vm10 =	veq.s32 v10, v7;
	vm9 =	veq.s32 v11, v7  }
0x1c1: {  	vm5 =	veq.s32 v12, v7;
	v12 =	vadd.s32 $0x2000, v13;
	v16 =	vmpcnt.ones.xlane vm4  }
0x1c2: {  	vm3 =	veq.s32 v14, v7;
	v8 =	vmpcnt.ones.xlane vm2;
	vm0 =	veq.s32 v12, v7  }
0x1c3: {  	v12 =	vsel vm4, $0x1, v2;
	v26 =	vsel vm2, $0x1, v2;
	v27 =	vsel vm8, $0x1, v2  }
0x1c4: {  	v28 =	vsel vm10, $0x1, v2;
	vm6 =	vmmov @p0 vm4;
	vm11 =	vmmov @p0 vm2  }
0x1c5: {  	vm12 =	vmmov @p0 vm8;
	vm13 =	vmmov @p0 vm10;
	vm14 =	vmmov @p0 vm9  }
0x1c6: {  	v14 =	vmpcnt.ones.xlane vm3;
	v17 =	vmpcnt.ones.xlane vm0;
	v25 =	vsel vm3, $0x1, v2  }
0x1c7: {  	vm7 =	vmmov @p0 vm3;
	vm1 =	vmmov vm0;
	v29 =	vsel vm6, $0xFFFFFFFF, v2  }
0x1c8: {  	vm6 =	vmmov vm15;
	v32 =	vsel vm12, $0xFFFFFFFF, v2;
	v34 =	vsel vm14, $0xFFFFFFFF, v2  }
0x1c9: {  	v36 =	vsel vm13, $0xFFFFFFFF, v2;
	vm13 =	vmmov vm15;
	v16 =	vadd.s32 v15, v16  }
0x1ca: {  	(xrf0) =	vadd.scan.msk.s32 $0xffff, v12;
	vm12 =	vmmov vm15;
	v9 =	vadd.s32 v16, v14;
	v14 =	vmpcnt.ones.xlane vm8  }
0x1cb: {  	(xrf0) =	vadd.scan.msk.s32 $0xffff, v25;
	v25 =	vsel vm5, $0x1, v2;
	v10 =	vadd.s32 v9, v8;
	v8 =	vmpcnt.ones.xlane vm10  }
0x1cc: {  	vm6 =	vmmov @p0 vm1;
	(xrf0) =	vadd.scan.msk.s32 $0xffff, v26;
	v11 =	vadd.s32 v10, v14;
	v14 =	vmpcnt.ones.xlane vm9  }
0x1cd: {  	v30 =	vsel vm7, $0xFFFFFFFF, v2;
	(xrf0) =	vadd.scan.msk.s32 $0xffff, v27;
	v13 =	vadd.s32 v11, v8;
	v8 =	vmpcnt.ones.xlane vm5  }
0x1ce: {  	v26 =	vsel vm0, $0x1, v2;
	vm0 =	vmmov vm15;
	(xrf0) =	vadd.scan.msk.s32 $0xffff, v28;
	v14 =	vadd.s32 v13, v14  }
0x1cf: {  	v55 =	vld [tilespmem:s26+$0x30];
	v16 =	vadd.s32 v30, v16;
	vm0 =	vmmov @p0 vm5;
	v12 =	vadd.s32 v14, v8  }
0x1d0: {  	v28 =	vld [tilespmem:s26+$0xFFFFFFF0];
	v37 =	vsel vm0, $0xFFFFFFFF, v2;
	v31, _, _ =	vpop (xrf0);
	v8 =	vadd.s32 v12, v17;
	v17 =	vsel vm9, $0x1, v2  }
0x1d1: {  	v10 =	vadd.s32 v32, v10;
	v34 =	vadd.s32 v34, v13;
	v13 =	vsel vm6, $0xFFFFFFFF, v2;
	v35, _, _ =	vpop (xrf0);
	(xrf0) =	vadd.scan.msk.s32 $0xffff, v17;
	v17 =	vld [tilespmem:s26+$0x0]  }
0x1d2: {  	v33 =	vld [tilespmem:s26+$0x10];
	v11 =	vadd.s32 v36, v11;
	v14 =	vadd.s32 v37, v14;
	v39, _, _ =	vpop (xrf0);
	v13 =	vadd.s32 v13, v12;
	(xrf0) =	vadd.scan.msk.s32 $0xffff, v25  }
0x1d3: {  	v38 =	vld [tilespmem:s26+$0x20];
	v12 =	vadd.s32 v29, v15;
	v30 =	vadd.s32 v35, v16;
	v56, _, _ =	vpop (xrf0);
	v25 =	vsel vm11, $0xFFFFFFFF, v2  }
0x1d4: {  	v29 =	vadd.s32 v31, v12;
	v15, _, _ =	vpop (xrf0);
	v32 =	vadd.s32 v56, v10;
	v9 =	vadd.s32 v25, v9;
	v25 =	vld [tilespmem:s26+$0xFFFFFFC0]  }
0x1d5: {  	v27 =	vld [tilespmem:s26+$0xFFFFFFE0];
	v10 =	vshra.s32 v28, $0x1F;
	vm11 =	vmmov vm15;
	v58 =	vadd.s32 v15, v11  }
0x1d6: {  	v15 =	vshra.s32 v55, $0x1F;
	v10 =	vand.u32 $0x7FFFFFFF, v10;
	v11 =	vshra.s32 v17, $0x1F  }
0x1d7: {  	v31 =	vadd.s32 v39, v9;
	v43 =	vand.u32 $0x7FFFFFFF, v15;
	v12, _, _ =	vpop (xrf0);
	v41 =	vand.u32 $0x7FFFFFFF, v11  }
0x1d8: {  	v11 =	vxor.u32 v28, v10;
	v9, _, _ =	vpop (xrf0);
	v34 =	vadd.s32 v12, v34;
	v12 =	vshra.s32 v33, $0x1F  }
0x1d9: {  	v16 =	vshra.s32 v25, $0x1F;
	v10 =	vxor.u32 v17, v41;
	v59 =	vadd.s32 v9, v14  }
0x1da: {  	v9 =	vshra.s32 v27, $0x1F;
	v14 =	vshra.s32 v38, $0x1F;
	v42 =	vand.u32 $0x7FFFFFFF, v12  }
0x1db: {  	v15 =	vand.u32 $0x7FFFFFFF, v16;
	v28 =	vshra.s32 v10, $0x12;
	v9 =	vand.u32 $0x7FFFFFFF, v9  }
0x1dc: {  	v14 =	vand.u32 $0x7FFFFFFF, v14;
	v17 =	vxor.u32 v25, v15;
	v15 =	vxor.u32 v57, v40  }
0x1dd: {  	v28 =	vadd.s32 $0x2000, v28;
	v12 =	vxor.u32 v27, v9;
	v9 =	vxor.u32 v33, v42  }
0x1de: {  	v16 =	vxor.u32 v38, v14;
	v14 =	vxor.u32 v55, v43;
	v27 =	vshra.s32 v11, $0x12  }
0x1df: {  	[tilespmem:v30+s17+$0x0] =	vst.idx.msk vm3, v21;
	v61 =	vshra.s32 v17, $0x12;
	v40 =	vshra.s32 v15, $0x12;
	vm3 =	veq.s32 v28, v7  }
0x1e0: {  	v25 =	vshra.s32 v12, $0x12;
	v33 =	vshra.s32 v9, $0x12;
	v60 =	vshra.s32 v16, $0x12  }
0x1e1: {  	(xrf0) =	vadd.scan.msk.s32 $0xffff, v26;
	v37 =	vshra.s32 v14, $0x12;
	v38 =	vadd.s32 $0x2000, v61;
	v27 =	vadd.s32 $0x2000, v27  }
0x1e2: {  	[tilespmem:v29+s17+$0x0] =	vst.idx.msk vm4, v24;
	v62 =	vadd.s32 $0x2000, v40;
	v30 =	vsel vm3, $0x1, v2;
	v25 =	vadd.s32 $0x2000, v25  }
0x1e3: {  	[tilespmem:v32+s17+$0x0] =	vst.idx.msk vm8, v22;
	vm7 =	veq.s32 v38, v7;
	v33 =	vadd.s32 $0x2000, v33;
	vm6 =	veq.s32 v62, v7  }
0x1e4: {  	[tilespmem:v31+s17+$0x0] =	vst.idx.msk vm2, v23;
	v36 =	vadd.s32 $0x2000, v60;
	v26 =	vmpcnt.ones.xlane vm7;
	v24 =	vmpcnt.ones.xlane vm6  }
0x1e5: {  	vm4 =	veq.s32 v25, v7;
	v25 =	vadd.s32 $0x2000, v37;
	[tilespmem:v59+s17+$0x0] =	vst.idx.msk vm5, v20;
	vm5 =	veq.s32 v27, v7  }
0x1e6: {  	[tilespmem:v34+s17+$0x0] =	vst.idx.msk vm9, v18;
	vm2 =	veq.s32 v33, v7;
	vm8 =	veq.s32 v36, v7;
	v18 =	vsel vm7, $0x1, v2  }
0x1e7: {  	v28 =	vsel vm6, $0x1, v2;
	v20 =	vadd.s32 v8, v26;
	v26 =	vmpcnt.ones.xlane vm4  }
0x1e8: {  	vm13 =	vmmov @p0 vm7;
	v21 =	vadd.s32 v20, v24;
	v24 =	vmpcnt.ones.xlane vm5  }
0x1e9: {  	vm11 =	vmmov @p0 vm6;
	v23 =	vadd.s32 v21, v26;
	v26 =	vmpcnt.ones.xlane vm3  }
0x1ea: {  	[tilespmem:v58+s17+$0x0] =	vst.idx.msk vm10, v19;
	v27 =	vmpcnt.ones.xlane vm2;
	v19 =	vmpcnt.ones.xlane vm8;
	v22 =	vadd.s32 v23, v24  }
0x1eb: {  	vm10 =	veq.s32 v25, v7;
	v31 =	vsel vm4, $0x1, v2;
	(xrf0) =	vadd.scan.msk.s32 $0xffff, v18;
	v24 =	vadd.s32 v22, v26  }
0x1ec: {  	v63 =	vsel vm5, $0x1, v2;
	(xrf0) =	vadd.scan.msk.s32 $0xffff, v28;
	v26 =	vadd.s32 v24, v27;
	v27 =	vmpcnt.ones.xlane vm10  }
0x1ed: {  	v29 =	vsel vm2, $0x1, v2;
	vm12 =	vmmov @p0 vm4;
	(xrf0) =	vadd.scan.msk.s32 $0xffff, v31;
	v25 =	vadd.s32 v26, v19  }
0x1ee: {  	s28 =	simm.s32 $0x8140;
	s25 =	sxor.u32 $0x80000000, s31;
	s26 =	simm.s32 $0x8;
	v28 =	vsel vm8, $0x1, v2;
	v18, _, _ =	vpop (xrf0);
	(xrf0) =	vadd.scan.msk.s32 $0xffff, v63;
	v19 =	vadd.s32 v25, v27;
	v27 =	vsel vm10, $0x1, v2  }
.LBB2_25:
0x1ef: {  	vm0 =	vmmov vm15;
	vm14 =	vmmov vm15  }
0x1f0: {  	vm15 =	vmxor vm15, vm15;
	vm9 =	vmmov vm1;
	vm1 =	vmmov vm10  }
0x1f1: {  	v32 =	vsel vm13, $0xFFFFFFFF, v2;
	vm10 =	vmxor vm10, vm10;
	vm13 =	vmxor vm13, vm13  }
0x1f2: {  	v33 =	vsel vm11, $0xFFFFFFFF, v2;
	v34 =	vsel vm12, $0xFFFFFFFF, v2;
	vm0 =	vmmov @p0 vm5  }
0x1f3: {  	v31 =	vld [tilespmem:s28+$0xFFFFFFE0];
	(xrf0) =	vadd.scan.msk.s32 $0xffff, v30;
	vm14 =	vmmov @p0 vm3;
	vm15 =	vmmov @p0 vm2;
	vm10 =	vmmov @p0 vm8  }
0x1f4: {  	vm13 =	vmmov @p0 vm1;
	v20 =	vadd.s32 v33, v20;
	v21 =	vadd.s32 v34, v21;
	v30 =	vld [tilespmem:s28+$0xFFFFFFF0];
	(xrf0) =	vadd.scan.msk.s32 $0xffff, v29  }
0x1f5: {  	v35 =	vsel vm0, $0xFFFFFFFF, v2;
	v37 =	vsel vm14, $0xFFFFFFFF, v2;
	v38 =	vsel vm15, $0xFFFFFFFF, v2;
	v29 =	vld [tilespmem:s28+$0x0];
	v36, _, _ =	vpop (xrf0);
	(xrf0) =	vadd.scan.msk.s32 $0xffff, v28  }
0x1f6: {  	vm15 =	vmxor vm15, vm15;
	v41 =	vsel vm10, $0xFFFFFFFF, v2;
	v24 =	vadd.s32 v38, v24;
	v28 =	vld [tilespmem:s28+$0x10];
	v40, _, _ =	vpop (xrf0);
	(xrf0) =	vadd.scan.msk.s32 $0xffff, v27  }
0x1f7: {  	v26 =	vadd.s32 v41, v26;
	v38 =	vsel vm13, $0xFFFFFFFF, v2;
	v23 =	vadd.s32 v35, v23;
	v27 =	vld [tilespmem:s28+$0x20];
	v39, _, _ =	vpop (xrf0)  }
0x1f8: {  	v22 =	vadd.s32 v37, v22;
	vm13 =	vmmov vm15;
	v25 =	vadd.s32 v38, v25;
	v41 =	vld [tilespmem:s28+$0x30];
	v35, _, _ =	vpop (xrf0)  }
0x1f9: {  	s26 =	sadd.s32 $0x8, s26;
	vm11 =	vmmov vm15;
	vm12 =	vmmov vm15;
	v38 =	vadd.s32 v32, v8;
	v37 =	vld [tilespmem:s28+$0xFFFFFFD0];
	v32, _, _ =	vpop (xrf0)  }
0x1fa: {  	p1 =	slt.u32 s26, $0x7F8;
	v34 =	vadd.s32 v36, v38;
	v20 =	vadd.s32 v40, v20;
	v36 =	vadd.s32 v18, v13;
	v33 =	vld [tilespmem:s28+$0xFFFFFFC0];
	v8, _, _ =	vpop (xrf0)  }
0x1fb: {  	v21 =	vadd.s32 v39, v21;
	v23 =	vadd.s32 v35, v23;
	v22 =	vadd.s32 v32, v22;
	v13, _, _ =	vpop (xrf0)  }
0x1fc: {  	v24 =	vadd.s32 v8, v24;
	v26 =	vadd.s32 v13, v26;
	v18, _, _ =	vpop (xrf0);
	v13 =	vmov v25  }
0x1fd: {  	v32 =	vshra.s32 v30, $0x1F;
	v35 =	vshra.s32 v29, $0x1F;
	v8 =	vmovc v19;
	v25 =	vshra.s32 v31, $0x1F  }
0x1fe: {  	v38 =	vshra.s32 v28, $0x1F;
	v39 =	vshra.s32 v27, $0x1F;
	v40 =	vshra.s32 v41, $0x1F  }
0x1ff: {  	v25 =	vand.u32 $0x7FFFFFFF, v25;
	v43 =	vshra.s32 v37, $0x1F;
	v42 =	vshra.s32 v33, $0x1F;
	[tilespmem:v36+s17+$0x0] =	vst.idx.msk vm9, v5;
	v5 =	vmovc v14  }
0x200: {  	v14 =	vand.u32 $0x7FFFFFFF, v32;
	v32 =	vand.u32 $0x7FFFFFFF, v35;
	v35 =	vand.u32 $0x7FFFFFFF, v38;
	[tilespmem:v34+s17+$0x0] =	vst.idx.msk vm7, v17  }
0x201: {  	v36 =	vand.u32 $0x7FFFFFFF, v40;
	v34 =	vand.u32 $0x7FFFFFFF, v43;
	v17 =	vand.u32 $0x7FFFFFFF, v39;
	[tilespmem:v26+s17+$0x0] =	vst.idx.msk vm8, v16  }
0x202: {  	v25 =	vxor.u32 v31, v25;
	v30 =	vxor.u32 v30, v14;
	v26 =	vand.u32 $0x7FFFFFFF, v42;
	[tilespmem:v20+s17+$0x0] =	vst.idx.msk vm6, v15  }
0x203: {  	v28 =	vxor.u32 v28, v35;
	v16 =	vxor.u32 v27, v17;
	v20 =	vxor.u32 v29, v32  }
0x204: {  	v14 =	vxor.u32 v41, v36;
	v17 =	vxor.u32 v33, v26;
	v15 =	vxor.u32 v37, v34  }
0x205: {  	v27 =	vshra.s32 v30, $0x12;
	v26 =	vshra.s32 v25, $0x12;
	v29 =	vshra.s32 v20, $0x12;
	[tilespmem:v21+s17+$0x0] =	vst.idx.msk vm4, v12;
	v12 =	vmovc v25  }
0x206: {  	v31 =	vshra.s32 v14, $0x12;
	v21 =	vshra.s32 v28, $0x12;
	v25 =	vshra.s32 v16, $0x12;
	[tilespmem:v23+s17+$0x0] =	vst.idx.msk vm5, v11;
	v11 =	vmovc v30  }
0x207: {  	v26 =	vadd.s32 $0x2000, v26;
	v23 =	vshra.s32 v17, $0x12;
	v30 =	vshra.s32 v15, $0x12;
	[tilespmem:v22+s17+$0x0] =	vst.idx.msk vm3, v10;
	v10 =	vmovc v20  }
0x208: {  	v20 =	vadd.s32 $0x2000, v23;
	v22 =	vadd.s32 $0x2000, v27;
	v23 =	vadd.s32 $0x2000, v29;
	[tilespmem:v24+s17+$0x0] =	vst.idx.msk vm2, v9;
	v9 =	vmovc v28  }
0x209: {  	vm7 =	veq.s32 v20, v7;
	v20 =	vadd.s32 $0x2000, v30;
	v24 =	vadd.s32 $0x2000, v21  }
0x20a: {  	v25 =	vadd.s32 $0x2000, v25;
	v21 =	vmpcnt.ones.xlane vm7;
	vm6 =	veq.s32 v20, v7  }
0x20b: {  	vm4 =	veq.s32 v26, v7;
	v26 =	vadd.s32 $0x2000, v31;
	v27 =	vmpcnt.ones.xlane vm6  }
0x20c: {  	vm5 =	veq.s32 v22, v7;
	v20 =	vadd.s32 v19, v21;
	v19 =	vmpcnt.ones.xlane vm4  }
0x20d: {  	vm3 =	veq.s32 v23, v7;
	v22 =	vmpcnt.ones.xlane vm5;
	v21 =	vadd.s32 v20, v27  }
0x20e: {  	vm2 =	veq.s32 v24, v7;
	v23 =	vadd.s32 v21, v19;
	v19 =	vmpcnt.ones.xlane vm3  }
0x20f: {  	vm8 =	veq.s32 v25, v7;
	v27 =	vmpcnt.ones.xlane vm2;
	v22 =	vadd.s32 v23, v22  }
0x210: {  	vm10 =	veq.s32 v26, v7;
	v24 =	vadd.s32 v22, v19;
	v19 =	vmpcnt.ones.xlane vm8  }
.Ltmp14:
0x211: {  	v28 =	vsel vm7, $0x1, v2;
	v26 =	vadd.s32 v24, v27;
	v27 =	vmpcnt.ones.xlane vm10;
	(pc) =	sbr.rel @p1 .LBB2_25-.Ltmp14, $4  }
0x212: {  	v31 =	vsel vm4, $0x1, v2;
	v29 =	vsel vm6, $0x1, v2;
	v25 =	vadd.s32 v26, v19;
	(xrf0) =	vadd.scan.msk.s32 $0xffff, v28  }
0x213: {  	v32 =	vsel vm5, $0x1, v2;
	v30 =	vsel vm3, $0x1, v2;
	v19 =	vadd.s32 v25, v27;
	(xrf0) =	vadd.scan.msk.s32 $0xffff, v29  }
0x214: {  	v28 =	vsel vm8, $0x1, v2;
	v27 =	vsel vm10, $0x1, v2;
	v29 =	vsel vm2, $0x1, v2;
	(xrf0) =	vadd.scan.msk.s32 $0xffff, v31  }
0x215: {  	s28 =	sadd.s32 $0x80, s28;
	vm12 =	vmmov @p0 vm4;
	vm13 =	vmmov @p0 vm7;
	vm11 =	vmmov @p0 vm6;
	(xrf0) =	vadd.scan.msk.s32 $0xffff, v32  }
0x216: {  	s24 =	ssub.s32 $0xCCC, s24  }
0x217: {  	v4 =	vadd.s32 s24, v4  }
0x218: {  	(xrf0) =	vadd.scan.msk.s32 $0xffff, v30;
	v4 =	vsub.s32 v4, v6;
	v6 =	vmov s25  }
0x219: {  	(xrf0) =	vadd.scan.msk.s32 $0xffff, v29  }
0x21a: {  	v7, _, _ =	vpop (xrf0);
	(xrf0) =	vadd.scan.msk.s32 $0xffff, v28;
	vm0 =	veq.s32 v6, v1;
	v4 =	vxor.u32 $0x80000000, v4  }
0x21b: {  	v4 =	vnsel vm0, $0x0, v4;
	v6, _, _ =	vpop (xrf0);
	(xrf0) =	vadd.scan.msk.s32 $0xffff, v27  }
0x21c: {  	v51, _, _ =	vpop (xrf0);
	(xrf0) =	vmax.scan.msk.u32 $0xffff, v4;
	v4 =	vxor.u32 $0x80000000, v19;
	_ =	sdelay $0x1  }
0x21d: {  	v52, _, _ =	vpop (xrf0);
	(xrf0) =	vmax.scan.msk.u32 $0xffff, v4  }
0x21e: {  	v4, _, _ =	vpop (xrf0)  }
0x21f: {  	v53, _, _ =	vpop (xrf0)  }
0x220: {  	v54, _, _ =	vpop (xrf0)  }
0x221: {  	v55, _, _ =	vpop (xrf0)  }
0x222: {  	v31, _, _ =	vpop (xrf0)  }
0x223: {  	(v2sf) =	vpush v31, $0xF;
	v56, _, _ =	vpop (xrf0)  }
0x224: {  	(v2sf) =	vpush v56, $0xF;
	_ =	sdelay $0x4  }
0x225: {  	v57 =	vsel vm13, $0xFFFFFFFF, v2  }
0x226: {  	v32 =	vsel vm11, $0xFFFFFFFF, v2;
	vm9 =	vmmov vm15;
	v33 =	vsel vm12, $0xFFFFFFFF, v2  }
0x227: {  	vm1 =	vmmov vm1;
	v13 =	vadd.s32 v18, v13;
	vm9 =	vmmov @p0 vm8  }
0x228: {  	v8 =	vadd.s32 v57, v8;
	v59 =	vadd.s32 v32, v20;
	vm0 =	vmmov vm15  }
0x229: {  	v21 =	vadd.s32 v33, v21;
	v35 =	vsel vm9, $0xFFFFFFFF, v2;
	vm0 =	vmmov @p0 vm5  }
0x22a: {  	vm9 =	vmmov vm10;
	v34 =	vsel vm0, $0xFFFFFFFF, v2;
	vm0 =	vmmov vm15  }
0x22b: {  	v7 =	vadd.s32 v7, v8;
	v6 =	vadd.s32 v6, v59;
	vm0 =	vmmov @p0 vm3  }
0x22c: {  	v23 =	vadd.s32 v34, v23;
	v58 =	vsel vm0, $0xFFFFFFFF, v2;
	vm0 =	vmmov vm15  }
0x22d: {  	v21 =	vadd.s32 v51, v21;
	v62 =	vadd.s32 v52, v23;
	vm0 =	vmmov @p0 vm2  }
0x22e: {  	[tilespmem:v13+s17+$0x0] =	vst.idx.msk vm1, v5;
	v5 =	vadd.s32 v58, v22;
	v61 =	vsel vm0, $0xFFFFFFFF, v2;
	vm0 =	vmmov vm15;
	s30 =	spop (v2sf)  }
0x22f: {  	v26 =	vadd.s32 v35, v26;
	v4 =	vadd.s32 v4, v5;
	vm0 =	vmmov @p0 vm9;
	s31 =	spop (v2sf)  }
0x230: {  	[tilespmem:v7+s17+$0x0] =	vst.idx.msk vm7, v17;
	v7 =	vadd.s32 v61, v24;
	v60 =	vadd.s32 v54, v26;
	v63 =	vsel vm0, $0xFFFFFFFF, v2;
	s26 =	sadd.s32 $0x8000000F, s31  }
0x231: {  	[tilespmem:v6+s17+$0x0] =	vst.idx.msk vm6, v15;
	v7 =	vadd.s32 v53, v7;
	v5 =	vadd.s32 v63, v25;
	s28 =	sand.u32 $0xF, s26  }
0x232: {  	[tilespmem:v21+s17+$0x0] =	vst.idx.msk vm4, v12;
	v5 =	vadd.s32 v55, v5;
	p2 =	slt.s32 s26, $0x1;
	p1 =	sne.s32 s28, $0x0;
	s28 =	sshra.s32 s26, $0x1F  }
.Ltmp15:
0x233: {  	[tilespmem:v62+s17+$0x0] =	vst.idx.msk vm5, v11;
	s28 =	sshrl.u32 s28, $0x1C;
	p1 =	por !p2, !p1;
	(pc) =	sbr.rel .LBB2_27-.Ltmp15, $4  }
0x234: {  	[tilespmem:v4+s17+$0x0] =	vst.idx.msk vm3, v10;
	s26 =	sadd.s32 s28, s26;
	p1 =	por !p1, !p1;
	s28 =	simm.s32 $0x1  }
0x235: {  	s23 =	sshll.u32 s23, $0x12;
	[tilespmem:v60+s17+$0x0] =	vst.idx.msk vm8, v16;
	s26 =	sshra.s32 s26, $0x4;
	s28 =	simm.s32 @!p1 $0x0  }
0x236: {  	s23 =	sxor.u32 $0x80000000, s23;
	[tilespmem:v7+s17+$0x0] =	vst.idx.msk vm2, v9;
	s25 =	sxor.u32 $0x80000000, s31;
	s26 =	ssub.s32 s26, s28  }
0x237: {  	vm11 =	vmmov vm9;
	[tilespmem:v5+s17+$0x0] =	vst.idx.msk vm9, v14;
	s24 =	sxor.u32 $0x80000000, s30;
	v4 =	vmov s25;
	s28 =	simm.s32 $0x0;
	p1 =	slt.s32 s26, $0x1  }
.LBB2_28:
0x238: {  	v5 =	vimm.s32 $0x0  }
.LBB2_32:
0x239: {  	(xrf0) =	vadd.scan.msk.s32 $0xffff, v5;
	_ =	sdelay $0x5  }
0x23a: {  	v5, _, _ =	vpop (xrf0)  }
0x23b: {  	(v2sf) =	vpush v5, $0xF;
	_ =	sdelay $0xe  }
0x23c: {  	s29 =	spop (v2sf)  }
0x23d: {  	s28 =	sadd.s32 $0x1, s28;
	p2 =	slt.s32 s29, s24  }
0x23e: {  	s25 =	smov.u32 @p2 s23;
	p2 =	sne.s32 s28, $0x12  }
.Ltmp16:
0x23f: {  	_ = 	snop;
	(pc) =	sbr.rel @!p2 .LBB2_33-.Ltmp16, $2  }
0x240: {  	_ =	sdelay $0x2  }
0x241: {  	s23 =	smov.u32 s25  }
.LBB2_27:
.Ltmp17:
0x242: {  	(pc) =	sbr.rel @p1 .LBB2_28-.Ltmp17, $3  }
0x243: {  	_ =	sdelay $0x1  }
0x244: {  	s25 =	sshrl.u32 s18, s28  }
0x245: {  	s25 =	sor.u32 s25, s23  }
0x246: {  	s29 =	simm.s32 $0x14000  }
0x247: {  	p2 =	sne.s32 s26, $0x1;
	v7 =	vld [tilespmem:s29+$0x0]  }
.Ltmp18:
0x248: {  	_ = 	snop;
	(pc) =	sbr.rel @!p2 .LBB2_31-.Ltmp18, $4  }
0x249: {  	_ = 	snop  }
0x24a: {  	s29 =	simm.s32 $0x0  }
0x24b: {  	v6 =	vmov s25;
	v8 =	vor.u32 s29, v1  }
0x24c: {  	v5 =	vimm.s32 $0x0;
	s30 =	sadd.s32 $0xFFFFFFFF, s26;
	s31 =	simm.s32 $0x14010;
	vm1 =	vlt.s32 v8, v4;
	vm2 =	vge.s32 v7, v6  }
.LBB2_30:
0x24d: {  	v7 =	vld [tilespmem:s31+$0x0];
	p2 =	sne.s32 s30, $0x1;
	s30 =	sadd.s32 $0xFFFFFFFF, s30;
	vm0 =	vmand vm1, vm2  }
.Ltmp19:
0x24e: {  	v8 =	vsel vm0, $0x1, v2;
	(pc) =	sbr.rel @p2 .LBB2_30-.Ltmp19, $4  }
0x24f: {  	v5 =	vadd.s32 v8, v5  }
0x250: {  	s29 =	sadd.s32 $0x10, s29  }
0x251: {  	v8 =	vor.u32 s29, v1  }
0x252: {  	s31 =	sadd.s32 $0x10, s31;
	vm1 =	vlt.s32 v8, v4;
	vm2 =	vge.s32 v7, v6  }
.LBB2_31:
.Ltmp20:
0x253: {  	(pc) =	sbr.rel .LBB2_32-.Ltmp20, $4  }
0x254: {  	_ = 	snop  }
0x255: {  	vm0 =	vmand vm1, vm2  }
0x256: {  	v6 =	vsel vm0, $0x1, v2  }
0x257: {  	v5 =	vadd.s32 v6, v5  }
.LBB2_33:
0x258: {  	s23 =	simm.s32 $0x8040  }
0x259: {  	v8 =	vld [tilespmem:s23+$0x30]  }
0x25a: {  	v4 =	vmov s25;
	v11 =	vld [tilespmem:s23+$0xFFFFFFD0]  }
0x25b: {  	v4 =	vshra.s32 v4, $0x1F;
	v10 =	vld [tilespmem:s23+$0xFFFFFFE0]  }
0x25c: {  	v9 =	vld [tilespmem:s23+$0xFFFFFFF0];
	v4 =	vand.u32 $0x7FFFFFFF, v4  }
0x25d: {  	v7 =	vld [tilespmem:s23+$0x0];
	v4 =	vxor.u32 s25, v4  }
0x25e: {  	v6 =	vld [tilespmem:s23+$0x10];
	vm0 =	vge.f32 v8, v4  }
0x25f: {  	v5 =	vld [tilespmem:s23+$0x20];
	vm1 =	vge.f32 v11, v4;
	v12 =	vnsel vm0, $0x0, v8  }
0x260: {  	s24 =	simm.s32 $0x0;
	s25 =	simm.s32 $0x80C0;
	v8 =	vld [tilespmem:s23+$0xFFFFFFC0];
	v11 =	vnsel vm1, $0x0, v11;
	vm1 =	vge.f32 v10, v4;
	[tilespmem:s23+$0x30] =	vst v12  }
.LBB2_34:
0x261: {  	v12 =	vld [tilespmem:s25+$0x30];
	s24 =	sadd.s32 $0x8, s24;
	[tilespmem:s23+$0xFFFFFFD0] =	vst v11;
	v10 =	vnsel vm1, $0x0, v10;
	vm0 =	vge.f32 v9, v4  }
0x262: {  	v11 =	vld [tilespmem:s25+$0xFFFFFFD0];
	p1 =	slt.u32 s24, $0x7F8;
	[tilespmem:s23+$0xFFFFFFE0] =	vst v10;
	v9 =	vnsel vm0, $0x0, v9;
	vm0 =	vge.f32 v7, v4  }
0x263: {  	v10 =	vld [tilespmem:s25+$0xFFFFFFE0];
	[tilespmem:s23+$0xFFFFFFF0] =	vst v9;
	v7 =	vnsel vm0, $0x0, v7;
	vm0 =	vge.f32 v6, v4  }
.Ltmp21:
0x264: {  	v9 =	vld [tilespmem:s25+$0xFFFFFFF0];
	[tilespmem:s23+$0x0] =	vst v7;
	v6 =	vnsel vm0, $0x0, v6;
	vm0 =	vge.f32 v5, v4;
	(pc) =	sbr.rel @p1 .LBB2_34-.Ltmp21, $4  }
0x265: {  	v7 =	vld [tilespmem:s25+$0x0];
	vm1 =	vge.f32 v8, v4;
	[tilespmem:s23+$0x10] =	vst v6;
	v5 =	vnsel vm0, $0x0, v5  }
0x266: {  	v6 =	vld [tilespmem:s25+$0x10];
	vm0 =	vge.f32 v12, v4;
	v8 =	vnsel vm1, $0x0, v8;
	[tilespmem:s23+$0x20] =	vst v5  }
0x267: {  	vm1 =	vge.f32 v11, v4;
	v5 =	vld [tilespmem:s25+$0x20];
	v12 =	vnsel vm0, $0x0, v12;
	[tilespmem:s23+$0xFFFFFFC0] =	vst v8;
	s23 =	smov.u32 s25  }
0x268: {  	s25 =	sadd.s32 $0x80, s25;
	v8 =	vld [tilespmem:s23+$0xFFFFFFC0];
	v11 =	vnsel vm1, $0x0, v11;
	vm1 =	vge.f32 v10, v4;
	[tilespmem:s23+$0x30] =	vst v12  }
0x269: {  	[tilespmem:s23+$0xFFFFFFD0] =	vst v11;
	v10 =	vnsel vm1, $0x0, v10;
	vm0 =	vge.f32 v9, v4  }
0x26a: {  	[tilespmem:s23+$0xFFFFFFE0] =	vst v10;
	v9 =	vnsel vm0, $0x0, v9;
	vm8 =	vge.f32 v7, v4  }
0x26b: {  	[tilespmem:s23+$0xFFFFFFF0] =	vst v9;
	v7 =	vnsel vm8, $0x0, v7;
	vm9 =	vge.f32 v6, v4  }
0x26c: {  	[tilespmem:s23+$0x0] =	vst v7;
	v6 =	vnsel vm9, $0x0, v6;
	vm10 =	vge.f32 v5, v4  }
0x26d: {  	vm11 =	vge.f32 v8, v4;
	[tilespmem:s23+$0x10] =	vst v6;
	v4 =	vnsel vm10, $0x0, v5  }
0x26e: {  	v5 =	vnsel vm11, $0x0, v8;
	[tilespmem:s23+$0x20] =	vst v4  }
0x26f: {  	[tilespmem:s23+$0xFFFFFFC0] =	vst v5  }
0x270: {  	[hbm4b:s7+s12] =	stream.strided.scatter [tilespmem:s14], [sflag:$0x4], $0x8000, s13, s12, $0x38;
	[tilespmem:$0x1C080] =	vst v63  }
0x271: {  	_ =	swait.ge [sflag:s21], $0x8000  }
0x272: {  	[sflag:s21] =	ssyncset.done $0x0  }
0x273: {  	[sflag:s21] =	ssyncadd.s32 $0xFFFF8000  }
0x274: {  	[tilespmem:s14], [sflag:$0x2] =	stream.strided.gather [hbm4b:s8+s12], $0x8000, s13, s12, $0x38;
	[tilespmem:$0x1C080] =	vst v63  }
0x275: {  	_ =	swait.ge [sflag:s15], $0x8000  }
0x276: {  	[sflag:s15] =	ssyncset.done $0x0  }
0x277: {  	s23 =	simm.s32 $0x10040;
	[sflag:s15] =	ssyncadd.s32 $0xFFFF8000  }
0x278: {  	[tilespmem:s23+$0xFFFFFFC0] =	vst v2  }
0x279: {  	[tilespmem:s23+$0x30] =	vst v2  }
0x27a: {  	[tilespmem:s23+$0x20] =	vst v2  }
0x27b: {  	[tilespmem:s23+$0x10] =	vst v2  }
0x27c: {  	[tilespmem:s23+$0x0] =	vst v2  }
0x27d: {  	[tilespmem:s23+$0xFFFFFFF0] =	vst v2  }
0x27e: {  	s24 =	simm.s32 $0x0;
	[tilespmem:s23+$0xFFFFFFE0] =	vst v2  }
.LBB2_36:
0x27f: {  	s24 =	sadd.s32 $0x8, s24;
	[tilespmem:s23+$0xFFFFFFD0] =	vst v2;
	s23 =	sadd.s32 $0x80, s23  }
0x280: {  	[tilespmem:s23+$0xFFFFFFC0] =	vst v2;
	p1 =	slt.u32 s24, $0x3F8  }
0x281: {  	[tilespmem:s23+$0x30] =	vst v2  }
.Ltmp22:
0x282: {  	[tilespmem:s23+$0x20] =	vst v2;
	(pc) =	sbr.rel @p1 .LBB2_36-.Ltmp22, $4  }
0x283: {  	[tilespmem:s23+$0x10] =	vst v2  }
0x284: {  	[tilespmem:s23+$0x0] =	vst v2  }
0x285: {  	[tilespmem:s23+$0xFFFFFFF0] =	vst v2  }
0x286: {  	[tilespmem:s23+$0xFFFFFFE0] =	vst v2  }
0x287: {  	[tilespmem:s23+$0xFFFFFFD0] =	vst v2;
	s24 =	simm.s32 $0x40  }
0x288: {  	v4 =	vld [tilespmem:s24+$0xFFFFFFC0];
	_ =	sdelay $0x1  }
0x289: {  	v5 =	vld [tilespmem:s24+$0xFFFFFFD0];
	_ =	sdelay $0x1  }
0x28a: {  	v6 =	vld [tilespmem:s24+$0xFFFFFFE0]  }
0x28b: {  	v7 =	vshra.s32 v4, $0x1F  }
0x28c: {  	v8 =	vld [tilespmem:s24+$0xFFFFFFF0];
	v7 =	vand.u32 $0x7FFFFFFF, v7  }
0x28d: {  	v9 =	vimm.s32 $0x80000000;
	v10 =	vshra.s32 v5, $0x1F;
	v7 =	vxor.u32 v4, v7  }
0x28e: {  	v11 =	vld [tilespmem:s24+$0x0];
	v10 =	vand.u32 $0x7FFFFFFF, v10;
	v4 =	vshra.s32 v7, $0x12;
	vm0 =	vgt.s32 v9, v7  }
0x28f: {  	v7 =	vsel vm0, v9, v7;
	v9 =	vxor.u32 v5, v10;
	v10 =	vshra.s32 v6, $0x1F  }
0x290: {  	v5 =	vshra.s32 v9, $0x12;
	vm0 =	vgt.s32 v7, v9;
	v10 =	vand.u32 $0x7FFFFFFF, v10  }
0x291: {  	v13 =	vld [tilespmem:s24+$0x10];
	v7 =	vsel vm0, v7, v9;
	v9 =	vxor.u32 v6, v10;
	v10 =	vshra.s32 v8, $0x1F  }
0x292: {  	v6 =	vshra.s32 v9, $0x12;
	vm0 =	vgt.s32 v7, v9;
	v12 =	vand.u32 $0x7FFFFFFF, v10  }
0x293: {  	v9 =	vsel vm0, v7, v9;
	v8 =	vxor.u32 v8, v12;
	v12 =	vshra.s32 v11, $0x1F  }
0x294: {  	vm0 =	vgt.s32 v9, v8;
	v12 =	vand.u32 $0x7FFFFFFF, v12  }
0x295: {  	v10 =	vld [tilespmem:s24+$0x20];
	v9 =	vsel vm0, v9, v8;
	v11 =	vxor.u32 v11, v12  }
0x296: {  	v7 =	vshra.s32 v8, $0x12;
	v12 =	vshra.s32 v13, $0x1F;
	vm0 =	vgt.s32 v9, v11  }
0x297: {  	v8 =	vshra.s32 v11, $0x12;
	v14 =	vand.u32 $0x7FFFFFFF, v12;
	v12 =	vsel vm0, v9, v11;
	v11 =	vld [tilespmem:s24+$0x30];
	_ =	sdelay $0x2  }
0x298: {  	v13 =	vxor.u32 v13, v14;
	v14 =	vshra.s32 v10, $0x1F  }
0x299: {  	s23 =	simm.s32 $0x0;
	s24 =	simm.s32 $0xC0;
	v9 =	vshra.s32 v13, $0x12;
	vm1 =	vgt.s32 v12, v13;
	v14 =	vand.u32 $0x7FFFFFFF, v14  }
.LBB2_38:
0x29a: {  	v15 =	vld [tilespmem:s24+$0xFFFFFFC0];
	s23 =	sadd.s32 $0x8, s23;
	v12 =	vsel vm1, v12, v13;
	v10 =	vxor.u32 v10, v14;
	v13 =	vshra.s32 v11, $0x1F  }
0x29b: {  	p1 =	slt.u32 s23, $0x7F8;
	v14 =	vshra.s32 v10, $0x12;
	vm0 =	vgt.s32 v12, v10;
	v13 =	vand.u32 $0x7FFFFFFF, v13  }
0x29c: {  	v4 =	vadd.s32 $0x2000, v4;
	v16 =	vld [tilespmem:s24+$0xFFFFFFD0];
	v10 =	vsel vm0, v12, v10;
	v11 =	vxor.u32 v11, v13  }
0x29d: {  	v5 =	vadd.s32 $0x2000, v5;
	v12 =	vshra.s32 v11, $0x12;
	vm0 =	vgt.s32 v10, v11  }
0x29e: {  	v6 =	vadd.s32 $0x2000, v6;
	v7 =	vadd.s32 $0x2000, v7;
	v13 =	vld [tilespmem:s24+$0xFFFFFFE0];
	v10 =	vsel vm0, v10, v11  }
0x29f: {  	v8 =	vadd.s32 $0x2000, v8;
	v9 =	vadd.s32 $0x2000, v9;
	v11 =	vshra.s32 v15, $0x1F  }
0x2a0: {  	v14 =	vadd.s32 $0x2000, v14;
	v18 =	vadd.s32 $0x2000, v12;
	v11 =	vand.u32 $0x7FFFFFFF, v11;
	v17 =	vld [tilespmem:s24+$0xFFFFFFF0]  }
0x2a1: {  	v11 =	vxor.u32 v15, v11;
	v12 =	vshra.s32 v16, $0x1F;
	[tilespmem:v4+s16+$0x0] =	vst.idx.add.s32.msk $0xffff, v0  }
0x2a2: {  	v4 =	vshra.s32 v11, $0x12;
	vm0 =	vgt.s32 v10, v11;
	v12 =	vand.u32 $0x7FFFFFFF, v12;
	v15 =	vld [tilespmem:s24+$0x0]  }
0x2a3: {  	v10 =	vsel vm0, v10, v11;
	v11 =	vxor.u32 v16, v12;
	v12 =	vshra.s32 v13, $0x1F;
	[tilespmem:v5+s16+$0x0] =	vst.idx.add.s32.msk $0xffff, v0  }
0x2a4: {  	v5 =	vshra.s32 v11, $0x12;
	vm0 =	vgt.s32 v10, v11;
	v12 =	vand.u32 $0x7FFFFFFF, v12;
	v16 =	vld [tilespmem:s24+$0x10]  }
0x2a5: {  	v11 =	vsel vm0, v10, v11;
	v12 =	vxor.u32 v13, v12;
	v10 =	vshra.s32 v17, $0x1F;
	[tilespmem:v6+s16+$0x0] =	vst.idx.add.s32.msk $0xffff, v0  }
0x2a6: {  	v6 =	vshra.s32 v12, $0x12;
	vm0 =	vgt.s32 v11, v12;
	v13 =	vand.u32 $0x7FFFFFFF, v10;
	v10 =	vld [tilespmem:s24+$0x20]  }
0x2a7: {  	v12 =	vsel vm0, v11, v12;
	v13 =	vxor.u32 v17, v13;
	v11 =	vshra.s32 v15, $0x1F;
	[tilespmem:v7+s16+$0x0] =	vst.idx.add.s32.msk $0xffff, v0  }
.Ltmp23:
0x2a8: {  	v7 =	vshra.s32 v13, $0x12;
	vm0 =	vgt.s32 v12, v13;
	v17 =	vand.u32 $0x7FFFFFFF, v11;
	v11 =	vld [tilespmem:s24+$0x30];
	(pc) =	sbr.rel @p1 .LBB2_38-.Ltmp23, $4  }
0x2a9: {  	v12 =	vsel vm0, v12, v13;
	v13 =	vxor.u32 v15, v17;
	v15 =	vshra.s32 v16, $0x1F;
	[tilespmem:v8+s16+$0x0] =	vst.idx.add.s32.msk $0xffff, v0  }
0x2aa: {  	v8 =	vshra.s32 v13, $0x12;
	vm0 =	vgt.s32 v12, v13;
	v15 =	vand.u32 $0x7FFFFFFF, v15;
	[tilespmem:v9+s16+$0x0] =	vst.idx.add.s32.msk $0xffff, v0  }
0x2ab: {  	v12 =	vsel vm0, v12, v13;
	v13 =	vxor.u32 v16, v15;
	v15 =	vshra.s32 v10, $0x1F;
	[tilespmem:v14+s16+$0x0] =	vst.idx.add.s32.msk $0xffff, v0  }
0x2ac: {  	s24 =	sadd.s32 $0x80, s24;
	v9 =	vshra.s32 v13, $0x12;
	vm1 =	vgt.s32 v12, v13;
	v14 =	vand.u32 $0x7FFFFFFF, v15;
	[tilespmem:v18+s16+$0x0] =	vst.idx.add.s32.msk $0xffff, v0  }
0x2ad: {  	v12 =	vsel vm1, v12, v13;
	v10 =	vxor.u32 v10, v14;
	v62 =	vshra.s32 v11, $0x1F  }
0x2ae: {  	vm0 =	vgt.s32 v12, v10;
	v13 =	vand.u32 $0x7FFFFFFF, v62  }
0x2af: {  	v12 =	vsel vm0, v12, v10;
	v63 =	vxor.u32 v11, v13  }
0x2b0: {  	vm0 =	vgt.s32 v12, v63  }
0x2b1: {  	v12 =	vsel vm0, v12, v63  }
0x2b2: {  	v12 =	vxor.u32 $0x80000000, v12  }
0x2b3: {  	(xrf0) =	vmax.scan.msk.u32 $0xffff, v12;
	_ =	sdelay $0x5  }
0x2b4: {  	v12, _, _ =	vpop (xrf0)  }
0x2b5: {  	(v2sf) =	vpush v12, $0xF;
	_ =	sdelay $0xc  }
0x2b6: {  	v4 =	vadd.s32 $0x2000, v4  }
0x2b7: {  	v5 =	vadd.s32 $0x2000, v5  }
0x2b8: {  	v6 =	vadd.s32 $0x2000, v6;
	s23 =	spop (v2sf)  }
0x2b9: {  	v7 =	vadd.s32 $0x2000, v7;
	s24 =	sshra.s32 s23, $0x12  }
0x2ba: {  	v8 =	vadd.s32 $0x2000, v8;
	s23 =	sand.u32 $0x3C0000, s23;
	s24 =	sxor.u32 $0xFFFFE000, s24  }
0x2bb: {  	v9 =	vadd.s32 $0x2000, v9;
	v10 =	vshra.s32 v10, $0x12;
	[tilespmem:v4+s16+$0x0] =	vst.idx.add.s32.msk $0xffff, v0;
	p2 =	sne.s32 s23, $0x0;
	s25 =	sadd.s32 $0x2000, s24;
	p1 =	slt.s32 s24, $0xFFFFE001  }
0x2bc: {  	v10 =	vadd.s32 $0x2000, v10;
	v4 =	vshra.s32 v63, $0x12;
	[tilespmem:v5+s16+$0x0] =	vst.idx.add.s32.msk $0xffff, v0;
	s31 =	sshrl.u32 s25, $0x1C;
	p1 =	por !p2, !p1  }
0x2bd: {  	[tilespmem:v6+s16+$0x0] =	vst.idx.add.s32.msk $0xffff, v0;
	v4 =	vadd.s32 $0x2000, v4;
	s24 =	simm.s32 $0x1;
	s23 =	sadd.s32 s31, s25;
	p1 =	por !p1, !p1  }
0x2be: {  	[tilespmem:v7+s16+$0x0] =	vst.idx.add.s32.msk $0xffff, v0;
	s23 =	sshra.s32 s23, $0x4;
	s24 =	simm.s32 @!p1 $0x0  }
0x2bf: {  	[tilespmem:v8+s16+$0x0] =	vst.idx.add.s32.msk $0xffff, v0;
	s23 =	ssub.s32 s23, s24  }
0x2c0: {  	[tilespmem:v9+s16+$0x0] =	vst.idx.add.s32.msk $0xffff, v0;
	s24 =	sshll.u32 s23, $0x6  }
0x2c1: {  	[tilespmem:v10+s16+$0x0] =	vst.idx.add.s32.msk $0xffff, v0;
	s23 =	sshll.u32 s23, $0x4;
	s24 =	sshra.s32 s24, $0x2  }
0x2c2: {  	s26 =	simm.s32 $0x0;
	[tilespmem:v4+s16+$0x0] =	vst.idx.add.s32.msk $0xffff, v0;
	s23 =	sadd.s32 $0x80000010, s23;
	s25 =	sadd.s32 $0x10000, s24  }
.LBB2_40:
0x2c3: {  	v4 =	vld [tilespmem:s25+$0x0];
	_ =	sdelay $0x4  }
0x2c4: {  	(xrf0) =	vadd.scan.msk.s32 $0xffff, v4;
	_ =	sdelay $0x5  }
0x2c5: {  	v5, _, _ =	vpop (xrf0)  }
0x2c6: {  	(v2sf) =	vpush v5, $0xF;
	_ =	sdelay $0xe  }
0x2c7: {  	s24 =	smov.u32 s26;
	s31 =	spop (v2sf)  }
0x2c8: {  	s26 =	sadd.s32 s24, s31  }
0x2c9: {  	p1 =	slt.s32 s26, $0xCCC  }
.Ltmp24:
0x2ca: {  	_ = 	snop;
	(pc) =	sbr.rel @p1 .LBB2_40-.Ltmp24, $2  }
0x2cb: {  	_ =	sdelay $0x2  }
0x2cc: {  	s23 =	sadd.s32 $0xFFFFFFF0, s23;
	s25 =	sadd.s32 $0xFFFFFFF0, s25  }
0x2cd: {  	v6 =	vbroadcast v5, $0xF;
	_ =	sdelay $0x1  }
0x2ce: {  	v5 =	vsub.s32 v6, v5;
	v6 =	vpsel !p0, $0x0, v4  }
0x2cf: {  	v6 =	vadd.s32 v6, v5  }
0x2d0: {  	v5 =	vadd.s32 s24, v6  }
0x2d1: {  	vm0 =	vgt.s32 v5, $0xCCB  }
0x2d2: {  	v5 =	vnsel vm0, $0x7FFFFFFF, v3  }
0x2d3: {  	s25 =	simm.s32 $0x40;
	(xrf0) =	vmax.scan.msk.u32 $0xffff, v5  }
0x2d4: {  	v8 =	vld [tilespmem:s25+$0xFFFFFFF0]  }
0x2d5: {  	v9 =	vld [tilespmem:s25+$0x0]  }
0x2d6: {  	v10 =	vld [tilespmem:s25+$0x10]  }
0x2d7: {  	v11 =	vld [tilespmem:s25+$0x20]  }
0x2d8: {  	v12 =	vld [tilespmem:s25+$0x30]  }
0x2d9: {  	v13 =	vld [tilespmem:s25+$0xFFFFFFD0];
	v5, _, _ =	vpop (xrf0)  }
0x2da: {  	s26 =	simm.s32 $0xC0;
	v14 =	vld [tilespmem:s25+$0xFFFFFFC0];
	(v2sf) =	vpush v5, $0xF  }
0x2db: {  	v57 =	vld [tilespmem:s26+$0xFFFFFFD0]  }
0x2dc: {  	v15 =	vimm.s32 $0x0;
	vm6 =	vmmov vm15;
	vm7 =	vmmov vm15  }
0x2dd: {  	vm11 =	vmmov vm15;
	vm12 =	vmmov vm15;
	vm13 =	vmmov vm15  }
0x2de: {  	vm14 =	vmmov vm15;
	v17 =	vshra.s32 v8, $0x1F;
	v18 =	vshra.s32 v9, $0x1F  }
0x2df: {  	v19 =	vshra.s32 v10, $0x1F;
	v20 =	vshra.s32 v11, $0x1F;
	v21 =	vshra.s32 v12, $0x1F  }
0x2e0: {  	v22 =	vshra.s32 v14, $0x1F;
	v23 =	vshra.s32 v13, $0x1F;
	v40 =	vshra.s32 v57, $0x1F  }
0x2e1: {  	v17 =	vand.u32 $0x7FFFFFFF, v17;
	v18 =	vand.u32 $0x7FFFFFFF, v18;
	v24 =	vand.u32 $0x7FFFFFFF, v19  }
0x2e2: {  	v25 =	vand.u32 $0x7FFFFFFF, v23;
	v20 =	vand.u32 $0x7FFFFFFF, v20;
	v26 =	vand.u32 $0x7FFFFFFF, v21;
	v5 =	vld [tilespmem:s25+$0xFFFFFFE0]  }
0x2e3: {  	v21 =	vand.u32 $0x7FFFFFFF, v22;
	v40 =	vand.u32 $0x7FFFFFFF, v40;
	v22 =	vxor.u32 v8, v17  }
0x2e4: {  	v19 =	vxor.u32 v9, v18;
	v18 =	vxor.u32 v10, v24;
	v20 =	vxor.u32 v11, v20  }
0x2e5: {  	v24 =	vxor.u32 v14, v21;
	v21 =	vxor.u32 v13, v25;
	v9 =	vshra.s32 v22, $0x12  }
0x2e6: {  	v10 =	vshra.s32 v19, $0x12;
	v11 =	vshra.s32 v18, $0x12;
	v14 =	vshra.s32 v24, $0x12  }
0x2e7: {  	v14 =	vadd.s32 $0x2000, v14;
	v9 =	vadd.s32 $0x2000, v9;
	v16 =	vshra.s32 v5, $0x1F  }
0x2e8: {  	v10 =	vadd.s32 $0x2000, v10;
	v11 =	vadd.s32 $0x2000, v11;
	v16 =	vand.u32 $0x7FFFFFFF, v16  }
0x2e9: {  	v23 =	vxor.u32 v5, v16;
	v5 =	vxor.u32 v12, v26;
	v12 =	vshra.s32 v20, $0x12;
	s31 =	spop (v2sf)  }
0x2ea: {  	v16 =	vshra.s32 v21, $0x12;
	v8 =	vshra.s32 v23, $0x12;
	v13 =	vshra.s32 v5, $0x12;
	s23 =	sadd.s32 s23, s31  }
0x2eb: {  	v12 =	vadd.s32 $0x2000, v12;
	v8 =	vadd.s32 $0x2000, v8;
	v7 =	vmov s23  }
0x2ec: {  	vm4 =	veq.s32 v14, v7;
	v14 =	vadd.s32 $0x2000, v16;
	vm2 =	veq.s32 v8, v7  }
0x2ed: {  	vm8 =	veq.s32 v9, v7;
	vm10 =	veq.s32 v10, v7;
	vm9 =	veq.s32 v11, v7  }
0x2ee: {  	vm5 =	veq.s32 v12, v7;
	v12 =	vadd.s32 $0x2000, v13;
	v16 =	vmpcnt.ones.xlane vm4  }
0x2ef: {  	vm3 =	veq.s32 v14, v7;
	v8 =	vmpcnt.ones.xlane vm2;
	vm0 =	veq.s32 v12, v7  }
0x2f0: {  	v12 =	vsel vm4, $0x1, v2;
	v26 =	vsel vm2, $0x1, v2;
	v27 =	vsel vm8, $0x1, v2  }
0x2f1: {  	v28 =	vsel vm10, $0x1, v2;
	vm6 =	vmmov @p0 vm4;
	vm11 =	vmmov @p0 vm2  }
0x2f2: {  	vm12 =	vmmov @p0 vm8;
	vm13 =	vmmov @p0 vm10;
	vm14 =	vmmov @p0 vm9  }
0x2f3: {  	v14 =	vmpcnt.ones.xlane vm3;
	v17 =	vmpcnt.ones.xlane vm0;
	v25 =	vsel vm3, $0x1, v2  }
0x2f4: {  	vm7 =	vmmov @p0 vm3;
	vm1 =	vmmov vm0;
	v29 =	vsel vm6, $0xFFFFFFFF, v2  }
0x2f5: {  	vm6 =	vmmov vm15;
	v32 =	vsel vm12, $0xFFFFFFFF, v2;
	v34 =	vsel vm14, $0xFFFFFFFF, v2  }
0x2f6: {  	v36 =	vsel vm13, $0xFFFFFFFF, v2;
	vm13 =	vmmov vm15;
	v16 =	vadd.s32 v15, v16  }
0x2f7: {  	(xrf0) =	vadd.scan.msk.s32 $0xffff, v12;
	vm12 =	vmmov vm15;
	v9 =	vadd.s32 v16, v14;
	v14 =	vmpcnt.ones.xlane vm8  }
0x2f8: {  	(xrf0) =	vadd.scan.msk.s32 $0xffff, v25;
	v25 =	vsel vm5, $0x1, v2;
	v10 =	vadd.s32 v9, v8;
	v8 =	vmpcnt.ones.xlane vm10  }
0x2f9: {  	vm6 =	vmmov @p0 vm1;
	(xrf0) =	vadd.scan.msk.s32 $0xffff, v26;
	v11 =	vadd.s32 v10, v14;
	v14 =	vmpcnt.ones.xlane vm9  }
0x2fa: {  	v30 =	vsel vm7, $0xFFFFFFFF, v2;
	(xrf0) =	vadd.scan.msk.s32 $0xffff, v27;
	v13 =	vadd.s32 v11, v8;
	v8 =	vmpcnt.ones.xlane vm5  }
0x2fb: {  	v26 =	vsel vm0, $0x1, v2;
	vm0 =	vmmov vm15;
	(xrf0) =	vadd.scan.msk.s32 $0xffff, v28;
	v14 =	vadd.s32 v13, v14  }
0x2fc: {  	v55 =	vld [tilespmem:s26+$0x30];
	v16 =	vadd.s32 v30, v16;
	vm0 =	vmmov @p0 vm5;
	v12 =	vadd.s32 v14, v8  }
0x2fd: {  	v28 =	vld [tilespmem:s26+$0xFFFFFFF0];
	v37 =	vsel vm0, $0xFFFFFFFF, v2;
	v31, _, _ =	vpop (xrf0);
	v8 =	vadd.s32 v12, v17;
	v17 =	vsel vm9, $0x1, v2  }
0x2fe: {  	v10 =	vadd.s32 v32, v10;
	v34 =	vadd.s32 v34, v13;
	v13 =	vsel vm6, $0xFFFFFFFF, v2;
	v35, _, _ =	vpop (xrf0);
	(xrf0) =	vadd.scan.msk.s32 $0xffff, v17;
	v17 =	vld [tilespmem:s26+$0x0]  }
0x2ff: {  	v33 =	vld [tilespmem:s26+$0x10];
	v11 =	vadd.s32 v36, v11;
	v14 =	vadd.s32 v37, v14;
	v39, _, _ =	vpop (xrf0);
	v13 =	vadd.s32 v13, v12;
	(xrf0) =	vadd.scan.msk.s32 $0xffff, v25  }
0x300: {  	v38 =	vld [tilespmem:s26+$0x20];
	v12 =	vadd.s32 v29, v15;
	v30 =	vadd.s32 v35, v16;
	v56, _, _ =	vpop (xrf0);
	v25 =	vsel vm11, $0xFFFFFFFF, v2  }
0x301: {  	v29 =	vadd.s32 v31, v12;
	v15, _, _ =	vpop (xrf0);
	v32 =	vadd.s32 v56, v10;
	v9 =	vadd.s32 v25, v9;
	v25 =	vld [tilespmem:s26+$0xFFFFFFC0]  }
0x302: {  	v27 =	vld [tilespmem:s26+$0xFFFFFFE0];
	v10 =	vshra.s32 v28, $0x1F;
	vm11 =	vmmov vm15;
	v58 =	vadd.s32 v15, v11  }
0x303: {  	v15 =	vshra.s32 v55, $0x1F;
	v10 =	vand.u32 $0x7FFFFFFF, v10;
	v11 =	vshra.s32 v17, $0x1F  }
0x304: {  	v31 =	vadd.s32 v39, v9;
	v43 =	vand.u32 $0x7FFFFFFF, v15;
	v12, _, _ =	vpop (xrf0);
	v41 =	vand.u32 $0x7FFFFFFF, v11  }
0x305: {  	v11 =	vxor.u32 v28, v10;
	v9, _, _ =	vpop (xrf0);
	v34 =	vadd.s32 v12, v34;
	v12 =	vshra.s32 v33, $0x1F  }
0x306: {  	v16 =	vshra.s32 v25, $0x1F;
	v10 =	vxor.u32 v17, v41;
	v59 =	vadd.s32 v9, v14  }
0x307: {  	v9 =	vshra.s32 v27, $0x1F;
	v14 =	vshra.s32 v38, $0x1F;
	v42 =	vand.u32 $0x7FFFFFFF, v12  }
0x308: {  	v15 =	vand.u32 $0x7FFFFFFF, v16;
	v28 =	vshra.s32 v10, $0x12;
	v9 =	vand.u32 $0x7FFFFFFF, v9  }
0x309: {  	v14 =	vand.u32 $0x7FFFFFFF, v14;
	v17 =	vxor.u32 v25, v15;
	v15 =	vxor.u32 v57, v40  }
0x30a: {  	v28 =	vadd.s32 $0x2000, v28;
	v12 =	vxor.u32 v27, v9;
	v9 =	vxor.u32 v33, v42  }
0x30b: {  	v16 =	vxor.u32 v38, v14;
	v14 =	vxor.u32 v55, v43;
	v27 =	vshra.s32 v11, $0x12  }
0x30c: {  	[tilespmem:v30+s17+$0x0] =	vst.idx.msk vm3, v21;
	v61 =	vshra.s32 v17, $0x12;
	v40 =	vshra.s32 v15, $0x12;
	vm3 =	veq.s32 v28, v7  }
0x30d: {  	v25 =	vshra.s32 v12, $0x12;
	v33 =	vshra.s32 v9, $0x12;
	v60 =	vshra.s32 v16, $0x12  }
0x30e: {  	(xrf0) =	vadd.scan.msk.s32 $0xffff, v26;
	v37 =	vshra.s32 v14, $0x12;
	v38 =	vadd.s32 $0x2000, v61;
	v27 =	vadd.s32 $0x2000, v27  }
0x30f: {  	[tilespmem:v29+s17+$0x0] =	vst.idx.msk vm4, v24;
	v62 =	vadd.s32 $0x2000, v40;
	v30 =	vsel vm3, $0x1, v2;
	v25 =	vadd.s32 $0x2000, v25  }
0x310: {  	[tilespmem:v32+s17+$0x0] =	vst.idx.msk vm8, v22;
	vm7 =	veq.s32 v38, v7;
	v33 =	vadd.s32 $0x2000, v33;
	vm6 =	veq.s32 v62, v7  }
0x311: {  	[tilespmem:v31+s17+$0x0] =	vst.idx.msk vm2, v23;
	v36 =	vadd.s32 $0x2000, v60;
	v26 =	vmpcnt.ones.xlane vm7;
	v24 =	vmpcnt.ones.xlane vm6  }
0x312: {  	vm4 =	veq.s32 v25, v7;
	v25 =	vadd.s32 $0x2000, v37;
	[tilespmem:v59+s17+$0x0] =	vst.idx.msk vm5, v20;
	vm5 =	veq.s32 v27, v7  }
0x313: {  	[tilespmem:v34+s17+$0x0] =	vst.idx.msk vm9, v18;
	vm2 =	veq.s32 v33, v7;
	vm8 =	veq.s32 v36, v7;
	v18 =	vsel vm7, $0x1, v2  }
0x314: {  	v28 =	vsel vm6, $0x1, v2;
	v20 =	vadd.s32 v8, v26;
	v26 =	vmpcnt.ones.xlane vm4  }
0x315: {  	vm13 =	vmmov @p0 vm7;
	v21 =	vadd.s32 v20, v24;
	v24 =	vmpcnt.ones.xlane vm5  }
0x316: {  	vm11 =	vmmov @p0 vm6;
	v23 =	vadd.s32 v21, v26;
	v26 =	vmpcnt.ones.xlane vm3  }
0x317: {  	[tilespmem:v58+s17+$0x0] =	vst.idx.msk vm10, v19;
	v27 =	vmpcnt.ones.xlane vm2;
	v19 =	vmpcnt.ones.xlane vm8;
	v22 =	vadd.s32 v23, v24  }
0x318: {  	vm10 =	veq.s32 v25, v7;
	v31 =	vsel vm4, $0x1, v2;
	(xrf0) =	vadd.scan.msk.s32 $0xffff, v18;
	v24 =	vadd.s32 v22, v26  }
0x319: {  	v63 =	vsel vm5, $0x1, v2;
	(xrf0) =	vadd.scan.msk.s32 $0xffff, v28;
	v26 =	vadd.s32 v24, v27;
	v27 =	vmpcnt.ones.xlane vm10  }
0x31a: {  	v29 =	vsel vm2, $0x1, v2;
	vm12 =	vmmov @p0 vm4;
	(xrf0) =	vadd.scan.msk.s32 $0xffff, v31;
	v25 =	vadd.s32 v26, v19  }
0x31b: {  	s28 =	simm.s32 $0x140;
	s25 =	sxor.u32 $0x80000000, s31;
	s26 =	simm.s32 $0x8;
	v28 =	vsel vm8, $0x1, v2;
	v18, _, _ =	vpop (xrf0);
	(xrf0) =	vadd.scan.msk.s32 $0xffff, v63;
	v19 =	vadd.s32 v25, v27;
	v27 =	vsel vm10, $0x1, v2  }
.LBB2_42:
0x31c: {  	vm0 =	vmmov vm15;
	vm14 =	vmmov vm15  }
0x31d: {  	vm15 =	vmxor vm15, vm15;
	vm9 =	vmmov vm1;
	vm1 =	vmmov vm10  }
0x31e: {  	v32 =	vsel vm13, $0xFFFFFFFF, v2;
	vm10 =	vmxor vm10, vm10;
	vm13 =	vmxor vm13, vm13  }
0x31f: {  	v33 =	vsel vm11, $0xFFFFFFFF, v2;
	v34 =	vsel vm12, $0xFFFFFFFF, v2;
	vm0 =	vmmov @p0 vm5  }
0x320: {  	v31 =	vld [tilespmem:s28+$0xFFFFFFE0];
	(xrf0) =	vadd.scan.msk.s32 $0xffff, v30;
	vm14 =	vmmov @p0 vm3;
	vm15 =	vmmov @p0 vm2;
	vm10 =	vmmov @p0 vm8  }
0x321: {  	vm13 =	vmmov @p0 vm1;
	v20 =	vadd.s32 v33, v20;
	v21 =	vadd.s32 v34, v21;
	v30 =	vld [tilespmem:s28+$0xFFFFFFF0];
	(xrf0) =	vadd.scan.msk.s32 $0xffff, v29  }
0x322: {  	v35 =	vsel vm0, $0xFFFFFFFF, v2;
	v37 =	vsel vm14, $0xFFFFFFFF, v2;
	v38 =	vsel vm15, $0xFFFFFFFF, v2;
	v29 =	vld [tilespmem:s28+$0x0];
	v36, _, _ =	vpop (xrf0);
	(xrf0) =	vadd.scan.msk.s32 $0xffff, v28  }
0x323: {  	vm15 =	vmxor vm15, vm15;
	v41 =	vsel vm10, $0xFFFFFFFF, v2;
	v24 =	vadd.s32 v38, v24;
	v28 =	vld [tilespmem:s28+$0x10];
	v40, _, _ =	vpop (xrf0);
	(xrf0) =	vadd.scan.msk.s32 $0xffff, v27  }
0x324: {  	v26 =	vadd.s32 v41, v26;
	v38 =	vsel vm13, $0xFFFFFFFF, v2;
	v23 =	vadd.s32 v35, v23;
	v27 =	vld [tilespmem:s28+$0x20];
	v39, _, _ =	vpop (xrf0)  }
0x325: {  	v22 =	vadd.s32 v37, v22;
	vm13 =	vmmov vm15;
	v25 =	vadd.s32 v38, v25;
	v41 =	vld [tilespmem:s28+$0x30];
	v35, _, _ =	vpop (xrf0)  }
0x326: {  	s26 =	sadd.s32 $0x8, s26;
	vm11 =	vmmov vm15;
	vm12 =	vmmov vm15;
	v38 =	vadd.s32 v32, v8;
	v37 =	vld [tilespmem:s28+$0xFFFFFFD0];
	v32, _, _ =	vpop (xrf0)  }
0x327: {  	p1 =	slt.u32 s26, $0x7F8;
	v34 =	vadd.s32 v36, v38;
	v20 =	vadd.s32 v40, v20;
	v36 =	vadd.s32 v18, v13;
	v33 =	vld [tilespmem:s28+$0xFFFFFFC0];
	v8, _, _ =	vpop (xrf0)  }
0x328: {  	v21 =	vadd.s32 v39, v21;
	v23 =	vadd.s32 v35, v23;
	v22 =	vadd.s32 v32, v22;
	v13, _, _ =	vpop (xrf0)  }
0x329: {  	v24 =	vadd.s32 v8, v24;
	v26 =	vadd.s32 v13, v26;
	v18, _, _ =	vpop (xrf0);
	v13 =	vmov v25  }
0x32a: {  	v32 =	vshra.s32 v30, $0x1F;
	v35 =	vshra.s32 v29, $0x1F;
	v8 =	vmovc v19;
	v25 =	vshra.s32 v31, $0x1F  }
0x32b: {  	v38 =	vshra.s32 v28, $0x1F;
	v39 =	vshra.s32 v27, $0x1F;
	v40 =	vshra.s32 v41, $0x1F  }
0x32c: {  	v25 =	vand.u32 $0x7FFFFFFF, v25;
	v43 =	vshra.s32 v37, $0x1F;
	v42 =	vshra.s32 v33, $0x1F;
	[tilespmem:v36+s17+$0x0] =	vst.idx.msk vm9, v5;
	v5 =	vmovc v14  }
0x32d: {  	v14 =	vand.u32 $0x7FFFFFFF, v32;
	v32 =	vand.u32 $0x7FFFFFFF, v35;
	v35 =	vand.u32 $0x7FFFFFFF, v38;
	[tilespmem:v34+s17+$0x0] =	vst.idx.msk vm7, v17  }
0x32e: {  	v36 =	vand.u32 $0x7FFFFFFF, v40;
	v34 =	vand.u32 $0x7FFFFFFF, v43;
	v17 =	vand.u32 $0x7FFFFFFF, v39;
	[tilespmem:v26+s17+$0x0] =	vst.idx.msk vm8, v16  }
0x32f: {  	v25 =	vxor.u32 v31, v25;
	v30 =	vxor.u32 v30, v14;
	v26 =	vand.u32 $0x7FFFFFFF, v42;
	[tilespmem:v20+s17+$0x0] =	vst.idx.msk vm6, v15  }
0x330: {  	v28 =	vxor.u32 v28, v35;
	v16 =	vxor.u32 v27, v17;
	v20 =	vxor.u32 v29, v32  }
0x331: {  	v14 =	vxor.u32 v41, v36;
	v17 =	vxor.u32 v33, v26;
	v15 =	vxor.u32 v37, v34  }
0x332: {  	v27 =	vshra.s32 v30, $0x12;
	v26 =	vshra.s32 v25, $0x12;
	v29 =	vshra.s32 v20, $0x12;
	[tilespmem:v21+s17+$0x0] =	vst.idx.msk vm4, v12;
	v12 =	vmovc v25  }
0x333: {  	v31 =	vshra.s32 v14, $0x12;
	v21 =	vshra.s32 v28, $0x12;
	v25 =	vshra.s32 v16, $0x12;
	[tilespmem:v23+s17+$0x0] =	vst.idx.msk vm5, v11;
	v11 =	vmovc v30  }
0x334: {  	v26 =	vadd.s32 $0x2000, v26;
	v23 =	vshra.s32 v17, $0x12;
	v30 =	vshra.s32 v15, $0x12;
	[tilespmem:v22+s17+$0x0] =	vst.idx.msk vm3, v10;
	v10 =	vmovc v20  }
0x335: {  	v20 =	vadd.s32 $0x2000, v23;
	v22 =	vadd.s32 $0x2000, v27;
	v23 =	vadd.s32 $0x2000, v29;
	[tilespmem:v24+s17+$0x0] =	vst.idx.msk vm2, v9;
	v9 =	vmovc v28  }
0x336: {  	vm7 =	veq.s32 v20, v7;
	v20 =	vadd.s32 $0x2000, v30;
	v24 =	vadd.s32 $0x2000, v21  }
0x337: {  	v25 =	vadd.s32 $0x2000, v25;
	v21 =	vmpcnt.ones.xlane vm7;
	vm6 =	veq.s32 v20, v7  }
0x338: {  	vm4 =	veq.s32 v26, v7;
	v26 =	vadd.s32 $0x2000, v31;
	v27 =	vmpcnt.ones.xlane vm6  }
0x339: {  	vm5 =	veq.s32 v22, v7;
	v20 =	vadd.s32 v19, v21;
	v19 =	vmpcnt.ones.xlane vm4  }
0x33a: {  	vm3 =	veq.s32 v23, v7;
	v22 =	vmpcnt.ones.xlane vm5;
	v21 =	vadd.s32 v20, v27  }
0x33b: {  	vm2 =	veq.s32 v24, v7;
	v23 =	vadd.s32 v21, v19;
	v19 =	vmpcnt.ones.xlane vm3  }
0x33c: {  	vm8 =	veq.s32 v25, v7;
	v27 =	vmpcnt.ones.xlane vm2;
	v22 =	vadd.s32 v23, v22  }
0x33d: {  	vm10 =	veq.s32 v26, v7;
	v24 =	vadd.s32 v22, v19;
	v19 =	vmpcnt.ones.xlane vm8  }
.Ltmp25:
0x33e: {  	v28 =	vsel vm7, $0x1, v2;
	v26 =	vadd.s32 v24, v27;
	v27 =	vmpcnt.ones.xlane vm10;
	(pc) =	sbr.rel @p1 .LBB2_42-.Ltmp25, $4  }
0x33f: {  	v31 =	vsel vm4, $0x1, v2;
	v29 =	vsel vm6, $0x1, v2;
	v25 =	vadd.s32 v26, v19;
	(xrf0) =	vadd.scan.msk.s32 $0xffff, v28  }
0x340: {  	v32 =	vsel vm5, $0x1, v2;
	v30 =	vsel vm3, $0x1, v2;
	v19 =	vadd.s32 v25, v27;
	(xrf0) =	vadd.scan.msk.s32 $0xffff, v29  }
0x341: {  	v28 =	vsel vm8, $0x1, v2;
	v27 =	vsel vm10, $0x1, v2;
	v29 =	vsel vm2, $0x1, v2;
	(xrf0) =	vadd.scan.msk.s32 $0xffff, v31  }
0x342: {  	s28 =	sadd.s32 $0x80, s28;
	vm12 =	vmmov @p0 vm4;
	vm13 =	vmmov @p0 vm7;
	vm11 =	vmmov @p0 vm6;
	(xrf0) =	vadd.scan.msk.s32 $0xffff, v32  }
0x343: {  	s24 =	ssub.s32 $0xCCC, s24  }
0x344: {  	v4 =	vadd.s32 s24, v4  }
0x345: {  	(xrf0) =	vadd.scan.msk.s32 $0xffff, v30;
	v4 =	vsub.s32 v4, v6;
	v6 =	vmov s25  }
0x346: {  	(xrf0) =	vadd.scan.msk.s32 $0xffff, v29  }
0x347: {  	v7, _, _ =	vpop (xrf0);
	(xrf0) =	vadd.scan.msk.s32 $0xffff, v28;
	vm0 =	veq.s32 v6, v1;
	v4 =	vxor.u32 $0x80000000, v4  }
0x348: {  	v4 =	vnsel vm0, $0x0, v4;
	v6, _, _ =	vpop (xrf0);
	(xrf0) =	vadd.scan.msk.s32 $0xffff, v27  }
0x349: {  	v51, _, _ =	vpop (xrf0);
	(xrf0) =	vmax.scan.msk.u32 $0xffff, v4;
	v4 =	vxor.u32 $0x80000000, v19;
	_ =	sdelay $0x1  }
0x34a: {  	v52, _, _ =	vpop (xrf0);
	(xrf0) =	vmax.scan.msk.u32 $0xffff, v4  }
0x34b: {  	v4, _, _ =	vpop (xrf0)  }
0x34c: {  	v53, _, _ =	vpop (xrf0)  }
0x34d: {  	v54, _, _ =	vpop (xrf0)  }
0x34e: {  	v55, _, _ =	vpop (xrf0)  }
0x34f: {  	v31, _, _ =	vpop (xrf0)  }
0x350: {  	(v2sf) =	vpush v31, $0xF;
	v56, _, _ =	vpop (xrf0)  }
0x351: {  	(v2sf) =	vpush v56, $0xF;
	_ =	sdelay $0x4  }
0x352: {  	v57 =	vsel vm13, $0xFFFFFFFF, v2  }
0x353: {  	v32 =	vsel vm11, $0xFFFFFFFF, v2;
	vm9 =	vmmov vm15;
	v33 =	vsel vm12, $0xFFFFFFFF, v2  }
0x354: {  	vm1 =	vmmov vm1;
	v13 =	vadd.s32 v18, v13;
	vm9 =	vmmov @p0 vm8  }
0x355: {  	v8 =	vadd.s32 v57, v8;
	v59 =	vadd.s32 v32, v20;
	vm0 =	vmmov vm15  }
0x356: {  	v21 =	vadd.s32 v33, v21;
	v35 =	vsel vm9, $0xFFFFFFFF, v2;
	vm0 =	vmmov @p0 vm5  }
0x357: {  	vm9 =	vmmov vm10;
	v34 =	vsel vm0, $0xFFFFFFFF, v2;
	vm0 =	vmmov vm15  }
0x358: {  	v7 =	vadd.s32 v7, v8;
	v6 =	vadd.s32 v6, v59;
	vm0 =	vmmov @p0 vm3  }
0x359: {  	v23 =	vadd.s32 v34, v23;
	v58 =	vsel vm0, $0xFFFFFFFF, v2;
	vm0 =	vmmov vm15  }
0x35a: {  	v21 =	vadd.s32 v51, v21;
	v62 =	vadd.s32 v52, v23;
	vm0 =	vmmov @p0 vm2  }
0x35b: {  	[tilespmem:v13+s17+$0x0] =	vst.idx.msk vm1, v5;
	v5 =	vadd.s32 v58, v22;
	v61 =	vsel vm0, $0xFFFFFFFF, v2;
	vm0 =	vmmov vm15;
	s30 =	spop (v2sf)  }
0x35c: {  	v26 =	vadd.s32 v35, v26;
	v4 =	vadd.s32 v4, v5;
	vm0 =	vmmov @p0 vm9;
	s31 =	spop (v2sf)  }
0x35d: {  	[tilespmem:v7+s17+$0x0] =	vst.idx.msk vm7, v17;
	v7 =	vadd.s32 v61, v24;
	v60 =	vadd.s32 v54, v26;
	v63 =	vsel vm0, $0xFFFFFFFF, v2;
	s26 =	sadd.s32 $0x8000000F, s31  }
0x35e: {  	[tilespmem:v6+s17+$0x0] =	vst.idx.msk vm6, v15;
	v7 =	vadd.s32 v53, v7;
	v5 =	vadd.s32 v63, v25;
	s28 =	sand.u32 $0xF, s26  }
0x35f: {  	[tilespmem:v21+s17+$0x0] =	vst.idx.msk vm4, v12;
	v5 =	vadd.s32 v55, v5;
	p2 =	slt.s32 s26, $0x1;
	p1 =	sne.s32 s28, $0x0;
	s28 =	sshra.s32 s26, $0x1F  }
.Ltmp26:
0x360: {  	[tilespmem:v62+s17+$0x0] =	vst.idx.msk vm5, v11;
	s28 =	sshrl.u32 s28, $0x1C;
	p1 =	por !p2, !p1;
	(pc) =	sbr.rel .LBB2_44-.Ltmp26, $4  }
0x361: {  	[tilespmem:v4+s17+$0x0] =	vst.idx.msk vm3, v10;
	s26 =	sadd.s32 s28, s26;
	p1 =	por !p1, !p1;
	s28 =	simm.s32 $0x1  }
0x362: {  	s23 =	sshll.u32 s23, $0x12;
	[tilespmem:v60+s17+$0x0] =	vst.idx.msk vm8, v16;
	s26 =	sshra.s32 s26, $0x4;
	s28 =	simm.s32 @!p1 $0x0  }
0x363: {  	s23 =	sxor.u32 $0x80000000, s23;
	[tilespmem:v7+s17+$0x0] =	vst.idx.msk vm2, v9;
	s25 =	sxor.u32 $0x80000000, s31;
	s26 =	ssub.s32 s26, s28  }
0x364: {  	vm11 =	vmmov vm9;
	[tilespmem:v5+s17+$0x0] =	vst.idx.msk vm9, v14;
	s24 =	sxor.u32 $0x80000000, s30;
	v4 =	vmov s25;
	s28 =	simm.s32 $0x0;
	p1 =	slt.s32 s26, $0x1  }
.LBB2_45:
0x365: {  	v5 =	vimm.s32 $0x0  }
.LBB2_49:
0x366: {  	(xrf0) =	vadd.scan.msk.s32 $0xffff, v5;
	_ =	sdelay $0x5  }
0x367: {  	v5, _, _ =	vpop (xrf0)  }
0x368: {  	(v2sf) =	vpush v5, $0xF;
	_ =	sdelay $0xe  }
0x369: {  	s29 =	spop (v2sf)  }
0x36a: {  	s28 =	sadd.s32 $0x1, s28;
	p2 =	slt.s32 s29, s24  }
0x36b: {  	s25 =	smov.u32 @p2 s23;
	p2 =	sne.s32 s28, $0x12  }
.Ltmp27:
0x36c: {  	_ = 	snop;
	(pc) =	sbr.rel @!p2 .LBB2_50-.Ltmp27, $2  }
0x36d: {  	_ =	sdelay $0x2  }
0x36e: {  	s23 =	smov.u32 s25  }
.LBB2_44:
.Ltmp28:
0x36f: {  	(pc) =	sbr.rel @p1 .LBB2_45-.Ltmp28, $3  }
0x370: {  	_ =	sdelay $0x1  }
0x371: {  	s25 =	sshrl.u32 s18, s28  }
0x372: {  	s25 =	sor.u32 s25, s23  }
0x373: {  	s29 =	simm.s32 $0x14000  }
0x374: {  	p2 =	sne.s32 s26, $0x1;
	v7 =	vld [tilespmem:s29+$0x0]  }
.Ltmp29:
0x375: {  	_ = 	snop;
	(pc) =	sbr.rel @!p2 .LBB2_48-.Ltmp29, $4  }
0x376: {  	_ = 	snop  }
0x377: {  	s29 =	simm.s32 $0x0  }
0x378: {  	v6 =	vmov s25;
	v8 =	vor.u32 s29, v1  }
0x379: {  	v5 =	vimm.s32 $0x0;
	s30 =	sadd.s32 $0xFFFFFFFF, s26;
	s31 =	simm.s32 $0x14010;
	vm1 =	vlt.s32 v8, v4;
	vm2 =	vge.s32 v7, v6  }
.LBB2_47:
0x37a: {  	v7 =	vld [tilespmem:s31+$0x0];
	p2 =	sne.s32 s30, $0x1;
	s30 =	sadd.s32 $0xFFFFFFFF, s30;
	vm0 =	vmand vm1, vm2  }
.Ltmp30:
0x37b: {  	v8 =	vsel vm0, $0x1, v2;
	(pc) =	sbr.rel @p2 .LBB2_47-.Ltmp30, $4  }
0x37c: {  	v5 =	vadd.s32 v8, v5  }
0x37d: {  	s29 =	sadd.s32 $0x10, s29  }
0x37e: {  	v8 =	vor.u32 s29, v1  }
0x37f: {  	s31 =	sadd.s32 $0x10, s31;
	vm1 =	vlt.s32 v8, v4;
	vm2 =	vge.s32 v7, v6  }
.LBB2_48:
.Ltmp31:
0x380: {  	(pc) =	sbr.rel .LBB2_49-.Ltmp31, $4  }
0x381: {  	_ = 	snop  }
0x382: {  	vm0 =	vmand vm1, vm2  }
0x383: {  	v6 =	vsel vm0, $0x1, v2  }
0x384: {  	v5 =	vadd.s32 v6, v5  }
.LBB2_50:
0x385: {  	s23 =	simm.s32 $0x40  }
0x386: {  	v8 =	vld [tilespmem:s23+$0x30]  }
0x387: {  	v4 =	vmov s25;
	v11 =	vld [tilespmem:s23+$0xFFFFFFD0]  }
0x388: {  	v4 =	vshra.s32 v4, $0x1F;
	v10 =	vld [tilespmem:s23+$0xFFFFFFE0]  }
0x389: {  	v9 =	vld [tilespmem:s23+$0xFFFFFFF0];
	v4 =	vand.u32 $0x7FFFFFFF, v4  }
0x38a: {  	v7 =	vld [tilespmem:s23+$0x0];
	v4 =	vxor.u32 s25, v4  }
0x38b: {  	v6 =	vld [tilespmem:s23+$0x10];
	vm0 =	vge.f32 v8, v4  }
0x38c: {  	v5 =	vld [tilespmem:s23+$0x20];
	vm1 =	vge.f32 v11, v4;
	v12 =	vnsel vm0, $0x0, v8  }
0x38d: {  	s24 =	simm.s32 $0x0;
	s25 =	simm.s32 $0xC0;
	v8 =	vld [tilespmem:s23+$0xFFFFFFC0];
	v11 =	vnsel vm1, $0x0, v11;
	vm1 =	vge.f32 v10, v4;
	[tilespmem:s23+$0x30] =	vst v12  }
.LBB2_51:
0x38e: {  	v12 =	vld [tilespmem:s25+$0x30];
	s24 =	sadd.s32 $0x8, s24;
	[tilespmem:s23+$0xFFFFFFD0] =	vst v11;
	v10 =	vnsel vm1, $0x0, v10;
	vm0 =	vge.f32 v9, v4  }
0x38f: {  	v11 =	vld [tilespmem:s25+$0xFFFFFFD0];
	p1 =	slt.u32 s24, $0x7F8;
	[tilespmem:s23+$0xFFFFFFE0] =	vst v10;
	v9 =	vnsel vm0, $0x0, v9;
	vm0 =	vge.f32 v7, v4  }
0x390: {  	v10 =	vld [tilespmem:s25+$0xFFFFFFE0];
	[tilespmem:s23+$0xFFFFFFF0] =	vst v9;
	v7 =	vnsel vm0, $0x0, v7;
	vm0 =	vge.f32 v6, v4  }
.Ltmp32:
0x391: {  	v9 =	vld [tilespmem:s25+$0xFFFFFFF0];
	[tilespmem:s23+$0x0] =	vst v7;
	v6 =	vnsel vm0, $0x0, v6;
	vm0 =	vge.f32 v5, v4;
	(pc) =	sbr.rel @p1 .LBB2_51-.Ltmp32, $4  }
0x392: {  	v7 =	vld [tilespmem:s25+$0x0];
	vm1 =	vge.f32 v8, v4;
	[tilespmem:s23+$0x10] =	vst v6;
	v5 =	vnsel vm0, $0x0, v5  }
0x393: {  	v6 =	vld [tilespmem:s25+$0x10];
	vm0 =	vge.f32 v12, v4;
	v8 =	vnsel vm1, $0x0, v8;
	[tilespmem:s23+$0x20] =	vst v5  }
0x394: {  	vm1 =	vge.f32 v11, v4;
	v5 =	vld [tilespmem:s25+$0x20];
	v12 =	vnsel vm0, $0x0, v12;
	[tilespmem:s23+$0xFFFFFFC0] =	vst v8;
	s23 =	smov.u32 s25  }
0x395: {  	s25 =	sadd.s32 $0x80, s25;
	v8 =	vld [tilespmem:s23+$0xFFFFFFC0];
	v11 =	vnsel vm1, $0x0, v11;
	vm1 =	vge.f32 v10, v4;
	[tilespmem:s23+$0x30] =	vst v12  }
0x396: {  	[tilespmem:s23+$0xFFFFFFD0] =	vst v11;
	v10 =	vnsel vm1, $0x0, v10;
	vm0 =	vge.f32 v9, v4  }
0x397: {  	[tilespmem:s23+$0xFFFFFFE0] =	vst v10;
	v9 =	vnsel vm0, $0x0, v9;
	vm8 =	vge.f32 v7, v4  }
0x398: {  	[tilespmem:s23+$0xFFFFFFF0] =	vst v9;
	v7 =	vnsel vm8, $0x0, v7;
	vm9 =	vge.f32 v6, v4  }
0x399: {  	[tilespmem:s23+$0x0] =	vst v7;
	v6 =	vnsel vm9, $0x0, v6;
	vm10 =	vge.f32 v5, v4  }
0x39a: {  	vm11 =	vge.f32 v8, v4;
	[tilespmem:s23+$0x10] =	vst v6;
	v4 =	vnsel vm10, $0x0, v5  }
0x39b: {  	v5 =	vnsel vm11, $0x0, v8;
	[tilespmem:s23+$0x20] =	vst v4  }
0x39c: {  	[tilespmem:s23+$0xFFFFFFC0] =	vst v5  }
0x39d: {  	[hbm4b:s9+s12] =	stream.strided.scatter [tilespmem:s1], [sflag:$0x3], $0x8000, s13, s12, $0x38;
	[tilespmem:$0x1C080] =	vst v63  }
0x39e: {  	_ =	swait.ge [sflag:s19], $0x8000  }
0x39f: {  	[sflag:s19] =	ssyncset.done $0x0  }
0x3a0: {  	[sflag:s19] =	ssyncadd.s32 $0xFFFF8000  }
0x3a1: {  	_ =	swait.ge [sflag:s20], $0x8000  }
0x3a2: {  	[sflag:s20] =	ssyncset.done $0x0  }
0x3a3: {  	s23 =	simm.s32 $0x10040;
	[sflag:s20] =	ssyncadd.s32 $0xFFFF8000  }
0x3a4: {  	[tilespmem:s23+$0xFFFFFFC0] =	vst v2  }
0x3a5: {  	[tilespmem:s23+$0x30] =	vst v2  }
0x3a6: {  	[tilespmem:s23+$0x20] =	vst v2  }
0x3a7: {  	[tilespmem:s23+$0x10] =	vst v2  }
0x3a8: {  	[tilespmem:s23+$0x0] =	vst v2  }
0x3a9: {  	[tilespmem:s23+$0xFFFFFFF0] =	vst v2  }
0x3aa: {  	s24 =	simm.s32 $0x0;
	[tilespmem:s23+$0xFFFFFFE0] =	vst v2  }
.LBB2_53:
0x3ab: {  	s24 =	sadd.s32 $0x8, s24;
	[tilespmem:s23+$0xFFFFFFD0] =	vst v2;
	s23 =	sadd.s32 $0x80, s23  }
0x3ac: {  	[tilespmem:s23+$0xFFFFFFC0] =	vst v2;
	p1 =	slt.u32 s24, $0x3F8  }
0x3ad: {  	[tilespmem:s23+$0x30] =	vst v2  }
.Ltmp33:
0x3ae: {  	[tilespmem:s23+$0x20] =	vst v2;
	(pc) =	sbr.rel @p1 .LBB2_53-.Ltmp33, $4  }
0x3af: {  	[tilespmem:s23+$0x10] =	vst v2  }
0x3b0: {  	[tilespmem:s23+$0x0] =	vst v2  }
0x3b1: {  	[tilespmem:s23+$0xFFFFFFF0] =	vst v2  }
0x3b2: {  	[tilespmem:s23+$0xFFFFFFE0] =	vst v2  }
0x3b3: {  	[tilespmem:s23+$0xFFFFFFD0] =	vst v2;
	s24 =	simm.s32 $0x8040  }
0x3b4: {  	v4 =	vld [tilespmem:s24+$0xFFFFFFC0];
	_ =	sdelay $0x1  }
0x3b5: {  	v5 =	vld [tilespmem:s24+$0xFFFFFFD0];
	_ =	sdelay $0x1  }
0x3b6: {  	v6 =	vld [tilespmem:s24+$0xFFFFFFE0]  }
0x3b7: {  	v7 =	vshra.s32 v4, $0x1F  }
0x3b8: {  	v8 =	vld [tilespmem:s24+$0xFFFFFFF0];
	v7 =	vand.u32 $0x7FFFFFFF, v7  }
0x3b9: {  	v9 =	vimm.s32 $0x80000000;
	v10 =	vshra.s32 v5, $0x1F;
	v7 =	vxor.u32 v4, v7  }
0x3ba: {  	v11 =	vld [tilespmem:s24+$0x0];
	v10 =	vand.u32 $0x7FFFFFFF, v10;
	v4 =	vshra.s32 v7, $0x12;
	vm0 =	vgt.s32 v9, v7  }
0x3bb: {  	v7 =	vsel vm0, v9, v7;
	v9 =	vxor.u32 v5, v10;
	v10 =	vshra.s32 v6, $0x1F  }
0x3bc: {  	v5 =	vshra.s32 v9, $0x12;
	vm0 =	vgt.s32 v7, v9;
	v10 =	vand.u32 $0x7FFFFFFF, v10  }
0x3bd: {  	v13 =	vld [tilespmem:s24+$0x10];
	v7 =	vsel vm0, v7, v9;
	v9 =	vxor.u32 v6, v10;
	v10 =	vshra.s32 v8, $0x1F  }
0x3be: {  	v6 =	vshra.s32 v9, $0x12;
	vm0 =	vgt.s32 v7, v9;
	v12 =	vand.u32 $0x7FFFFFFF, v10  }
0x3bf: {  	v9 =	vsel vm0, v7, v9;
	v8 =	vxor.u32 v8, v12;
	v12 =	vshra.s32 v11, $0x1F  }
0x3c0: {  	vm0 =	vgt.s32 v9, v8;
	v12 =	vand.u32 $0x7FFFFFFF, v12  }
0x3c1: {  	v10 =	vld [tilespmem:s24+$0x20];
	v9 =	vsel vm0, v9, v8;
	v11 =	vxor.u32 v11, v12  }
0x3c2: {  	v7 =	vshra.s32 v8, $0x12;
	v12 =	vshra.s32 v13, $0x1F;
	vm0 =	vgt.s32 v9, v11  }
0x3c3: {  	v8 =	vshra.s32 v11, $0x12;
	v14 =	vand.u32 $0x7FFFFFFF, v12;
	v12 =	vsel vm0, v9, v11;
	v11 =	vld [tilespmem:s24+$0x30];
	_ =	sdelay $0x2  }
0x3c4: {  	v13 =	vxor.u32 v13, v14;
	v14 =	vshra.s32 v10, $0x1F  }
0x3c5: {  	s23 =	simm.s32 $0x0;
	s24 =	simm.s32 $0x80C0;
	v9 =	vshra.s32 v13, $0x12;
	vm1 =	vgt.s32 v12, v13;
	v14 =	vand.u32 $0x7FFFFFFF, v14  }
.LBB2_55:
0x3c6: {  	v15 =	vld [tilespmem:s24+$0xFFFFFFC0];
	s23 =	sadd.s32 $0x8, s23;
	v12 =	vsel vm1, v12, v13;
	v10 =	vxor.u32 v10, v14;
	v13 =	vshra.s32 v11, $0x1F  }
0x3c7: {  	p1 =	slt.u32 s23, $0x7F8;
	v14 =	vshra.s32 v10, $0x12;
	vm0 =	vgt.s32 v12, v10;
	v13 =	vand.u32 $0x7FFFFFFF, v13  }
0x3c8: {  	v4 =	vadd.s32 $0x2000, v4;
	v16 =	vld [tilespmem:s24+$0xFFFFFFD0];
	v10 =	vsel vm0, v12, v10;
	v11 =	vxor.u32 v11, v13  }
0x3c9: {  	v5 =	vadd.s32 $0x2000, v5;
	v12 =	vshra.s32 v11, $0x12;
	vm0 =	vgt.s32 v10, v11  }
0x3ca: {  	v6 =	vadd.s32 $0x2000, v6;
	v7 =	vadd.s32 $0x2000, v7;
	v13 =	vld [tilespmem:s24+$0xFFFFFFE0];
	v10 =	vsel vm0, v10, v11  }
0x3cb: {  	v8 =	vadd.s32 $0x2000, v8;
	v9 =	vadd.s32 $0x2000, v9;
	v11 =	vshra.s32 v15, $0x1F  }
0x3cc: {  	v14 =	vadd.s32 $0x2000, v14;
	v18 =	vadd.s32 $0x2000, v12;
	v11 =	vand.u32 $0x7FFFFFFF, v11;
	v17 =	vld [tilespmem:s24+$0xFFFFFFF0]  }
0x3cd: {  	v11 =	vxor.u32 v15, v11;
	v12 =	vshra.s32 v16, $0x1F;
	[tilespmem:v4+s16+$0x0] =	vst.idx.add.s32.msk $0xffff, v0  }
0x3ce: {  	v4 =	vshra.s32 v11, $0x12;
	vm0 =	vgt.s32 v10, v11;
	v12 =	vand.u32 $0x7FFFFFFF, v12;
	v15 =	vld [tilespmem:s24+$0x0]  }
0x3cf: {  	v10 =	vsel vm0, v10, v11;
	v11 =	vxor.u32 v16, v12;
	v12 =	vshra.s32 v13, $0x1F;
	[tilespmem:v5+s16+$0x0] =	vst.idx.add.s32.msk $0xffff, v0  }
0x3d0: {  	v5 =	vshra.s32 v11, $0x12;
	vm0 =	vgt.s32 v10, v11;
	v12 =	vand.u32 $0x7FFFFFFF, v12;
	v16 =	vld [tilespmem:s24+$0x10]  }
0x3d1: {  	v11 =	vsel vm0, v10, v11;
	v12 =	vxor.u32 v13, v12;
	v10 =	vshra.s32 v17, $0x1F;
	[tilespmem:v6+s16+$0x0] =	vst.idx.add.s32.msk $0xffff, v0  }
0x3d2: {  	v6 =	vshra.s32 v12, $0x12;
	vm0 =	vgt.s32 v11, v12;
	v13 =	vand.u32 $0x7FFFFFFF, v10;
	v10 =	vld [tilespmem:s24+$0x20]  }
0x3d3: {  	v12 =	vsel vm0, v11, v12;
	v13 =	vxor.u32 v17, v13;
	v11 =	vshra.s32 v15, $0x1F;
	[tilespmem:v7+s16+$0x0] =	vst.idx.add.s32.msk $0xffff, v0  }
.Ltmp34:
0x3d4: {  	v7 =	vshra.s32 v13, $0x12;
	vm0 =	vgt.s32 v12, v13;
	v17 =	vand.u32 $0x7FFFFFFF, v11;
	v11 =	vld [tilespmem:s24+$0x30];
	(pc) =	sbr.rel @p1 .LBB2_55-.Ltmp34, $4  }
0x3d5: {  	v12 =	vsel vm0, v12, v13;
	v13 =	vxor.u32 v15, v17;
	v15 =	vshra.s32 v16, $0x1F;
	[tilespmem:v8+s16+$0x0] =	vst.idx.add.s32.msk $0xffff, v0  }
0x3d6: {  	v8 =	vshra.s32 v13, $0x12;
	vm0 =	vgt.s32 v12, v13;
	v15 =	vand.u32 $0x7FFFFFFF, v15;
	[tilespmem:v9+s16+$0x0] =	vst.idx.add.s32.msk $0xffff, v0  }
0x3d7: {  	v12 =	vsel vm0, v12, v13;
	v13 =	vxor.u32 v16, v15;
	v15 =	vshra.s32 v10, $0x1F;
	[tilespmem:v14+s16+$0x0] =	vst.idx.add.s32.msk $0xffff, v0  }
0x3d8: {  	s24 =	sadd.s32 $0x80, s24;
	v9 =	vshra.s32 v13, $0x12;
	vm1 =	vgt.s32 v12, v13;
	v14 =	vand.u32 $0x7FFFFFFF, v15;
	[tilespmem:v18+s16+$0x0] =	vst.idx.add.s32.msk $0xffff, v0  }
0x3d9: {  	v12 =	vsel vm1, v12, v13;
	v10 =	vxor.u32 v10, v14;
	v62 =	vshra.s32 v11, $0x1F  }
0x3da: {  	vm0 =	vgt.s32 v12, v10;
	v13 =	vand.u32 $0x7FFFFFFF, v62  }
0x3db: {  	v12 =	vsel vm0, v12, v10;
	v63 =	vxor.u32 v11, v13  }
0x3dc: {  	vm0 =	vgt.s32 v12, v63  }
0x3dd: {  	v12 =	vsel vm0, v12, v63  }
0x3de: {  	v12 =	vxor.u32 $0x80000000, v12  }
0x3df: {  	(xrf0) =	vmax.scan.msk.u32 $0xffff, v12;
	_ =	sdelay $0x5  }
0x3e0: {  	v12, _, _ =	vpop (xrf0)  }
0x3e1: {  	(v2sf) =	vpush v12, $0xF;
	_ =	sdelay $0xc  }
0x3e2: {  	v4 =	vadd.s32 $0x2000, v4  }
0x3e3: {  	v5 =	vadd.s32 $0x2000, v5  }
0x3e4: {  	v6 =	vadd.s32 $0x2000, v6;
	s23 =	spop (v2sf)  }
0x3e5: {  	v7 =	vadd.s32 $0x2000, v7;
	s24 =	sshra.s32 s23, $0x12  }
0x3e6: {  	v8 =	vadd.s32 $0x2000, v8;
	s23 =	sand.u32 $0x3C0000, s23;
	s24 =	sxor.u32 $0xFFFFE000, s24  }
0x3e7: {  	v9 =	vadd.s32 $0x2000, v9;
	v10 =	vshra.s32 v10, $0x12;
	[tilespmem:v4+s16+$0x0] =	vst.idx.add.s32.msk $0xffff, v0;
	p2 =	sne.s32 s23, $0x0;
	s25 =	sadd.s32 $0x2000, s24;
	p1 =	slt.s32 s24, $0xFFFFE001  }
0x3e8: {  	v10 =	vadd.s32 $0x2000, v10;
	v4 =	vshra.s32 v63, $0x12;
	[tilespmem:v5+s16+$0x0] =	vst.idx.add.s32.msk $0xffff, v0;
	s31 =	sshrl.u32 s25, $0x1C;
	p1 =	por !p2, !p1  }
0x3e9: {  	[tilespmem:v6+s16+$0x0] =	vst.idx.add.s32.msk $0xffff, v0;
	v4 =	vadd.s32 $0x2000, v4;
	s24 =	simm.s32 $0x1;
	s23 =	sadd.s32 s31, s25;
	p1 =	por !p1, !p1  }
0x3ea: {  	[tilespmem:v7+s16+$0x0] =	vst.idx.add.s32.msk $0xffff, v0;
	s23 =	sshra.s32 s23, $0x4;
	s24 =	simm.s32 @!p1 $0x0  }
0x3eb: {  	[tilespmem:v8+s16+$0x0] =	vst.idx.add.s32.msk $0xffff, v0;
	s23 =	ssub.s32 s23, s24  }
0x3ec: {  	[tilespmem:v9+s16+$0x0] =	vst.idx.add.s32.msk $0xffff, v0;
	s24 =	sshll.u32 s23, $0x6  }
0x3ed: {  	[tilespmem:v10+s16+$0x0] =	vst.idx.add.s32.msk $0xffff, v0;
	s23 =	sshll.u32 s23, $0x4;
	s24 =	sshra.s32 s24, $0x2  }
0x3ee: {  	s26 =	simm.s32 $0x0;
	[tilespmem:v4+s16+$0x0] =	vst.idx.add.s32.msk $0xffff, v0;
	s23 =	sadd.s32 $0x80000010, s23;
	s25 =	sadd.s32 $0x10000, s24  }
.LBB2_57:
0x3ef: {  	v4 =	vld [tilespmem:s25+$0x0];
	_ =	sdelay $0x4  }
0x3f0: {  	(xrf0) =	vadd.scan.msk.s32 $0xffff, v4;
	_ =	sdelay $0x5  }
0x3f1: {  	v5, _, _ =	vpop (xrf0)  }
0x3f2: {  	(v2sf) =	vpush v5, $0xF;
	_ =	sdelay $0xe  }
0x3f3: {  	s24 =	smov.u32 s26;
	s31 =	spop (v2sf)  }
0x3f4: {  	s26 =	sadd.s32 s24, s31  }
0x3f5: {  	p1 =	slt.s32 s26, $0xCCC  }
.Ltmp35:
0x3f6: {  	_ = 	snop;
	(pc) =	sbr.rel @p1 .LBB2_57-.Ltmp35, $2  }
0x3f7: {  	_ =	sdelay $0x2  }
0x3f8: {  	s23 =	sadd.s32 $0xFFFFFFF0, s23;
	s25 =	sadd.s32 $0xFFFFFFF0, s25  }
0x3f9: {  	v6 =	vbroadcast v5, $0xF;
	_ =	sdelay $0x1  }
0x3fa: {  	v5 =	vsub.s32 v6, v5;
	v6 =	vpsel !p0, $0x0, v4  }
0x3fb: {  	v6 =	vadd.s32 v6, v5  }
0x3fc: {  	v5 =	vadd.s32 s24, v6  }
0x3fd: {  	vm0 =	vgt.s32 v5, $0xCCB  }
0x3fe: {  	v5 =	vnsel vm0, $0x7FFFFFFF, v3  }
0x3ff: {  	s25 =	simm.s32 $0x8040;
	(xrf0) =	vmax.scan.msk.u32 $0xffff, v5  }
0x400: {  	v8 =	vld [tilespmem:s25+$0xFFFFFFF0]  }
0x401: {  	v9 =	vld [tilespmem:s25+$0x0]  }
0x402: {  	v10 =	vld [tilespmem:s25+$0x10]  }
0x403: {  	v11 =	vld [tilespmem:s25+$0x20]  }
0x404: {  	v12 =	vld [tilespmem:s25+$0x30]  }
0x405: {  	v13 =	vld [tilespmem:s25+$0xFFFFFFD0];
	v5, _, _ =	vpop (xrf0)  }
0x406: {  	s26 =	simm.s32 $0x80C0;
	v14 =	vld [tilespmem:s25+$0xFFFFFFC0];
	(v2sf) =	vpush v5, $0xF  }
0x407: {  	v57 =	vld [tilespmem:s26+$0xFFFFFFD0]  }
0x408: {  	v15 =	vimm.s32 $0x0;
	vm6 =	vmmov vm15;
	vm7 =	vmmov vm15  }
0x409: {  	vm11 =	vmmov vm15;
	vm12 =	vmmov vm15;
	vm13 =	vmmov vm15  }
0x40a: {  	vm14 =	vmmov vm15;
	v17 =	vshra.s32 v8, $0x1F;
	v18 =	vshra.s32 v9, $0x1F  }
0x40b: {  	v19 =	vshra.s32 v10, $0x1F;
	v20 =	vshra.s32 v11, $0x1F;
	v21 =	vshra.s32 v12, $0x1F  }
0x40c: {  	v22 =	vshra.s32 v14, $0x1F;
	v23 =	vshra.s32 v13, $0x1F;
	v40 =	vshra.s32 v57, $0x1F  }
0x40d: {  	v17 =	vand.u32 $0x7FFFFFFF, v17;
	v18 =	vand.u32 $0x7FFFFFFF, v18;
	v24 =	vand.u32 $0x7FFFFFFF, v19  }
0x40e: {  	v25 =	vand.u32 $0x7FFFFFFF, v23;
	v20 =	vand.u32 $0x7FFFFFFF, v20;
	v26 =	vand.u32 $0x7FFFFFFF, v21;
	v5 =	vld [tilespmem:s25+$0xFFFFFFE0]  }
0x40f: {  	v21 =	vand.u32 $0x7FFFFFFF, v22;
	v40 =	vand.u32 $0x7FFFFFFF, v40;
	v22 =	vxor.u32 v8, v17  }
0x410: {  	v19 =	vxor.u32 v9, v18;
	v18 =	vxor.u32 v10, v24;
	v20 =	vxor.u32 v11, v20  }
0x411: {  	v24 =	vxor.u32 v14, v21;
	v21 =	vxor.u32 v13, v25;
	v9 =	vshra.s32 v22, $0x12  }
0x412: {  	v10 =	vshra.s32 v19, $0x12;
	v11 =	vshra.s32 v18, $0x12;
	v14 =	vshra.s32 v24, $0x12  }
0x413: {  	v14 =	vadd.s32 $0x2000, v14;
	v9 =	vadd.s32 $0x2000, v9;
	v16 =	vshra.s32 v5, $0x1F  }
0x414: {  	v10 =	vadd.s32 $0x2000, v10;
	v11 =	vadd.s32 $0x2000, v11;
	v16 =	vand.u32 $0x7FFFFFFF, v16  }
0x415: {  	v23 =	vxor.u32 v5, v16;
	v5 =	vxor.u32 v12, v26;
	v12 =	vshra.s32 v20, $0x12;
	s31 =	spop (v2sf)  }
0x416: {  	v16 =	vshra.s32 v21, $0x12;
	v8 =	vshra.s32 v23, $0x12;
	v13 =	vshra.s32 v5, $0x12;
	s23 =	sadd.s32 s23, s31  }
0x417: {  	v12 =	vadd.s32 $0x2000, v12;
	v8 =	vadd.s32 $0x2000, v8;
	v7 =	vmov s23  }
0x418: {  	vm4 =	veq.s32 v14, v7;
	v14 =	vadd.s32 $0x2000, v16;
	vm2 =	veq.s32 v8, v7  }
0x419: {  	vm8 =	veq.s32 v9, v7;
	vm10 =	veq.s32 v10, v7;
	vm9 =	veq.s32 v11, v7  }
0x41a: {  	vm5 =	veq.s32 v12, v7;
	v12 =	vadd.s32 $0x2000, v13;
	v16 =	vmpcnt.ones.xlane vm4  }
0x41b: {  	vm3 =	veq.s32 v14, v7;
	v8 =	vmpcnt.ones.xlane vm2;
	vm0 =	veq.s32 v12, v7  }
0x41c: {  	v12 =	vsel vm4, $0x1, v2;
	v26 =	vsel vm2, $0x1, v2;
	v27 =	vsel vm8, $0x1, v2  }
0x41d: {  	v28 =	vsel vm10, $0x1, v2;
	vm6 =	vmmov @p0 vm4;
	vm11 =	vmmov @p0 vm2  }
0x41e: {  	vm12 =	vmmov @p0 vm8;
	vm13 =	vmmov @p0 vm10;
	vm14 =	vmmov @p0 vm9  }
0x41f: {  	v14 =	vmpcnt.ones.xlane vm3;
	v17 =	vmpcnt.ones.xlane vm0;
	v25 =	vsel vm3, $0x1, v2  }
0x420: {  	vm7 =	vmmov @p0 vm3;
	vm1 =	vmmov vm0;
	v29 =	vsel vm6, $0xFFFFFFFF, v2  }
0x421: {  	vm6 =	vmmov vm15;
	v32 =	vsel vm12, $0xFFFFFFFF, v2;
	v34 =	vsel vm14, $0xFFFFFFFF, v2  }
0x422: {  	v36 =	vsel vm13, $0xFFFFFFFF, v2;
	vm13 =	vmmov vm15;
	v16 =	vadd.s32 v15, v16  }
0x423: {  	(xrf0) =	vadd.scan.msk.s32 $0xffff, v12;
	vm12 =	vmmov vm15;
	v9 =	vadd.s32 v16, v14;
	v14 =	vmpcnt.ones.xlane vm8  }
0x424: {  	(xrf0) =	vadd.scan.msk.s32 $0xffff, v25;
	v25 =	vsel vm5, $0x1, v2;
	v10 =	vadd.s32 v9, v8;
	v8 =	vmpcnt.ones.xlane vm10  }
0x425: {  	vm6 =	vmmov @p0 vm1;
	(xrf0) =	vadd.scan.msk.s32 $0xffff, v26;
	v11 =	vadd.s32 v10, v14;
	v14 =	vmpcnt.ones.xlane vm9  }
0x426: {  	v30 =	vsel vm7, $0xFFFFFFFF, v2;
	(xrf0) =	vadd.scan.msk.s32 $0xffff, v27;
	v13 =	vadd.s32 v11, v8;
	v8 =	vmpcnt.ones.xlane vm5  }
0x427: {  	v26 =	vsel vm0, $0x1, v2;
	vm0 =	vmmov vm15;
	(xrf0) =	vadd.scan.msk.s32 $0xffff, v28;
	v14 =	vadd.s32 v13, v14  }
0x428: {  	v55 =	vld [tilespmem:s26+$0x30];
	v16 =	vadd.s32 v30, v16;
	vm0 =	vmmov @p0 vm5;
	v12 =	vadd.s32 v14, v8  }
0x429: {  	v28 =	vld [tilespmem:s26+$0xFFFFFFF0];
	v37 =	vsel vm0, $0xFFFFFFFF, v2;
	v31, _, _ =	vpop (xrf0);
	v8 =	vadd.s32 v12, v17;
	v17 =	vsel vm9, $0x1, v2  }
0x42a: {  	v10 =	vadd.s32 v32, v10;
	v34 =	vadd.s32 v34, v13;
	v13 =	vsel vm6, $0xFFFFFFFF, v2;
	v35, _, _ =	vpop (xrf0);
	(xrf0) =	vadd.scan.msk.s32 $0xffff, v17;
	v17 =	vld [tilespmem:s26+$0x0]  }
0x42b: {  	v33 =	vld [tilespmem:s26+$0x10];
	v11 =	vadd.s32 v36, v11;
	v14 =	vadd.s32 v37, v14;
	v39, _, _ =	vpop (xrf0);
	v13 =	vadd.s32 v13, v12;
	(xrf0) =	vadd.scan.msk.s32 $0xffff, v25  }
0x42c: {  	v38 =	vld [tilespmem:s26+$0x20];
	v12 =	vadd.s32 v29, v15;
	v30 =	vadd.s32 v35, v16;
	v56, _, _ =	vpop (xrf0);
	v25 =	vsel vm11, $0xFFFFFFFF, v2  }
0x42d: {  	v29 =	vadd.s32 v31, v12;
	v15, _, _ =	vpop (xrf0);
	v32 =	vadd.s32 v56, v10;
	v9 =	vadd.s32 v25, v9;
	v25 =	vld [tilespmem:s26+$0xFFFFFFC0]  }
0x42e: {  	v27 =	vld [tilespmem:s26+$0xFFFFFFE0];
	v10 =	vshra.s32 v28, $0x1F;
	vm11 =	vmmov vm15;
	v58 =	vadd.s32 v15, v11  }
0x42f: {  	v15 =	vshra.s32 v55, $0x1F;
	v10 =	vand.u32 $0x7FFFFFFF, v10;
	v11 =	vshra.s32 v17, $0x1F  }
0x430: {  	v31 =	vadd.s32 v39, v9;
	v43 =	vand.u32 $0x7FFFFFFF, v15;
	v12, _, _ =	vpop (xrf0);
	v41 =	vand.u32 $0x7FFFFFFF, v11  }
0x431: {  	v11 =	vxor.u32 v28, v10;
	v9, _, _ =	vpop (xrf0);
	v34 =	vadd.s32 v12, v34;
	v12 =	vshra.s32 v33, $0x1F  }
0x432: {  	v16 =	vshra.s32 v25, $0x1F;
	v10 =	vxor.u32 v17, v41;
	v59 =	vadd.s32 v9, v14  }
0x433: {  	v9 =	vshra.s32 v27, $0x1F;
	v14 =	vshra.s32 v38, $0x1F;
	v42 =	vand.u32 $0x7FFFFFFF, v12  }
0x434: {  	v15 =	vand.u32 $0x7FFFFFFF, v16;
	v28 =	vshra.s32 v10, $0x12;
	v9 =	vand.u32 $0x7FFFFFFF, v9  }
0x435: {  	v14 =	vand.u32 $0x7FFFFFFF, v14;
	v17 =	vxor.u32 v25, v15;
	v15 =	vxor.u32 v57, v40  }
0x436: {  	v28 =	vadd.s32 $0x2000, v28;
	v12 =	vxor.u32 v27, v9;
	v9 =	vxor.u32 v33, v42  }
0x437: {  	v16 =	vxor.u32 v38, v14;
	v14 =	vxor.u32 v55, v43;
	v27 =	vshra.s32 v11, $0x12  }
0x438: {  	[tilespmem:v30+s17+$0x0] =	vst.idx.msk vm3, v21;
	v61 =	vshra.s32 v17, $0x12;
	v40 =	vshra.s32 v15, $0x12;
	vm3 =	veq.s32 v28, v7  }
0x439: {  	v25 =	vshra.s32 v12, $0x12;
	v33 =	vshra.s32 v9, $0x12;
	v60 =	vshra.s32 v16, $0x12  }
0x43a: {  	(xrf0) =	vadd.scan.msk.s32 $0xffff, v26;
	v37 =	vshra.s32 v14, $0x12;
	v38 =	vadd.s32 $0x2000, v61;
	v27 =	vadd.s32 $0x2000, v27  }
0x43b: {  	[tilespmem:v29+s17+$0x0] =	vst.idx.msk vm4, v24;
	v62 =	vadd.s32 $0x2000, v40;
	v30 =	vsel vm3, $0x1, v2;
	v25 =	vadd.s32 $0x2000, v25  }
0x43c: {  	[tilespmem:v32+s17+$0x0] =	vst.idx.msk vm8, v22;
	vm7 =	veq.s32 v38, v7;
	v33 =	vadd.s32 $0x2000, v33;
	vm6 =	veq.s32 v62, v7  }
0x43d: {  	[tilespmem:v31+s17+$0x0] =	vst.idx.msk vm2, v23;
	v36 =	vadd.s32 $0x2000, v60;
	v26 =	vmpcnt.ones.xlane vm7;
	v24 =	vmpcnt.ones.xlane vm6  }
0x43e: {  	vm4 =	veq.s32 v25, v7;
	v25 =	vadd.s32 $0x2000, v37;
	[tilespmem:v59+s17+$0x0] =	vst.idx.msk vm5, v20;
	vm5 =	veq.s32 v27, v7  }
0x43f: {  	[tilespmem:v34+s17+$0x0] =	vst.idx.msk vm9, v18;
	vm2 =	veq.s32 v33, v7;
	vm8 =	veq.s32 v36, v7;
	v18 =	vsel vm7, $0x1, v2  }
0x440: {  	v28 =	vsel vm6, $0x1, v2;
	v20 =	vadd.s32 v8, v26;
	v26 =	vmpcnt.ones.xlane vm4  }
0x441: {  	vm13 =	vmmov @p0 vm7;
	v21 =	vadd.s32 v20, v24;
	v24 =	vmpcnt.ones.xlane vm5  }
0x442: {  	vm11 =	vmmov @p0 vm6;
	v23 =	vadd.s32 v21, v26;
	v26 =	vmpcnt.ones.xlane vm3  }
0x443: {  	[tilespmem:v58+s17+$0x0] =	vst.idx.msk vm10, v19;
	v27 =	vmpcnt.ones.xlane vm2;
	v19 =	vmpcnt.ones.xlane vm8;
	v22 =	vadd.s32 v23, v24  }
0x444: {  	vm10 =	veq.s32 v25, v7;
	v31 =	vsel vm4, $0x1, v2;
	(xrf0) =	vadd.scan.msk.s32 $0xffff, v18;
	v24 =	vadd.s32 v22, v26  }
0x445: {  	v63 =	vsel vm5, $0x1, v2;
	(xrf0) =	vadd.scan.msk.s32 $0xffff, v28;
	v26 =	vadd.s32 v24, v27;
	v27 =	vmpcnt.ones.xlane vm10  }
0x446: {  	v29 =	vsel vm2, $0x1, v2;
	vm12 =	vmmov @p0 vm4;
	(xrf0) =	vadd.scan.msk.s32 $0xffff, v31;
	v25 =	vadd.s32 v26, v19  }
0x447: {  	s28 =	simm.s32 $0x8140;
	s25 =	sxor.u32 $0x80000000, s31;
	s26 =	simm.s32 $0x8;
	v28 =	vsel vm8, $0x1, v2;
	v18, _, _ =	vpop (xrf0);
	(xrf0) =	vadd.scan.msk.s32 $0xffff, v63;
	v19 =	vadd.s32 v25, v27;
	v27 =	vsel vm10, $0x1, v2  }
.LBB2_59:
0x448: {  	vm0 =	vmmov vm15;
	vm14 =	vmmov vm15  }
0x449: {  	vm15 =	vmxor vm15, vm15;
	vm9 =	vmmov vm1;
	vm1 =	vmmov vm10  }
0x44a: {  	v32 =	vsel vm13, $0xFFFFFFFF, v2;
	vm10 =	vmxor vm10, vm10;
	vm13 =	vmxor vm13, vm13  }
0x44b: {  	v33 =	vsel vm11, $0xFFFFFFFF, v2;
	v34 =	vsel vm12, $0xFFFFFFFF, v2;
	vm0 =	vmmov @p0 vm5  }
0x44c: {  	v31 =	vld [tilespmem:s28+$0xFFFFFFE0];
	(xrf0) =	vadd.scan.msk.s32 $0xffff, v30;
	vm14 =	vmmov @p0 vm3;
	vm15 =	vmmov @p0 vm2;
	vm10 =	vmmov @p0 vm8  }
0x44d: {  	vm13 =	vmmov @p0 vm1;
	v20 =	vadd.s32 v33, v20;
	v21 =	vadd.s32 v34, v21;
	v30 =	vld [tilespmem:s28+$0xFFFFFFF0];
	(xrf0) =	vadd.scan.msk.s32 $0xffff, v29  }
0x44e: {  	v35 =	vsel vm0, $0xFFFFFFFF, v2;
	v37 =	vsel vm14, $0xFFFFFFFF, v2;
	v38 =	vsel vm15, $0xFFFFFFFF, v2;
	v29 =	vld [tilespmem:s28+$0x0];
	v36, _, _ =	vpop (xrf0);
	(xrf0) =	vadd.scan.msk.s32 $0xffff, v28  }
0x44f: {  	vm15 =	vmxor vm15, vm15;
	v41 =	vsel vm10, $0xFFFFFFFF, v2;
	v24 =	vadd.s32 v38, v24;
	v28 =	vld [tilespmem:s28+$0x10];
	v40, _, _ =	vpop (xrf0);
	(xrf0) =	vadd.scan.msk.s32 $0xffff, v27  }
0x450: {  	v26 =	vadd.s32 v41, v26;
	v38 =	vsel vm13, $0xFFFFFFFF, v2;
	v23 =	vadd.s32 v35, v23;
	v27 =	vld [tilespmem:s28+$0x20];
	v39, _, _ =	vpop (xrf0)  }
0x451: {  	v22 =	vadd.s32 v37, v22;
	vm13 =	vmmov vm15;
	v25 =	vadd.s32 v38, v25;
	v41 =	vld [tilespmem:s28+$0x30];
	v35, _, _ =	vpop (xrf0)  }
0x452: {  	s26 =	sadd.s32 $0x8, s26;
	vm11 =	vmmov vm15;
	vm12 =	vmmov vm15;
	v38 =	vadd.s32 v32, v8;
	v37 =	vld [tilespmem:s28+$0xFFFFFFD0];
	v32, _, _ =	vpop (xrf0)  }
0x453: {  	p1 =	slt.u32 s26, $0x7F8;
	v34 =	vadd.s32 v36, v38;
	v20 =	vadd.s32 v40, v20;
	v36 =	vadd.s32 v18, v13;
	v33 =	vld [tilespmem:s28+$0xFFFFFFC0];
	v8, _, _ =	vpop (xrf0)  }
0x454: {  	v21 =	vadd.s32 v39, v21;
	v23 =	vadd.s32 v35, v23;
	v22 =	vadd.s32 v32, v22;
	v13, _, _ =	vpop (xrf0)  }
0x455: {  	v24 =	vadd.s32 v8, v24;
	v26 =	vadd.s32 v13, v26;
	v18, _, _ =	vpop (xrf0);
	v13 =	vmov v25  }
0x456: {  	v32 =	vshra.s32 v30, $0x1F;
	v35 =	vshra.s32 v29, $0x1F;
	v8 =	vmovc v19;
	v25 =	vshra.s32 v31, $0x1F  }
0x457: {  	v38 =	vshra.s32 v28, $0x1F;
	v39 =	vshra.s32 v27, $0x1F;
	v40 =	vshra.s32 v41, $0x1F  }
0x458: {  	v25 =	vand.u32 $0x7FFFFFFF, v25;
	v43 =	vshra.s32 v37, $0x1F;
	v42 =	vshra.s32 v33, $0x1F;
	[tilespmem:v36+s17+$0x0] =	vst.idx.msk vm9, v5;
	v5 =	vmovc v14  }
0x459: {  	v14 =	vand.u32 $0x7FFFFFFF, v32;
	v32 =	vand.u32 $0x7FFFFFFF, v35;
	v35 =	vand.u32 $0x7FFFFFFF, v38;
	[tilespmem:v34+s17+$0x0] =	vst.idx.msk vm7, v17  }
0x45a: {  	v36 =	vand.u32 $0x7FFFFFFF, v40;
	v34 =	vand.u32 $0x7FFFFFFF, v43;
	v17 =	vand.u32 $0x7FFFFFFF, v39;
	[tilespmem:v26+s17+$0x0] =	vst.idx.msk vm8, v16  }
0x45b: {  	v25 =	vxor.u32 v31, v25;
	v30 =	vxor.u32 v30, v14;
	v26 =	vand.u32 $0x7FFFFFFF, v42;
	[tilespmem:v20+s17+$0x0] =	vst.idx.msk vm6, v15  }
0x45c: {  	v28 =	vxor.u32 v28, v35;
	v16 =	vxor.u32 v27, v17;
	v20 =	vxor.u32 v29, v32  }
0x45d: {  	v14 =	vxor.u32 v41, v36;
	v17 =	vxor.u32 v33, v26;
	v15 =	vxor.u32 v37, v34  }
0x45e: {  	v27 =	vshra.s32 v30, $0x12;
	v26 =	vshra.s32 v25, $0x12;
	v29 =	vshra.s32 v20, $0x12;
	[tilespmem:v21+s17+$0x0] =	vst.idx.msk vm4, v12;
	v12 =	vmovc v25  }
0x45f: {  	v31 =	vshra.s32 v14, $0x12;
	v21 =	vshra.s32 v28, $0x12;
	v25 =	vshra.s32 v16, $0x12;
	[tilespmem:v23+s17+$0x0] =	vst.idx.msk vm5, v11;
	v11 =	vmovc v30  }
0x460: {  	v26 =	vadd.s32 $0x2000, v26;
	v23 =	vshra.s32 v17, $0x12;
	v30 =	vshra.s32 v15, $0x12;
	[tilespmem:v22+s17+$0x0] =	vst.idx.msk vm3, v10;
	v10 =	vmovc v20  }
0x461: {  	v20 =	vadd.s32 $0x2000, v23;
	v22 =	vadd.s32 $0x2000, v27;
	v23 =	vadd.s32 $0x2000, v29;
	[tilespmem:v24+s17+$0x0] =	vst.idx.msk vm2, v9;
	v9 =	vmovc v28  }
0x462: {  	vm7 =	veq.s32 v20, v7;
	v20 =	vadd.s32 $0x2000, v30;
	v24 =	vadd.s32 $0x2000, v21  }
0x463: {  	v25 =	vadd.s32 $0x2000, v25;
	v21 =	vmpcnt.ones.xlane vm7;
	vm6 =	veq.s32 v20, v7  }
0x464: {  	vm4 =	veq.s32 v26, v7;
	v26 =	vadd.s32 $0x2000, v31;
	v27 =	vmpcnt.ones.xlane vm6  }
0x465: {  	vm5 =	veq.s32 v22, v7;
	v20 =	vadd.s32 v19, v21;
	v19 =	vmpcnt.ones.xlane vm4  }
0x466: {  	vm3 =	veq.s32 v23, v7;
	v22 =	vmpcnt.ones.xlane vm5;
	v21 =	vadd.s32 v20, v27  }
0x467: {  	vm2 =	veq.s32 v24, v7;
	v23 =	vadd.s32 v21, v19;
	v19 =	vmpcnt.ones.xlane vm3  }
0x468: {  	vm8 =	veq.s32 v25, v7;
	v27 =	vmpcnt.ones.xlane vm2;
	v22 =	vadd.s32 v23, v22  }
0x469: {  	vm10 =	veq.s32 v26, v7;
	v24 =	vadd.s32 v22, v19;
	v19 =	vmpcnt.ones.xlane vm8  }
.Ltmp36:
0x46a: {  	v28 =	vsel vm7, $0x1, v2;
	v26 =	vadd.s32 v24, v27;
	v27 =	vmpcnt.ones.xlane vm10;
	(pc) =	sbr.rel @p1 .LBB2_59-.Ltmp36, $4  }
0x46b: {  	v31 =	vsel vm4, $0x1, v2;
	v29 =	vsel vm6, $0x1, v2;
	v25 =	vadd.s32 v26, v19;
	(xrf0) =	vadd.scan.msk.s32 $0xffff, v28  }
0x46c: {  	v32 =	vsel vm5, $0x1, v2;
	v30 =	vsel vm3, $0x1, v2;
	v19 =	vadd.s32 v25, v27;
	(xrf0) =	vadd.scan.msk.s32 $0xffff, v29  }
0x46d: {  	v28 =	vsel vm8, $0x1, v2;
	v27 =	vsel vm10, $0x1, v2;
	v29 =	vsel vm2, $0x1, v2;
	(xrf0) =	vadd.scan.msk.s32 $0xffff, v31  }
0x46e: {  	s28 =	sadd.s32 $0x80, s28;
	vm12 =	vmmov @p0 vm4;
	vm13 =	vmmov @p0 vm7;
	vm11 =	vmmov @p0 vm6;
	(xrf0) =	vadd.scan.msk.s32 $0xffff, v32  }
0x46f: {  	s24 =	ssub.s32 $0xCCC, s24  }
0x470: {  	v4 =	vadd.s32 s24, v4  }
0x471: {  	(xrf0) =	vadd.scan.msk.s32 $0xffff, v30;
	v4 =	vsub.s32 v4, v6;
	v6 =	vmov s25  }
0x472: {  	(xrf0) =	vadd.scan.msk.s32 $0xffff, v29  }
0x473: {  	v7, _, _ =	vpop (xrf0);
	(xrf0) =	vadd.scan.msk.s32 $0xffff, v28;
	vm0 =	veq.s32 v6, v1;
	v4 =	vxor.u32 $0x80000000, v4  }
0x474: {  	v4 =	vnsel vm0, $0x0, v4;
	v6, _, _ =	vpop (xrf0);
	(xrf0) =	vadd.scan.msk.s32 $0xffff, v27  }
0x475: {  	v51, _, _ =	vpop (xrf0);
	(xrf0) =	vmax.scan.msk.u32 $0xffff, v4;
	v4 =	vxor.u32 $0x80000000, v19;
	_ =	sdelay $0x1  }
0x476: {  	v52, _, _ =	vpop (xrf0);
	(xrf0) =	vmax.scan.msk.u32 $0xffff, v4  }
0x477: {  	v4, _, _ =	vpop (xrf0)  }
0x478: {  	v53, _, _ =	vpop (xrf0)  }
0x479: {  	v54, _, _ =	vpop (xrf0)  }
0x47a: {  	v55, _, _ =	vpop (xrf0)  }
0x47b: {  	v31, _, _ =	vpop (xrf0)  }
0x47c: {  	(v2sf) =	vpush v31, $0xF;
	v56, _, _ =	vpop (xrf0)  }
0x47d: {  	(v2sf) =	vpush v56, $0xF;
	_ =	sdelay $0x4  }
0x47e: {  	v57 =	vsel vm13, $0xFFFFFFFF, v2  }
0x47f: {  	v32 =	vsel vm11, $0xFFFFFFFF, v2;
	vm9 =	vmmov vm15;
	v33 =	vsel vm12, $0xFFFFFFFF, v2  }
0x480: {  	vm1 =	vmmov vm1;
	v13 =	vadd.s32 v18, v13;
	vm9 =	vmmov @p0 vm8  }
0x481: {  	v8 =	vadd.s32 v57, v8;
	v59 =	vadd.s32 v32, v20;
	vm0 =	vmmov vm15  }
0x482: {  	v21 =	vadd.s32 v33, v21;
	v35 =	vsel vm9, $0xFFFFFFFF, v2;
	vm0 =	vmmov @p0 vm5  }
0x483: {  	vm9 =	vmmov vm10;
	v34 =	vsel vm0, $0xFFFFFFFF, v2;
	vm0 =	vmmov vm15  }
0x484: {  	v7 =	vadd.s32 v7, v8;
	v6 =	vadd.s32 v6, v59;
	vm0 =	vmmov @p0 vm3  }
0x485: {  	v23 =	vadd.s32 v34, v23;
	v58 =	vsel vm0, $0xFFFFFFFF, v2;
	vm0 =	vmmov vm15  }
0x486: {  	v21 =	vadd.s32 v51, v21;
	v62 =	vadd.s32 v52, v23;
	vm0 =	vmmov @p0 vm2  }
0x487: {  	[tilespmem:v13+s17+$0x0] =	vst.idx.msk vm1, v5;
	v5 =	vadd.s32 v58, v22;
	v61 =	vsel vm0, $0xFFFFFFFF, v2;
	vm0 =	vmmov vm15;
	s30 =	spop (v2sf)  }
0x488: {  	v26 =	vadd.s32 v35, v26;
	v4 =	vadd.s32 v4, v5;
	vm0 =	vmmov @p0 vm9;
	s31 =	spop (v2sf)  }
0x489: {  	[tilespmem:v7+s17+$0x0] =	vst.idx.msk vm7, v17;
	v7 =	vadd.s32 v61, v24;
	v60 =	vadd.s32 v54, v26;
	v63 =	vsel vm0, $0xFFFFFFFF, v2;
	s26 =	sadd.s32 $0x8000000F, s31  }
0x48a: {  	[tilespmem:v6+s17+$0x0] =	vst.idx.msk vm6, v15;
	v7 =	vadd.s32 v53, v7;
	v5 =	vadd.s32 v63, v25;
	s28 =	sand.u32 $0xF, s26  }
0x48b: {  	[tilespmem:v21+s17+$0x0] =	vst.idx.msk vm4, v12;
	v5 =	vadd.s32 v55, v5;
	p2 =	slt.s32 s26, $0x1;
	p1 =	sne.s32 s28, $0x0;
	s28 =	sshra.s32 s26, $0x1F  }
.Ltmp37:
0x48c: {  	[tilespmem:v62+s17+$0x0] =	vst.idx.msk vm5, v11;
	s28 =	sshrl.u32 s28, $0x1C;
	p1 =	por !p2, !p1;
	(pc) =	sbr.rel .LBB2_61-.Ltmp37, $4  }
0x48d: {  	[tilespmem:v4+s17+$0x0] =	vst.idx.msk vm3, v10;
	s26 =	sadd.s32 s28, s26;
	p1 =	por !p1, !p1;
	s28 =	simm.s32 $0x1  }
0x48e: {  	s23 =	sshll.u32 s23, $0x12;
	[tilespmem:v60+s17+$0x0] =	vst.idx.msk vm8, v16;
	s26 =	sshra.s32 s26, $0x4;
	s28 =	simm.s32 @!p1 $0x0  }
0x48f: {  	s23 =	sxor.u32 $0x80000000, s23;
	[tilespmem:v7+s17+$0x0] =	vst.idx.msk vm2, v9;
	s25 =	sxor.u32 $0x80000000, s31;
	s26 =	ssub.s32 s26, s28  }
0x490: {  	vm11 =	vmmov vm9;
	[tilespmem:v5+s17+$0x0] =	vst.idx.msk vm9, v14;
	s24 =	sxor.u32 $0x80000000, s30;
	v4 =	vmov s25;
	s28 =	simm.s32 $0x0;
	p1 =	slt.s32 s26, $0x1  }
.LBB2_62:
0x491: {  	v5 =	vimm.s32 $0x0  }
.LBB2_66:
0x492: {  	(xrf0) =	vadd.scan.msk.s32 $0xffff, v5;
	_ =	sdelay $0x5  }
0x493: {  	v5, _, _ =	vpop (xrf0)  }
0x494: {  	(v2sf) =	vpush v5, $0xF;
	_ =	sdelay $0xe  }
0x495: {  	s29 =	spop (v2sf)  }
0x496: {  	s28 =	sadd.s32 $0x1, s28;
	p2 =	slt.s32 s29, s24  }
0x497: {  	s25 =	smov.u32 @p2 s23;
	p2 =	sne.s32 s28, $0x12  }
.Ltmp38:
0x498: {  	_ = 	snop;
	(pc) =	sbr.rel @!p2 .LBB2_67-.Ltmp38, $2  }
0x499: {  	_ =	sdelay $0x2  }
0x49a: {  	s23 =	smov.u32 s25  }
.LBB2_61:
.Ltmp39:
0x49b: {  	(pc) =	sbr.rel @p1 .LBB2_62-.Ltmp39, $3  }
0x49c: {  	_ =	sdelay $0x1  }
0x49d: {  	s25 =	sshrl.u32 s18, s28  }
0x49e: {  	s25 =	sor.u32 s25, s23  }
0x49f: {  	s29 =	simm.s32 $0x14000  }
0x4a0: {  	p2 =	sne.s32 s26, $0x1;
	v7 =	vld [tilespmem:s29+$0x0]  }
.Ltmp40:
0x4a1: {  	_ = 	snop;
	(pc) =	sbr.rel @!p2 .LBB2_65-.Ltmp40, $4  }
0x4a2: {  	_ = 	snop  }
0x4a3: {  	s29 =	simm.s32 $0x0  }
0x4a4: {  	v6 =	vmov s25;
	v8 =	vor.u32 s29, v1  }
0x4a5: {  	v5 =	vimm.s32 $0x0;
	s30 =	sadd.s32 $0xFFFFFFFF, s26;
	s31 =	simm.s32 $0x14010;
	vm1 =	vlt.s32 v8, v4;
	vm2 =	vge.s32 v7, v6  }
.LBB2_64:
0x4a6: {  	v7 =	vld [tilespmem:s31+$0x0];
	p2 =	sne.s32 s30, $0x1;
	s30 =	sadd.s32 $0xFFFFFFFF, s30;
	vm0 =	vmand vm1, vm2  }
.Ltmp41:
0x4a7: {  	v8 =	vsel vm0, $0x1, v2;
	(pc) =	sbr.rel @p2 .LBB2_64-.Ltmp41, $4  }
0x4a8: {  	v5 =	vadd.s32 v8, v5  }
0x4a9: {  	s29 =	sadd.s32 $0x10, s29  }
0x4aa: {  	v8 =	vor.u32 s29, v1  }
0x4ab: {  	s31 =	sadd.s32 $0x10, s31;
	vm1 =	vlt.s32 v8, v4;
	vm2 =	vge.s32 v7, v6  }
.LBB2_65:
.Ltmp42:
0x4ac: {  	(pc) =	sbr.rel .LBB2_66-.Ltmp42, $4  }
0x4ad: {  	_ = 	snop  }
0x4ae: {  	vm0 =	vmand vm1, vm2  }
0x4af: {  	v6 =	vsel vm0, $0x1, v2  }
0x4b0: {  	v5 =	vadd.s32 v6, v5  }
.LBB2_67:
0x4b1: {  	s23 =	simm.s32 $0x8040  }
0x4b2: {  	v8 =	vld [tilespmem:s23+$0x30]  }
0x4b3: {  	v4 =	vmov s25;
	v11 =	vld [tilespmem:s23+$0xFFFFFFD0]  }
0x4b4: {  	v4 =	vshra.s32 v4, $0x1F;
	v10 =	vld [tilespmem:s23+$0xFFFFFFE0]  }
0x4b5: {  	v9 =	vld [tilespmem:s23+$0xFFFFFFF0];
	v4 =	vand.u32 $0x7FFFFFFF, v4  }
0x4b6: {  	v7 =	vld [tilespmem:s23+$0x0];
	v4 =	vxor.u32 s25, v4  }
0x4b7: {  	v6 =	vld [tilespmem:s23+$0x10];
	vm0 =	vge.f32 v8, v4  }
0x4b8: {  	v5 =	vld [tilespmem:s23+$0x20];
	vm1 =	vge.f32 v11, v4;
	v12 =	vnsel vm0, $0x0, v8  }
0x4b9: {  	s24 =	simm.s32 $0x0;
	s25 =	simm.s32 $0x80C0;
	v8 =	vld [tilespmem:s23+$0xFFFFFFC0];
	v11 =	vnsel vm1, $0x0, v11;
	vm1 =	vge.f32 v10, v4;
	[tilespmem:s23+$0x30] =	vst v12  }
.LBB2_68:
0x4ba: {  	v12 =	vld [tilespmem:s25+$0x30];
	s24 =	sadd.s32 $0x8, s24;
	[tilespmem:s23+$0xFFFFFFD0] =	vst v11;
	v10 =	vnsel vm1, $0x0, v10;
	vm0 =	vge.f32 v9, v4  }
0x4bb: {  	v11 =	vld [tilespmem:s25+$0xFFFFFFD0];
	p1 =	slt.u32 s24, $0x7F8;
	[tilespmem:s23+$0xFFFFFFE0] =	vst v10;
	v9 =	vnsel vm0, $0x0, v9;
	vm0 =	vge.f32 v7, v4  }
0x4bc: {  	v10 =	vld [tilespmem:s25+$0xFFFFFFE0];
	[tilespmem:s23+$0xFFFFFFF0] =	vst v9;
	v7 =	vnsel vm0, $0x0, v7;
	vm0 =	vge.f32 v6, v4  }
.Ltmp43:
0x4bd: {  	v9 =	vld [tilespmem:s25+$0xFFFFFFF0];
	[tilespmem:s23+$0x0] =	vst v7;
	v6 =	vnsel vm0, $0x0, v6;
	vm0 =	vge.f32 v5, v4;
	(pc) =	sbr.rel @p1 .LBB2_68-.Ltmp43, $4  }
0x4be: {  	v7 =	vld [tilespmem:s25+$0x0];
	vm1 =	vge.f32 v8, v4;
	[tilespmem:s23+$0x10] =	vst v6;
	v5 =	vnsel vm0, $0x0, v5  }
0x4bf: {  	v6 =	vld [tilespmem:s25+$0x10];
	vm0 =	vge.f32 v12, v4;
	v8 =	vnsel vm1, $0x0, v8;
	[tilespmem:s23+$0x20] =	vst v5  }
0x4c0: {  	vm1 =	vge.f32 v11, v4;
	v5 =	vld [tilespmem:s25+$0x20];
	v12 =	vnsel vm0, $0x0, v12;
	[tilespmem:s23+$0xFFFFFFC0] =	vst v8;
	s23 =	smov.u32 s25  }
0x4c1: {  	s25 =	sadd.s32 $0x80, s25;
	v8 =	vld [tilespmem:s23+$0xFFFFFFC0];
	v11 =	vnsel vm1, $0x0, v11;
	vm1 =	vge.f32 v10, v4;
	[tilespmem:s23+$0x30] =	vst v12  }
0x4c2: {  	[tilespmem:s23+$0xFFFFFFD0] =	vst v11;
	v10 =	vnsel vm1, $0x0, v10;
	vm0 =	vge.f32 v9, v4  }
0x4c3: {  	[tilespmem:s23+$0xFFFFFFE0] =	vst v10;
	v9 =	vnsel vm0, $0x0, v9;
	vm8 =	vge.f32 v7, v4  }
0x4c4: {  	[tilespmem:s23+$0xFFFFFFF0] =	vst v9;
	v7 =	vnsel vm8, $0x0, v7;
	vm9 =	vge.f32 v6, v4  }
0x4c5: {  	[tilespmem:s23+$0x0] =	vst v7;
	v6 =	vnsel vm9, $0x0, v6;
	vm10 =	vge.f32 v5, v4  }
0x4c6: {  	s22 =	sadd.s32 $0x1, s22;
	vm11 =	vge.f32 v8, v4;
	[tilespmem:s23+$0x10] =	vst v6;
	v4 =	vnsel vm10, $0x0, v5  }
0x4c7: {  	p1 =	sne.s32 s22, s11;
	v5 =	vnsel vm11, $0x0, v8;
	[tilespmem:s23+$0x20] =	vst v4  }
.Ltmp44:
0x4c8: {  	[tilespmem:s23+$0xFFFFFFC0] =	vst v5;
	(pc) =	sbr.rel @p1 .LBB2_1-.Ltmp44, $4  }
0x4c9: {  	[hbm4b:s10+s12] =	stream.strided.scatter [tilespmem:s14], [sflag:$0x4], $0x8000, s13, s12, $0x38;
	[tilespmem:$0x1C080] =	vst v63  }
0x4ca: {  	_ =	swait.ge [sflag:s21], $0x8000  }
0x4cb: {  	[sflag:s21] =	ssyncset.done $0x0  }
0x4cc: {  	[sflag:s21] =	ssyncadd.s32 $0xFFFF8000  }
0x4cd: {  	_ =	sfence.sel $0x180000  }
0x4ce: {  	[bflag:$0x0] =	sbarrier.arrive $0xFFFF  }
0x4cf: {  	p0 =	sne.s32 s2, $0x0;
	_ =	strace $0x90000047  }
0x4d0: {  	s0 =	sadd.s32 @!p0 $0x100000, s0;
	[bflag:$0x2] =	sbarrier.arrive $0xFFFF  }
0x4d1: {  	[sflag:s0] =	ssyncadd.tile.s32 @!p0 $0x1;
	_ =	shalt  }
.Lfunc_end2:
_tile_overlayer_lowered:
.L_overlay_start_2:
0x4d2: {  	(tag) =	ssettag $0x2  }
0x4d3: {  	s0 =	rddreg [dreg:$0x0];
	s2 =	stileid.u32  }
0x4d4: {  	s1 =	rddreg [dreg:$0x1];
	p0 =	sne.s32 s2, $0x0  }
0x4d5: {  	s3 =	rddreg [dreg:$0x2];
	[bflag:$0x3] =	sbarrier.arrive $0xFFFF;
	s2 =	simm.s32 @!p0 $0x1C05  }
0x4d6: {  	[timem:s3], [sflag:s2] =	dma.local @!p0 [hbm:s0], s1  }
0x4d7: {  	s0 =	simm.s32 @!p0 $0x5  }
0x4d8: {  	_ =	swait.ge @!p0 [sflag:s0], s1  }
0x4d9: {  	s1 =	ssub.s32 @!p0 $0x0, s1;
	[sflag:s0] =	ssyncset.done @!p0 $0x0  }
0x4da: {  	[sflag:s0] =	ssyncadd.s32 @!p0 s1  }
0x4db: {  	[bflag:$0x3] =	sbarrier.arrive $0xFFFF  }
0x4dc: {  	_ =	shalt  }

</sc_bundles>
